<compile_context>
chip_gen: v7x
topology: tpu7x:2x2x1
jax: 0.10.2.dev20260603
libtpu: 0.0.44.dev20260713+nightly
codegen_flags: <defaults>
</compile_context>

<pallas_src>
import jax
import jax.numpy as jnp
from jax import lax
from jax.experimental import pallas as pl
from jax.experimental.pallas import tpu as pltpu
from jax.experimental.pallas import tpu_sc as plsc

_MARGIN = 0.1
_N = 4096

_R_SC = 768
_R_TC = _N - _R_SC

_L = 16
_NC = 2
_NS = 16
_NW = _NC * _NS
_RPW = _R_SC // _NW
_CHUNK = 4
_NCH = _RPW // _CHUNK
_SLICES = _N // _L
_UNROLL = 4

_BM = 256
_NBLK_TC = _R_TC // _BM

assert _R_SC % (_NW * _CHUNK) == 0 and _NCH % 2 == 0
assert _R_TC % _BM == 0


def _sc_body(cos_hbm, mask_hbm, out_hbm, cos_buf, mask_buf, res_buf,
             sem0, sem1):
    cid = lax.axis_index("c")
    sid = lax.axis_index("s")
    wid = sid * _NC + cid
    base = _R_TC + wid * _RPW
    lane = lax.iota(jnp.int32, _L)
    zero = jnp.zeros((_L,), jnp.float32)
    sems = (sem0, sem1)

    def start_chunk(k, b):
        r0 = base + k * _CHUNK
        pltpu.make_async_copy(
            cos_hbm.at[pl.ds(r0, _CHUNK)], cos_buf.at[b], sems[b]).start()
        pltpu.make_async_copy(
            mask_hbm.at[pl.ds(r0, _CHUNK)], mask_buf.at[b], sems[b]).start()

    def wait_chunk(b):
        pltpu.make_async_copy(
            cos_hbm.at[pl.ds(base, _CHUNK)], cos_buf.at[b], sems[b]).wait()
        pltpu.make_async_copy(
            mask_hbm.at[pl.ds(base, _CHUNK)], mask_buf.at[b], sems[b]).wait()

    def compute_chunk(b, acc):
        for r in range(_CHUNK):
            def islice(j, c4):
                s_m, s_cm, s_r, s_rm = c4
                for u in range(_UNROLL):
                    sl = pl.ds((j * _UNROLL + u) * _L, _L)
                    c = cos_buf[b, r, sl]
                    mf = mask_buf[b, r, sl].astype(jnp.float32)
                    s_m = s_m + mf
                    s_cm = s_cm + c * mf
                    rr = jnp.maximum(c - _MARGIN, 0.0)
                    s_r = s_r + rr
                    s_rm = s_rm + rr * mf
                return (s_m, s_cm, s_r, s_rm)

            s_m, s_cm, s_r, s_rm = lax.fori_loop(
                0, _SLICES // _UNROLL, islice, (zero, zero, zero, zero))
            cnt = jnp.sum(s_m)
            scm = jnp.sum(s_cm)
            sr = jnp.sum(s_r)
            srm = jnp.sum(s_rm)
            is0 = lane == 0
            num = jnp.where(is0, cnt - scm, sr - srm)
            den = jnp.where(is0, cnt, jnp.float32(_N) - cnt)
            acc = acc + jnp.where(lane < 2, num / den, 0.0)
        return acc

    start_chunk(0, 0)
    start_chunk(1, 1)

    def pair_body(j, acc):
        for b in (0, 1):
            k = j * 2 + b
            wait_chunk(b)
            acc = compute_chunk(b, acc)

            @pl.when(k + 2 < _NCH)
            def _():
                start_chunk(k + 2, b)
        return acc

    acc = lax.fori_loop(0, _NCH // 2, pair_body, zero)
    res_buf[...] = acc
    pltpu.sync_copy(res_buf, out_hbm.at[wid])


def _sc_partials(cos_pred, mask_gt):
    mesh = plsc.VectorSubcoreMesh(
        core_axis_name="c", subcore_axis_name="s",
        num_cores=_NC, num_subcores=_NS)
    run = pl.kernel(
        _sc_body,
        out_type=jax.ShapeDtypeStruct((_NW, _L), jnp.float32),
        mesh=mesh,
        scratch_types=[
            pltpu.VMEM((2, _CHUNK, _N), jnp.float32),
            pltpu.VMEM((2, _CHUNK, _N), jnp.int32),
            pltpu.VMEM((_L,), jnp.float32),
            pltpu.SemaphoreType.DMA,
            pltpu.SemaphoreType.DMA,
        ],
        compiler_params=pltpu.CompilerParams(
            needs_layout_passes=False, skip_device_barrier=True),
    )
    return run(cos_pred, mask_gt)


def _tc_body(cos_ref, mask_ref, out_ref, acc_ref):
    i = pl.program_id(0)

    @pl.when(i == 0)
    def _init():
        acc_ref[0] = 0.0
        acc_ref[1] = 0.0

    c = cos_ref[...]
    m = mask_ref[...].astype(jnp.float32)
    cnt_t = jnp.sum(m, axis=1, keepdims=True)
    cnt_nt = _N - cnt_t
    lt_num = jnp.sum((1.0 - c) * m, axis=1, keepdims=True)
    r = jnp.maximum(c - _MARGIN, 0.0)
    lnt_num = jnp.sum(r, axis=1, keepdims=True) - jnp.sum(
        r * m, axis=1, keepdims=True)
    acc_ref[0] += jnp.sum(lt_num / cnt_t)
    acc_ref[1] += jnp.sum(lnt_num / cnt_nt)

    @pl.when(i == _NBLK_TC - 1)
    def _emit():
        out_ref[0] = acc_ref[0]
        out_ref[1] = acc_ref[1]


def _tc_partials(cos_pred, mask_gt):
    return pl.pallas_call(
        _tc_body,
        grid=(_NBLK_TC,),
        in_specs=[
            pl.BlockSpec((_BM, _N), lambda i: (i, 0)),
            pl.BlockSpec((_BM, _N), lambda i: (i, 0)),
        ],
        out_specs=pl.BlockSpec(memory_space=pltpu.SMEM),
        out_shape=jax.ShapeDtypeStruct((2,), jnp.float32),
        scratch_shapes=[pltpu.SMEM((2,), jnp.float32)],
        compiler_params=pltpu.CompilerParams(skip_device_barrier=True),
    )(cos_pred, mask_gt)


def kernel(cos_pred, mask_gt):
    sc = _sc_partials(cos_pred, mask_gt)
    tc = _tc_partials(cos_pred, mask_gt)
    lt_mean = (tc[0] + jnp.sum(sc[:, 0])) / _N
    lnt_mean = (tc[1] + jnp.sum(sc[:, 1])) / _N
    return ((lt_mean + lnt_mean) * 0.5, lt_mean, lnt_mean)

# --- scband reference (transcript-rebuilt; emitter-appended) ---
"""Pipeline reference for scband-ranker-emb-loss-8486855377002 (READ-ONLY COPY).

The authoritative reference and input builder live on the scoring server;
editing this copy changes nothing except your own understanding.
"""

import jax, jax.numpy as jnp
import numpy as np

MARGIN = 0.1

def setup_inputs(seed: int = 0) -> dict:
    key = jax.random.key(seed)
    k1, k2 = jax.random.split(key)
    cos_pred = jax.random.uniform(k1, (4096, 4096), dtype=jnp.float32)
    mask_gt = jax.random.randint(k2, (4096, 4096), 0, 2, dtype=jnp.int64)
    return {"cos_pred": cos_pred, "mask_gt": mask_gt}

def reference(cos_pred, mask_gt):
    # RankLossType.Avg branch, vectorized over the n_docs loop.
    m = mask_gt.astype(jnp.bool_)
    mf = m.astype(jnp.float32)
    nmf = 1.0 - mf
    cnt_t = jnp.sum(mf, axis=1)      # number of gt entries per doc row
    cnt_nt = jnp.sum(nmf, axis=1)    # number of non-gt entries per doc row
    # per-row mean of (1 - cos) over gt positions
    lt = jnp.sum((1.0 - cos_pred) * mf, axis=1) / cnt_t
    # per-row mean of max(cos - margin, 0) over non-gt positions
    lnt = jnp.sum(jnp.maximum(cos_pred - MARGIN, 0.0) * nmf, axis=1) / cnt_nt
    loss_tgt = jnp.mean(lt)
    loss_nontgt = jnp.mean(lnt)
    loss = (loss_tgt + loss_nontgt) / 2.0
    return (loss, loss_tgt, loss_nontgt)

if __name__ == "__main__":
    import jax
    _d = setup_inputs()
    print(jax.jit(kernel)(*tuple(_d.values())))

</pallas_src>

<mosaic_0001>
#map = affine_map<(d0, d1) -> (0, 0)>
module attributes {stable_mosaic.version = 14 : i64} {
  func.func @_sc_body(%arg0: i32, %arg1: i32, %arg2: memref<4096x4096xf32, #tpu.memory_space<hbm>>, %arg3: memref<4096x4096xi32, #tpu.memory_space<hbm>>, %arg4: memref<32x16xf32, #tpu.memory_space<hbm>>, %arg5: memref<2x4x4096xf32, #tpu.memory_space<vmem>>, %arg6: memref<2x4x4096xi32, #tpu.memory_space<vmem>>, %arg7: memref<16xf32, #tpu.memory_space<vmem>>, %arg8: memref<!tpu.dma_semaphore, #tpu.memory_space<semaphore_mem>>, %arg9: memref<!tpu.dma_semaphore, #tpu.memory_space<semaphore_mem>>) attributes {dimension_semantics = [#tpu.dimension_semantics<core_parallel>, #tpu.dimension_semantics<subcore_parallel>], iteration_bounds = array<i64: 2, 16>, scalar_prefetch = 0 : i64, scratch_operands = 5 : i64, tpu.core_type = #tpu.core_type<sc_vector_subcore>, window_params = [{transform_indices = #map}, {transform_indices = #map}, {transform_indices = #map}]} {
    %mul3A = arith.constant 2 : i32
    %mul3A_0 = arith.muli %arg1, %mul3A : i32
    %add3A = arith.addi %mul3A_0, %arg0 : i32
    %mul3A_1 = arith.constant 24 : i32
    %mul3A_2 = arith.muli %add3A, %mul3A_1 : i32
    %add3A_3 = arith.constant 3328 : i32
    %add3A_4 = arith.addi %add3A_3, %mul3A_2 : i32
    %iota3A = tpu.iota {dimensions = array<i32: 0>} : vector<16xi32>
    %broadcast_in_dim3A = arith.constant 0.000000e+00 : f32
    %broadcast_in_dim3A_5 = vector.broadcast %broadcast_in_dim3A : f32 to vector<16xf32>
    %add3A_6 = arith.constant 0 : i32
    %add3A_7 = arith.addi %add3A_4, %add3A_6 : i32
    %dma_start3A = arith.constant 0 : i32
    %dma_start3A_8 = arith.constant 0 : i32
    %dma_start3A_9 = arith.constant 0 : i32
    %dma_start3A_10 = tpu.memref_slice %arg5[%dma_start3A, %dma_start3A_8, %dma_start3A_9] : memref<2x4x4096xf32, #tpu.memory_space<vmem>> -> memref<1x4x4096xf32, #tpu.memory_space<vmem>>
    %dma_start3A_11 = tpu.memref_squeeze %dma_start3A_10 : memref<1x4x4096xf32, #tpu.memory_space<vmem>> -> memref<4x4096xf32, #tpu.memory_space<vmem>>
    %dma_start3A_12 = arith.constant 0 : i32
    %dma_start3A_13 = tpu.memref_slice %arg2[%add3A_7, %dma_start3A_12] : memref<4096x4096xf32, #tpu.memory_space<hbm>> -> memref<4x4096xf32, #tpu.memory_space<hbm>>
    %dma_start3A_14 = arith.constant 0 : i32
    %dma_start3A_15 = arith.constant 0 : i32
    %dma_start3A_16 = tpu.memref_slice %arg5[%dma_start3A, %dma_start3A_14, %dma_start3A_15] : memref<2x4x4096xf32, #tpu.memory_space<vmem>> -> memref<1x4x4096xf32, #tpu.memory_space<vmem>>
    %dma_start3A_17 = tpu.memref_squeeze %dma_start3A_16 : memref<1x4x4096xf32, #tpu.memory_space<vmem>> -> memref<4x4096xf32, #tpu.memory_space<vmem>>
    %dma_start3A_18 = arith.constant 0 : i32
    %dma_start3A_19 = tpu.memref_slice %arg2[%add3A_7, %dma_start3A_18] : memref<4096x4096xf32, #tpu.memory_space<hbm>> -> memref<4x4096xf32, #tpu.memory_space<hbm>>
    tpu.enqueue_dma source(%dma_start3A_19 : memref<4x4096xf32, #tpu.memory_space<hbm>>) target(%dma_start3A_17 : memref<4x4096xf32, #tpu.memory_space<vmem>>) target_semaphore(%arg8 : memref<!tpu.dma_semaphore, #tpu.memory_space<semaphore_mem>>)
    %dma_start3A_20 = arith.constant 0 : i32
    %dma_start3A_21 = arith.constant 0 : i32
    %dma_start3A_22 = arith.constant 0 : i32
    %dma_start3A_23 = tpu.memref_slice %arg6[%dma_start3A_20, %dma_start3A_21, %dma_start3A_22] : memref<2x4x4096xi32, #tpu.memory_space<vmem>> -> memref<1x4x4096xi32, #tpu.memory_space<vmem>>
    %dma_start3A_24 = tpu.memref_squeeze %dma_start3A_23 : memref<1x4x4096xi32, #tpu.memory_space<vmem>> -> memref<4x4096xi32, #tpu.memory_space<vmem>>
    %dma_start3A_25 = arith.constant 0 : i32
    %dma_start3A_26 = tpu.memref_slice %arg3[%add3A_7, %dma_start3A_25] : memref<4096x4096xi32, #tpu.memory_space<hbm>> -> memref<4x4096xi32, #tpu.memory_space<hbm>>
    %dma_start3A_27 = arith.constant 0 : i32
    %dma_start3A_28 = arith.constant 0 : i32
    %dma_start3A_29 = tpu.memref_slice %arg6[%dma_start3A_20, %dma_start3A_27, %dma_start3A_28] : memref<2x4x4096xi32, #tpu.memory_space<vmem>> -> memref<1x4x4096xi32, #tpu.memory_space<vmem>>
    %dma_start3A_30 = tpu.memref_squeeze %dma_start3A_29 : memref<1x4x4096xi32, #tpu.memory_space<vmem>> -> memref<4x4096xi32, #tpu.memory_space<vmem>>
    %dma_start3A_31 = arith.constant 0 : i32
    %dma_start3A_32 = tpu.memref_slice %arg3[%add3A_7, %dma_start3A_31] : memref<4096x4096xi32, #tpu.memory_space<hbm>> -> memref<4x4096xi32, #tpu.memory_space<hbm>>
    tpu.enqueue_dma source(%dma_start3A_32 : memref<4x4096xi32, #tpu.memory_space<hbm>>) target(%dma_start3A_30 : memref<4x4096xi32, #tpu.memory_space<vmem>>) target_semaphore(%arg8 : memref<!tpu.dma_semaphore, #tpu.memory_space<semaphore_mem>>)
    %add3A_33 = arith.constant 4 : i32
    %add3A_34 = arith.addi %add3A_4, %add3A_33 : i32
    %dma_start3A_35 = arith.constant 1 : i32
    %dma_start3A_36 = arith.constant 0 : i32
    %dma_start3A_37 = arith.constant 0 : i32
    %dma_start3A_38 = tpu.memref_slice %arg5[%dma_start3A_35, %dma_start3A_36, %dma_start3A_37] : memref<2x4x4096xf32, #tpu.memory_space<vmem>> -> memref<1x4x4096xf32, #tpu.memory_space<vmem>>
    %dma_start3A_39 = tpu.memref_squeeze %dma_start3A_38 : memref<1x4x4096xf32, #tpu.memory_space<vmem>> -> memref<4x4096xf32, #tpu.memory_space<vmem>>
    %dma_start3A_40 = arith.constant 0 : i32
    %dma_start3A_41 = tpu.memref_slice %arg2[%add3A_34, %dma_start3A_40] : memref<4096x4096xf32, #tpu.memory_space<hbm>> -> memref<4x4096xf32, #tpu.memory_space<hbm>>
    %dma_start3A_42 = arith.constant 0 : i32
    %dma_start3A_43 = arith.constant 0 : i32
    %dma_start3A_44 = tpu.memref_slice %arg5[%dma_start3A_35, %dma_start3A_42, %dma_start3A_43] : memref<2x4x4096xf32, #tpu.memory_space<vmem>> -> memref<1x4x4096xf32, #tpu.memory_space<vmem>>
    %dma_start3A_45 = tpu.memref_squeeze %dma_start3A_44 : memref<1x4x4096xf32, #tpu.memory_space<vmem>> -> memref<4x4096xf32, #tpu.memory_space<vmem>>
    %dma_start3A_46 = arith.constant 0 : i32
    %dma_start3A_47 = tpu.memref_slice %arg2[%add3A_34, %dma_start3A_46] : memref<4096x4096xf32, #tpu.memory_space<hbm>> -> memref<4x4096xf32, #tpu.memory_space<hbm>>
    tpu.enqueue_dma source(%dma_start3A_47 : memref<4x4096xf32, #tpu.memory_space<hbm>>) target(%dma_start3A_45 : memref<4x4096xf32, #tpu.memory_space<vmem>>) target_semaphore(%arg9 : memref<!tpu.dma_semaphore, #tpu.memory_space<semaphore_mem>>)
    %dma_start3A_48 = arith.constant 1 : i32
    %dma_start3A_49 = arith.constant 0 : i32
    %dma_start3A_50 = arith.constant 0 : i32
    %dma_start3A_51 = tpu.memref_slice %arg6[%dma_start3A_48, %dma_start3A_49, %dma_start3A_50] : memref<2x4x4096xi32, #tpu.memory_space<vmem>> -> memref<1x4x4096xi32, #tpu.memory_space<vmem>>
    %dma_start3A_52 = tpu.memref_squeeze %dma_start3A_51 : memref<1x4x4096xi32, #tpu.memory_space<vmem>> -> memref<4x4096xi32, #tpu.memory_space<vmem>>
    %dma_start3A_53 = arith.constant 0 : i32
    %dma_start3A_54 = tpu.memref_slice %arg3[%add3A_34, %dma_start3A_53] : memref<4096x4096xi32, #tpu.memory_space<hbm>> -> memref<4x4096xi32, #tpu.memory_space<hbm>>
    %dma_start3A_55 = arith.constant 0 : i32
    %dma_start3A_56 = arith.constant 0 : i32
    %dma_start3A_57 = tpu.memref_slice %arg6[%dma_start3A_48, %dma_start3A_55, %dma_start3A_56] : memref<2x4x4096xi32, #tpu.memory_space<vmem>> -> memref<1x4x4096xi32, #tpu.memory_space<vmem>>
    %dma_start3A_58 = tpu.memref_squeeze %dma_start3A_57 : memref<1x4x4096xi32, #tpu.memory_space<vmem>> -> memref<4x4096xi32, #tpu.memory_space<vmem>>
    %dma_start3A_59 = arith.constant 0 : i32
    %dma_start3A_60 = tpu.memref_slice %arg3[%add3A_34, %dma_start3A_59] : memref<4096x4096xi32, #tpu.memory_space<hbm>> -> memref<4x4096xi32, #tpu.memory_space<hbm>>
    tpu.enqueue_dma source(%dma_start3A_60 : memref<4x4096xi32, #tpu.memory_space<hbm>>) target(%dma_start3A_58 : memref<4x4096xi32, #tpu.memory_space<vmem>>) target_semaphore(%arg9 : memref<!tpu.dma_semaphore, #tpu.memory_space<semaphore_mem>>)
    %scan3A = arith.constant 0 : i32
    %scan3A_61 = arith.constant 3 : i32
    %scan3A_62 = arith.addi %scan3A, %scan3A_61 : i32
    %scan3A_63 = arith.constant 1 : i32
    %scan3A_64 = scf.for %scan3A_67 = %scan3A to %scan3A_62 step %scan3A_63 iter_args(%scan3A_68 = %broadcast_in_dim3A_5) -> (vector<16xf32>)  : i32 {
      %mul3A_69 = arith.constant 2 : i32
      %mul3A_70 = arith.muli %scan3A_67, %mul3A_69 : i32
      %add3A_71 = arith.constant 0 : i32
      %add3A_72 = arith.addi %mul3A_70, %add3A_71 : i32
      %dma_wait3A = arith.constant 0 : i32
      %dma_wait3A_73 = arith.constant 0 : i32
      %dma_wait3A_74 = arith.constant 0 : i32
      %dma_wait3A_75 = tpu.memref_slice %arg5[%dma_wait3A, %dma_wait3A_73, %dma_wait3A_74] : memref<2x4x4096xf32, #tpu.memory_space<vmem>> -> memref<1x4x4096xf32, #tpu.memory_space<vmem>>
      %dma_wait3A_76 = tpu.memref_squeeze %dma_wait3A_75 : memref<1x4x4096xf32, #tpu.memory_space<vmem>> -> memref<4x4096xf32, #tpu.memory_space<vmem>>
      %dma_wait3A_77 = arith.constant 0 : i32
      %dma_wait3A_78 = tpu.memref_slice %arg2[%add3A_4, %dma_wait3A_77] : memref<4096x4096xf32, #tpu.memory_space<hbm>> -> memref<4x4096xf32, #tpu.memory_space<hbm>>
      %dma_wait3A_79 = arith.constant 0 : i32
      %dma_wait3A_80 = arith.constant 0 : i32
      %dma_wait3A_81 = tpu.memref_slice %arg5[%dma_wait3A, %dma_wait3A_79, %dma_wait3A_80] : memref<2x4x4096xf32, #tpu.memory_space<vmem>> -> memref<1x4x4096xf32, #tpu.memory_space<vmem>>
      %dma_wait3A_82 = tpu.memref_squeeze %dma_wait3A_81 : memref<1x4x4096xf32, #tpu.memory_space<vmem>> -> memref<4x4096xf32, #tpu.memory_space<vmem>>
      %dma_wait3A_83 = arith.constant 0 : i32
      %dma_wait3A_84 = tpu.memref_slice %arg2[%add3A_4, %dma_wait3A_83] : memref<4096x4096xf32, #tpu.memory_space<hbm>> -> memref<4x4096xf32, #tpu.memory_space<hbm>>
      tpu.wait_dma2 semaphore(%arg8 : memref<!tpu.dma_semaphore, #tpu.memory_space<semaphore_mem>>) src(%dma_wait3A_84 : memref<4x4096xf32, #tpu.memory_space<hbm>>) dst(%dma_wait3A_82 : memref<4x4096xf32, #tpu.memory_space<vmem>>)
      %dma_wait3A_85 = arith.constant 0 : i32
      %dma_wait3A_86 = arith.constant 0 : i32
      %dma_wait3A_87 = arith.constant 0 : i32
      %dma_wait3A_88 = tpu.memref_slice %arg6[%dma_wait3A_85, %dma_wait3A_86, %dma_wait3A_87] : memref<2x4x4096xi32, #tpu.memory_space<vmem>> -> memref<1x4x4096xi32, #tpu.memory_space<vmem>>
      %dma_wait3A_89 = tpu.memref_squeeze %dma_wait3A_88 : memref<1x4x4096xi32, #tpu.memory_space<vmem>> -> memref<4x4096xi32, #tpu.memory_space<vmem>>
      %dma_wait3A_90 = arith.constant 0 : i32
      %dma_wait3A_91 = tpu.memref_slice %arg3[%add3A_4, %dma_wait3A_90] : memref<4096x4096xi32, #tpu.memory_space<hbm>> -> memref<4x4096xi32, #tpu.memory_space<hbm>>
      %dma_wait3A_92 = arith.constant 0 : i32
      %dma_wait3A_93 = arith.constant 0 : i32
      %dma_wait3A_94 = tpu.memref_slice %arg6[%dma_wait3A_85, %dma_wait3A_92, %dma_wait3A_93] : memref<2x4x4096xi32, #tpu.memory_space<vmem>> -> memref<1x4x4096xi32, #tpu.memory_space<vmem>>
      %dma_wait3A_95 = tpu.memref_squeeze %dma_wait3A_94 : memref<1x4x4096xi32, #tpu.memory_space<vmem>> -> memref<4x4096xi32, #tpu.memory_space<vmem>>
      %dma_wait3A_96 = arith.constant 0 : i32
      %dma_wait3A_97 = tpu.memref_slice %arg3[%add3A_4, %dma_wait3A_96] : memref<4096x4096xi32, #tpu.memory_space<hbm>> -> memref<4x4096xi32, #tpu.memory_space<hbm>>
      tpu.wait_dma2 semaphore(%arg8 : memref<!tpu.dma_semaphore, #tpu.memory_space<semaphore_mem>>) src(%dma_wait3A_97 : memref<4x4096xi32, #tpu.memory_space<hbm>>) dst(%dma_wait3A_95 : memref<4x4096xi32, #tpu.memory_space<vmem>>)
      %scan3A_98 = arith.constant 0 : i32
      %scan3A_99 = arith.constant 64 : i32
      %scan3A_100 = arith.addi %scan3A_98, %scan3A_99 : i32
      %scan3A_101 = arith.constant 1 : i32
      %scan3A_102:4 = scf.for %scan3A_477 = %scan3A_98 to %scan3A_100 step %scan3A_101 iter_args(%scan3A_478 = %broadcast_in_dim3A_5, %scan3A_479 = %broadcast_in_dim3A_5, %scan3A_480 = %broadcast_in_dim3A_5, %scan3A_481 = %broadcast_in_dim3A_5) -> (vector<16xf32>, vector<16xf32>, vector<16xf32>, vector<16xf32>)  : i32 {
        %mul3A_482 = arith.constant 4 : i32
        %mul3A_483 = arith.muli %scan3A_477, %mul3A_482 : i32
        %add3A_484 = arith.constant 0 : i32
        %add3A_485 = arith.addi %mul3A_483, %add3A_484 : i32
        %mul3A_486 = arith.constant 16 : i32
        %mul3A_487 = arith.muli %add3A_485, %mul3A_486 : i32
        %get3A = arith.constant 0 : i32
        %get3A_488 = arith.constant 0 : i32
        %get3A_489 = arith.index_cast %get3A : i32 to index
        %get3A_490 = arith.index_cast %get3A_488 : i32 to index
        %get3A_491 = arith.index_cast %mul3A_487 : i32 to index
        %get3A_492 = tpu.vector_load %arg5[%get3A_489, %get3A_490, %get3A_491] {strides = array<i32>} : memref<2x4x4096xf32, #tpu.memory_space<vmem>>, vector<16xf32>,
        %get3A_493 = arith.constant 0 : i32
        %get3A_494 = arith.constant 0 : i32
        %get3A_495 = arith.index_cast %get3A_493 : i32 to index
        %get3A_496 = arith.index_cast %get3A_494 : i32 to index
        %get3A_497 = arith.index_cast %mul3A_487 : i32 to index
        %get3A_498 = tpu.vector_load %arg6[%get3A_495, %get3A_496, %get3A_497] {strides = array<i32>} : memref<2x4x4096xi32, #tpu.memory_space<vmem>>, vector<16xi32>,
        %convert_element_type3A_499 = arith.sitofp %get3A_498 : vector<16xi32> to vector<16xf32>
        %add3A_500 = arith.addf %scan3A_478, %convert_element_type3A_499 : vector<16xf32>
        %mul3A_501 = arith.mulf %get3A_492, %convert_element_type3A_499 : vector<16xf32>
        %add3A_502 = arith.addf %scan3A_479, %mul3A_501 : vector<16xf32>
        %sub3A_503 = arith.constant 1.000000e-01 : f32
        %sub3A_504 = vector.broadcast %sub3A_503 : f32 to vector<16xf32>
        %sub3A_505 = arith.subf %get3A_492, %sub3A_504 : vector<16xf32>
        %max3A = arith.constant 0.000000e+00 : f32
        %max3A_506 = vector.broadcast %max3A : f32 to vector<16xf32>
        %max3A_507 = arith.maximumf %sub3A_505, %max3A_506 : vector<16xf32>
        %add3A_508 = arith.addf %scan3A_480, %max3A_507 : vector<16xf32>
        %mul3A_509 = arith.mulf %max3A_507, %convert_element_type3A_499 : vector<16xf32>
        %add3A_510 = arith.addf %scan3A_481, %mul3A_509 : vector<16xf32>
        %mul3A_511 = arith.constant 4 : i32
        %mul3A_512 = arith.muli %scan3A_477, %mul3A_511 : i32
        %add3A_513 = arith.constant 1 : i32
        %add3A_514 = arith.addi %mul3A_512, %add3A_513 : i32
        %mul3A_515 = arith.constant 16 : i32
        %mul3A_516 = arith.muli %add3A_514, %mul3A_515 : i32
        %get3A_517 = arith.constant 0 : i32
        %get3A_518 = arith.constant 0 : i32
        %get3A_519 = arith.index_cast %get3A_517 : i32 to index
        %get3A_520 = arith.index_cast %get3A_518 : i32 to index
        %get3A_521 = arith.index_cast %mul3A_516 : i32 to index
        %get3A_522 = tpu.vector_load %arg5[%get3A_519, %get3A_520, %get3A_521] {strides = array<i32>} : memref<2x4x4096xf32, #tpu.memory_space<vmem>>, vector<16xf32>,
        %get3A_523 = arith.constant 0 : i32
        %get3A_524 = arith.constant 0 : i32
        %get3A_525 = arith.index_cast %get3A_523 : i32 to index
        %get3A_526 = arith.index_cast %get3A_524 : i32 to index
        %get3A_527 = arith.index_cast %mul3A_516 : i32 to index
        %get3A_528 = tpu.vector_load %arg6[%get3A_525, %get3A_526, %get3A_527] {strides = array<i32>} : memref<2x4x4096xi32, #tpu.memory_space<vmem>>, vector<16xi32>,
        %convert_element_type3A_529 = arith.sitofp %get3A_528 : vector<16xi32> to vector<16xf32>
        %add3A_530 = arith.addf %add3A_500, %convert_element_type3A_529 : vector<16xf32>
        %mul3A_531 = arith.mulf %get3A_522, %convert_element_type3A_529 : vector<16xf32>
        %add3A_532 = arith.addf %add3A_502, %mul3A_531 : vector<16xf32>
        %sub3A_533 = arith.constant 1.000000e-01 : f32
        %sub3A_534 = vector.broadcast %sub3A_533 : f32 to vector<16xf32>
        %sub3A_535 = arith.subf %get3A_522, %sub3A_534 : vector<16xf32>
        %max3A_536 = arith.constant 0.000000e+00 : f32
        %max3A_537 = vector.broadcast %max3A_536 : f32 to vector<16xf32>
        %max3A_538 = arith.maximumf %sub3A_535, %max3A_537 : vector<16xf32>
        %add3A_539 = arith.addf %add3A_508, %max3A_538 : vector<16xf32>
        %mul3A_540 = arith.mulf %max3A_538, %convert_element_type3A_529 : vector<16xf32>
        %add3A_541 = arith.addf %add3A_510, %mul3A_540 : vector<16xf32>
        %mul3A_542 = arith.constant 4 : i32
        %mul3A_543 = arith.muli %scan3A_477, %mul3A_542 : i32
        %add3A_544 = arith.constant 2 : i32
        %add3A_545 = arith.addi %mul3A_543, %add3A_544 : i32
        %mul3A_546 = arith.constant 16 : i32
        %mul3A_547 = arith.muli %add3A_545, %mul3A_546 : i32
        %get3A_548 = arith.constant 0 : i32
        %get3A_549 = arith.constant 0 : i32
        %get3A_550 = arith.index_cast %get3A_548 : i32 to index
        %get3A_551 = arith.index_cast %get3A_549 : i32 to index
        %get3A_552 = arith.index_cast %mul3A_547 : i32 to index
        %get3A_553 = tpu.vector_load %arg5[%get3A_550, %get3A_551, %get3A_552] {strides = array<i32>} : memref<2x4x4096xf32, #tpu.memory_space<vmem>>, vector<16xf32>,
        %get3A_554 = arith.constant 0 : i32
        %get3A_555 = arith.constant 0 : i32
        %get3A_556 = arith.index_cast %get3A_554 : i32 to index
        %get3A_557 = arith.index_cast %get3A_555 : i32 to index
        %get3A_558 = arith.index_cast %mul3A_547 : i32 to index
        %get3A_559 = tpu.vector_load %arg6[%get3A_556, %get3A_557, %get3A_558] {strides = array<i32>} : memref<2x4x4096xi32, #tpu.memory_space<vmem>>, vector<16xi32>,
        %convert_element_type3A_560 = arith.sitofp %get3A_559 : vector<16xi32> to vector<16xf32>
        %add3A_561 = arith.addf %add3A_530, %convert_element_type3A_560 : vector<16xf32>
        %mul3A_562 = arith.mulf %get3A_553, %convert_element_type3A_560 : vector<16xf32>
        %add3A_563 = arith.addf %add3A_532, %mul3A_562 : vector<16xf32>
        %sub3A_564 = arith.constant 1.000000e-01 : f32
        %sub3A_565 = vector.broadcast %sub3A_564 : f32 to vector<16xf32>
        %sub3A_566 = arith.subf %get3A_553, %sub3A_565 : vector<16xf32>
        %max3A_567 = arith.constant 0.000000e+00 : f32
        %max3A_568 = vector.broadcast %max3A_567 : f32 to vector<16xf32>
        %max3A_569 = arith.maximumf %sub3A_566, %max3A_568 : vector<16xf32>
        %add3A_570 = arith.addf %add3A_539, %max3A_569 : vector<16xf32>
        %mul3A_571 = arith.mulf %max3A_569, %convert_element_type3A_560 : vector<16xf32>
        %add3A_572 = arith.addf %add3A_541, %mul3A_571 : vector<16xf32>
        %mul3A_573 = arith.constant 4 : i32
        %mul3A_574 = arith.muli %scan3A_477, %mul3A_573 : i32
        %add3A_575 = arith.constant 3 : i32
        %add3A_576 = arith.addi %mul3A_574, %add3A_575 : i32
        %mul3A_577 = arith.constant 16 : i32
        %mul3A_578 = arith.muli %add3A_576, %mul3A_577 : i32
        %get3A_579 = arith.constant 0 : i32
        %get3A_580 = arith.constant 0 : i32
        %get3A_581 = arith.index_cast %get3A_579 : i32 to index
        %get3A_582 = arith.index_cast %get3A_580 : i32 to index
        %get3A_583 = arith.index_cast %mul3A_578 : i32 to index
        %get3A_584 = tpu.vector_load %arg5[%get3A_581, %get3A_582, %get3A_583] {strides = array<i32>} : memref<2x4x4096xf32, #tpu.memory_space<vmem>>, vector<16xf32>,
        %get3A_585 = arith.constant 0 : i32
        %get3A_586 = arith.constant 0 : i32
        %get3A_587 = arith.index_cast %get3A_585 : i32 to index
        %get3A_588 = arith.index_cast %get3A_586 : i32 to index
        %get3A_589 = arith.index_cast %mul3A_578 : i32 to index
        %get3A_590 = tpu.vector_load %arg6[%get3A_587, %get3A_588, %get3A_589] {strides = array<i32>} : memref<2x4x4096xi32, #tpu.memory_space<vmem>>, vector<16xi32>,
        %convert_element_type3A_591 = arith.sitofp %get3A_590 : vector<16xi32> to vector<16xf32>
        %add3A_592 = arith.addf %add3A_561, %convert_element_type3A_591 : vector<16xf32>
        %mul3A_593 = arith.mulf %get3A_584, %convert_element_type3A_591 : vector<16xf32>
        %add3A_594 = arith.addf %add3A_563, %mul3A_593 : vector<16xf32>
        %sub3A_595 = arith.constant 1.000000e-01 : f32
        %sub3A_596 = vector.broadcast %sub3A_595 : f32 to vector<16xf32>
        %sub3A_597 = arith.subf %get3A_584, %sub3A_596 : vector<16xf32>
        %max3A_598 = arith.constant 0.000000e+00 : f32
        %max3A_599 = vector.broadcast %max3A_598 : f32 to vector<16xf32>
        %max3A_600 = arith.maximumf %sub3A_597, %max3A_599 : vector<16xf32>
        %add3A_601 = arith.addf %add3A_570, %max3A_600 : vector<16xf32>
        %mul3A_602 = arith.mulf %max3A_600, %convert_element_type3A_591 : vector<16xf32>
        %add3A_603 = arith.addf %add3A_572, %mul3A_602 : vector<16xf32>
        scf.yield %add3A_592, %add3A_594, %add3A_601, %add3A_603 : vector<16xf32>, vector<16xf32>, vector<16xf32>, vector<16xf32>
      }
      %scan3A_103 = arith.constant 64 : i32
      %reduce_sum3A = arith.constant true
      %reduce_sum3A_104 = vector.broadcast %reduce_sum3A : i1 to vector<16xi1>
      %reduce_sum3A_105 = tpu.scan <sum>, %scan3A_102#0 masked %reduce_sum3A_104 : vector<16xf32>, vector<16xi1> -> vector<16xf32>
      %reduce_sum3A_106 = vector.extract %reduce_sum3A_105[15] : f32 from vector<16xf32>
      %reduce_sum3A_107 = arith.constant true
      %reduce_sum3A_108 = vector.broadcast %reduce_sum3A_107 : i1 to vector<16xi1>
      %reduce_sum3A_109 = tpu.scan <sum>, %scan3A_102#1 masked %reduce_sum3A_108 : vector<16xf32>, vector<16xi1> -> vector<16xf32>
      %reduce_sum3A_110 = vector.extract %reduce_sum3A_109[15] : f32 from vector<16xf32>
      %reduce_sum3A_111 = arith.constant true
      %reduce_sum3A_112 = vector.broadcast %reduce_sum3A_111 : i1 to vector<16xi1>
      %reduce_sum3A_113 = tpu.scan <sum>, %scan3A_102#2 masked %reduce_sum3A_112 : vector<16xf32>, vector<16xi1> -> vector<16xf32>
      %reduce_sum3A_114 = vector.extract %reduce_sum3A_113[15] : f32 from vector<16xf32>
      %reduce_sum3A_115 = arith.constant true
      %reduce_sum3A_116 = vector.broadcast %reduce_sum3A_115 : i1 to vector<16xi1>
      %reduce_sum3A_117 = tpu.scan <sum>, %scan3A_102#3 masked %reduce_sum3A_116 : vector<16xf32>, vector<16xi1> -> vector<16xf32>
      %reduce_sum3A_118 = vector.extract %reduce_sum3A_117[15] : f32 from vector<16xf32>
      %eq3A = arith.constant 0 : i32
      %eq3A_119 = vector.broadcast %eq3A : i32 to vector<16xi32>
      %eq3A_120 = arith.cmpi eq, %iota3A, %eq3A_119 : vector<16xi32>
      %sub3A = arith.subf %reduce_sum3A_106, %reduce_sum3A_110 : f32
      %sub3A_121 = arith.subf %reduce_sum3A_114, %reduce_sum3A_118 : f32
      %broadcast_in_dim3A_122 = vector.broadcast %sub3A : f32 to vector<16xf32>
      %broadcast_in_dim3A_123 = vector.broadcast %sub3A_121 : f32 to vector<16xf32>
      %select_n3A = arith.select %eq3A_120, %broadcast_in_dim3A_122, %broadcast_in_dim3A_123 : vector<16xi1>, vector<16xf32>
      %sub3A_124 = arith.constant 4.096000e+03 : f32
      %sub3A_125 = arith.subf %sub3A_124, %reduce_sum3A_106 : f32
      %broadcast_in_dim3A_126 = vector.broadcast %reduce_sum3A_106 : f32 to vector<16xf32>
      %broadcast_in_dim3A_127 = vector.broadcast %sub3A_125 : f32 to vector<16xf32>
      %select_n3A_128 = arith.select %eq3A_120, %broadcast_in_dim3A_126, %broadcast_in_dim3A_127 : vector<16xi1>, vector<16xf32>
      %lt3A = arith.constant 2 : i32
      %lt3A_129 = vector.broadcast %lt3A : i32 to vector<16xi32>
      %lt3A_130 = arith.cmpi slt, %iota3A, %lt3A_129 : vector<16xi32>
      %div3A = arith.divf %select_n3A, %select_n3A_128 : vector<16xf32>
      %jit3A = arith.constant 0.000000e+00 : f32
      %broadcast_in_dim3A_131 = vector.broadcast %jit3A : f32 to vector<16xf32>
      %select_n3A_132 = arith.select %lt3A_130, %div3A, %broadcast_in_dim3A_131 : vector<16xi1>, vector<16xf32>
      %add3A_133 = arith.addf %scan3A_68, %select_n3A_132 : vector<16xf32>
      %scan3A_134 = arith.constant 0 : i32
      %scan3A_135 = arith.constant 64 : i32
      %scan3A_136 = arith.addi %scan3A_134, %scan3A_135 : i32
      %scan3A_137 = arith.constant 1 : i32
      %scan3A_138:4 = scf.for %scan3A_477 = %scan3A_134 to %scan3A_136 step %scan3A_137 iter_args(%scan3A_478 = %broadcast_in_dim3A_5, %scan3A_479 = %broadcast_in_dim3A_5, %scan3A_480 = %broadcast_in_dim3A_5, %scan3A_481 = %broadcast_in_dim3A_5) -> (vector<16xf32>, vector<16xf32>, vector<16xf32>, vector<16xf32>)  : i32 {
        %mul3A_482 = arith.constant 4 : i32
        %mul3A_483 = arith.muli %scan3A_477, %mul3A_482 : i32
        %add3A_484 = arith.constant 0 : i32
        %add3A_485 = arith.addi %mul3A_483, %add3A_484 : i32
        %mul3A_486 = arith.constant 16 : i32
        %mul3A_487 = arith.muli %add3A_485, %mul3A_486 : i32
        %get3A = arith.constant 0 : i32
        %get3A_488 = arith.constant 1 : i32
        %get3A_489 = arith.index_cast %get3A : i32 to index
        %get3A_490 = arith.index_cast %get3A_488 : i32 to index
        %get3A_491 = arith.index_cast %mul3A_487 : i32 to index
        %get3A_492 = tpu.vector_load %arg5[%get3A_489, %get3A_490, %get3A_491] {strides = array<i32>} : memref<2x4x4096xf32, #tpu.memory_space<vmem>>, vector<16xf32>,
        %get3A_493 = arith.constant 0 : i32
        %get3A_494 = arith.constant 1 : i32
        %get3A_495 = arith.index_cast %get3A_493 : i32 to index
        %get3A_496 = arith.index_cast %get3A_494 : i32 to index
        %get3A_497 = arith.index_cast %mul3A_487 : i32 to index
        %get3A_498 = tpu.vector_load %arg6[%get3A_495, %get3A_496, %get3A_497] {strides = array<i32>} : memref<2x4x4096xi32, #tpu.memory_space<vmem>>, vector<16xi32>,
        %convert_element_type3A_499 = arith.sitofp %get3A_498 : vector<16xi32> to vector<16xf32>
        %add3A_500 = arith.addf %scan3A_478, %convert_element_type3A_499 : vector<16xf32>
        %mul3A_501 = arith.mulf %get3A_492, %convert_element_type3A_499 : vector<16xf32>
        %add3A_502 = arith.addf %scan3A_479, %mul3A_501 : vector<16xf32>
        %sub3A_503 = arith.constant 1.000000e-01 : f32
        %sub3A_504 = vector.broadcast %sub3A_503 : f32 to vector<16xf32>
        %sub3A_505 = arith.subf %get3A_492, %sub3A_504 : vector<16xf32>
        %max3A = arith.constant 0.000000e+00 : f32
        %max3A_506 = vector.broadcast %max3A : f32 to vector<16xf32>
        %max3A_507 = arith.maximumf %sub3A_505, %max3A_506 : vector<16xf32>
        %add3A_508 = arith.addf %scan3A_480, %max3A_507 : vector<16xf32>
        %mul3A_509 = arith.mulf %max3A_507, %convert_element_type3A_499 : vector<16xf32>
        %add3A_510 = arith.addf %scan3A_481, %mul3A_509 : vector<16xf32>
        %mul3A_511 = arith.constant 4 : i32
        %mul3A_512 = arith.muli %scan3A_477, %mul3A_511 : i32
        %add3A_513 = arith.constant 1 : i32
        %add3A_514 = arith.addi %mul3A_512, %add3A_513 : i32
        %mul3A_515 = arith.constant 16 : i32
        %mul3A_516 = arith.muli %add3A_514, %mul3A_515 : i32
        %get3A_517 = arith.constant 0 : i32
        %get3A_518 = arith.constant 1 : i32
        %get3A_519 = arith.index_cast %get3A_517 : i32 to index
        %get3A_520 = arith.index_cast %get3A_518 : i32 to index
        %get3A_521 = arith.index_cast %mul3A_516 : i32 to index
        %get3A_522 = tpu.vector_load %arg5[%get3A_519, %get3A_520, %get3A_521] {strides = array<i32>} : memref<2x4x4096xf32, #tpu.memory_space<vmem>>, vector<16xf32>,
        %get3A_523 = arith.constant 0 : i32
        %get3A_524 = arith.constant 1 : i32
        %get3A_525 = arith.index_cast %get3A_523 : i32 to index
        %get3A_526 = arith.index_cast %get3A_524 : i32 to index
        %get3A_527 = arith.index_cast %mul3A_516 : i32 to index
        %get3A_528 = tpu.vector_load %arg6[%get3A_525, %get3A_526, %get3A_527] {strides = array<i32>} : memref<2x4x4096xi32, #tpu.memory_space<vmem>>, vector<16xi32>,
        %convert_element_type3A_529 = arith.sitofp %get3A_528 : vector<16xi32> to vector<16xf32>
        %add3A_530 = arith.addf %add3A_500, %convert_element_type3A_529 : vector<16xf32>
        %mul3A_531 = arith.mulf %get3A_522, %convert_element_type3A_529 : vector<16xf32>
        %add3A_532 = arith.addf %add3A_502, %mul3A_531 : vector<16xf32>
        %sub3A_533 = arith.constant 1.000000e-01 : f32
        %sub3A_534 = vector.broadcast %sub3A_533 : f32 to vector<16xf32>
        %sub3A_535 = arith.subf %get3A_522, %sub3A_534 : vector<16xf32>
        %max3A_536 = arith.constant 0.000000e+00 : f32
        %max3A_537 = vector.broadcast %max3A_536 : f32 to vector<16xf32>
        %max3A_538 = arith.maximumf %sub3A_535, %max3A_537 : vector<16xf32>
        %add3A_539 = arith.addf %add3A_508, %max3A_538 : vector<16xf32>
        %mul3A_540 = arith.mulf %max3A_538, %convert_element_type3A_529 : vector<16xf32>
        %add3A_541 = arith.addf %add3A_510, %mul3A_540 : vector<16xf32>
        %mul3A_542 = arith.constant 4 : i32
        %mul3A_543 = arith.muli %scan3A_477, %mul3A_542 : i32
        %add3A_544 = arith.constant 2 : i32
        %add3A_545 = arith.addi %mul3A_543, %add3A_544 : i32
        %mul3A_546 = arith.constant 16 : i32
        %mul3A_547 = arith.muli %add3A_545, %mul3A_546 : i32
        %get3A_548 = arith.constant 0 : i32
        %get3A_549 = arith.constant 1 : i32
        %get3A_550 = arith.index_cast %get3A_548 : i32 to index
        %get3A_551 = arith.index_cast %get3A_549 : i32 to index
        %get3A_552 = arith.index_cast %mul3A_547 : i32 to index
        %get3A_553 = tpu.vector_load %arg5[%get3A_550, %get3A_551, %get3A_552] {strides = array<i32>} : memref<2x4x4096xf32, #tpu.memory_space<vmem>>, vector<16xf32>,
        %get3A_554 = arith.constant 0 : i32
        %get3A_555 = arith.constant 1 : i32
        %get3A_556 = arith.index_cast %get3A_554 : i32 to index
        %get3A_557 = arith.index_cast %get3A_555 : i32 to index
        %get3A_558 = arith.index_cast %mul3A_547 : i32 to index
        %get3A_559 = tpu.vector_load %arg6[%get3A_556, %get3A_557, %get3A_558] {strides = array<i32>} : memref<2x4x4096xi32, #tpu.memory_space<vmem>>, vector<16xi32>,
        %convert_element_type3A_560 = arith.sitofp %get3A_559 : vector<16xi32> to vector<16xf32>
        %add3A_561 = arith.addf %add3A_530, %convert_element_type3A_560 : vector<16xf32>
        %mul3A_562 = arith.mulf %get3A_553, %convert_element_type3A_560 : vector<16xf32>
        %add3A_563 = arith.addf %add3A_532, %mul3A_562 : vector<16xf32>
        %sub3A_564 = arith.constant 1.000000e-01 : f32
        %sub3A_565 = vector.broadcast %sub3A_564 : f32 to vector<16xf32>
        %sub3A_566 = arith.subf %get3A_553, %sub3A_565 : vector<16xf32>
        %max3A_567 = arith.constant 0.000000e+00 : f32
        %max3A_568 = vector.broadcast %max3A_567 : f32 to vector<16xf32>
        %max3A_569 = arith.maximumf %sub3A_566, %max3A_568 : vector<16xf32>
        %add3A_570 = arith.addf %add3A_539, %max3A_569 : vector<16xf32>
        %mul3A_571 = arith.mulf %max3A_569, %convert_element_type3A_560 : vector<16xf32>
        %add3A_572 = arith.addf %add3A_541, %mul3A_571 : vector<16xf32>
        %mul3A_573 = arith.constant 4 : i32
        %mul3A_574 = arith.muli %scan3A_477, %mul3A_573 : i32
        %add3A_575 = arith.constant 3 : i32
        %add3A_576 = arith.addi %mul3A_574, %add3A_575 : i32
        %mul3A_577 = arith.constant 16 : i32
        %mul3A_578 = arith.muli %add3A_576, %mul3A_577 : i32
        %get3A_579 = arith.constant 0 : i32
        %get3A_580 = arith.constant 1 : i32
        %get3A_581 = arith.index_cast %get3A_579 : i32 to index
        %get3A_582 = arith.index_cast %get3A_580 : i32 to index
        %get3A_583 = arith.index_cast %mul3A_578 : i32 to index
        %get3A_584 = tpu.vector_load %arg5[%get3A_581, %get3A_582, %get3A_583] {strides = array<i32>} : memref<2x4x4096xf32, #tpu.memory_space<vmem>>, vector<16xf32>,
        %get3A_585 = arith.constant 0 : i32
        %get3A_586 = arith.constant 1 : i32
        %get3A_587 = arith.index_cast %get3A_585 : i32 to index
        %get3A_588 = arith.index_cast %get3A_586 : i32 to index
        %get3A_589 = arith.index_cast %mul3A_578 : i32 to index
        %get3A_590 = tpu.vector_load %arg6[%get3A_587, %get3A_588, %get3A_589] {strides = array<i32>} : memref<2x4x4096xi32, #tpu.memory_space<vmem>>, vector<16xi32>,
        %convert_element_type3A_591 = arith.sitofp %get3A_590 : vector<16xi32> to vector<16xf32>
        %add3A_592 = arith.addf %add3A_561, %convert_element_type3A_591 : vector<16xf32>
        %mul3A_593 = arith.mulf %get3A_584, %convert_element_type3A_591 : vector<16xf32>
        %add3A_594 = arith.addf %add3A_563, %mul3A_593 : vector<16xf32>
        %sub3A_595 = arith.constant 1.000000e-01 : f32
        %sub3A_596 = vector.broadcast %sub3A_595 : f32 to vector<16xf32>
        %sub3A_597 = arith.subf %get3A_584, %sub3A_596 : vector<16xf32>
        %max3A_598 = arith.constant 0.000000e+00 : f32
        %max3A_599 = vector.broadcast %max3A_598 : f32 to vector<16xf32>
        %max3A_600 = arith.maximumf %sub3A_597, %max3A_599 : vector<16xf32>
        %add3A_601 = arith.addf %add3A_570, %max3A_600 : vector<16xf32>
        %mul3A_602 = arith.mulf %max3A_600, %convert_element_type3A_591 : vector<16xf32>
        %add3A_603 = arith.addf %add3A_572, %mul3A_602 : vector<16xf32>
        scf.yield %add3A_592, %add3A_594, %add3A_601, %add3A_603 : vector<16xf32>, vector<16xf32>, vector<16xf32>, vector<16xf32>
      }
      %scan3A_139 = arith.constant 64 : i32
      %reduce_sum3A_140 = arith.constant true
      %reduce_sum3A_141 = vector.broadcast %reduce_sum3A_140 : i1 to vector<16xi1>
      %reduce_sum3A_142 = tpu.scan <sum>, %scan3A_138#0 masked %reduce_sum3A_141 : vector<16xf32>, vector<16xi1> -> vector<16xf32>
      %reduce_sum3A_143 = vector.extract %reduce_sum3A_142[15] : f32 from vector<16xf32>
      %reduce_sum3A_144 = arith.constant true
      %reduce_sum3A_145 = vector.broadcast %reduce_sum3A_144 : i1 to vector<16xi1>
      %reduce_sum3A_146 = tpu.scan <sum>, %scan3A_138#1 masked %reduce_sum3A_145 : vector<16xf32>, vector<16xi1> -> vector<16xf32>
      %reduce_sum3A_147 = vector.extract %reduce_sum3A_146[15] : f32 from vector<16xf32>
      %reduce_sum3A_148 = arith.constant true
      %reduce_sum3A_149 = vector.broadcast %reduce_sum3A_148 : i1 to vector<16xi1>
      %reduce_sum3A_150 = tpu.scan <sum>, %scan3A_138#2 masked %reduce_sum3A_149 : vector<16xf32>, vector<16xi1> -> vector<16xf32>
      %reduce_sum3A_151 = vector.extract %reduce_sum3A_150[15] : f32 from vector<16xf32>
      %reduce_sum3A_152 = arith.constant true
      %reduce_sum3A_153 = vector.broadcast %reduce_sum3A_152 : i1 to vector<16xi1>
      %reduce_sum3A_154 = tpu.scan <sum>, %scan3A_138#3 masked %reduce_sum3A_153 : vector<16xf32>, vector<16xi1> -> vector<16xf32>
      %reduce_sum3A_155 = vector.extract %reduce_sum3A_154[15] : f32 from vector<16xf32>
      %eq3A_156 = arith.constant 0 : i32
      %eq3A_157 = vector.broadcast %eq3A_156 : i32 to vector<16xi32>
      %eq3A_158 = arith.cmpi eq, %iota3A, %eq3A_157 : vector<16xi32>
      %sub3A_159 = arith.subf %reduce_sum3A_143, %reduce_sum3A_147 : f32
      %sub3A_160 = arith.subf %reduce_sum3A_151, %reduce_sum3A_155 : f32
      %broadcast_in_dim3A_161 = vector.broadcast %sub3A_159 : f32 to vector<16xf32>
      %broadcast_in_dim3A_162 = vector.broadcast %sub3A_160 : f32 to vector<16xf32>
      %select_n3A_163 = arith.select %eq3A_158, %broadcast_in_dim3A_161, %broadcast_in_dim3A_162 : vector<16xi1>, vector<16xf32>
      %sub3A_164 = arith.constant 4.096000e+03 : f32
      %sub3A_165 = arith.subf %sub3A_164, %reduce_sum3A_143 : f32
      %broadcast_in_dim3A_166 = vector.broadcast %reduce_sum3A_143 : f32 to vector<16xf32>
      %broadcast_in_dim3A_167 = vector.broadcast %sub3A_165 : f32 to vector<16xf32>
      %select_n3A_168 = arith.select %eq3A_158, %broadcast_in_dim3A_166, %broadcast_in_dim3A_167 : vector<16xi1>, vector<16xf32>
      %lt3A_169 = arith.constant 2 : i32
      %lt3A_170 = vector.broadcast %lt3A_169 : i32 to vector<16xi32>
      %lt3A_171 = arith.cmpi slt, %iota3A, %lt3A_170 : vector<16xi32>
      %div3A_172 = arith.divf %select_n3A_163, %select_n3A_168 : vector<16xf32>
      %jit3A_173 = arith.constant 0.000000e+00 : f32
      %broadcast_in_dim3A_174 = vector.broadcast %jit3A_173 : f32 to vector<16xf32>
      %select_n3A_175 = arith.select %lt3A_171, %div3A_172, %broadcast_in_dim3A_174 : vector<16xi1>, vector<16xf32>
      %add3A_176 = arith.addf %add3A_133, %select_n3A_175 : vector<16xf32>
      %scan3A_177 = arith.constant 0 : i32
      %scan3A_178 = arith.constant 64 : i32
      %scan3A_179 = arith.addi %scan3A_177, %scan3A_178 : i32
      %scan3A_180 = arith.constant 1 : i32
      %scan3A_181:4 = scf.for %scan3A_477 = %scan3A_177 to %scan3A_179 step %scan3A_180 iter_args(%scan3A_478 = %broadcast_in_dim3A_5, %scan3A_479 = %broadcast_in_dim3A_5, %scan3A_480 = %broadcast_in_dim3A_5, %scan3A_481 = %broadcast_in_dim3A_5) -> (vector<16xf32>, vector<16xf32>, vector<16xf32>, vector<16xf32>)  : i32 {
        %mul3A_482 = arith.constant 4 : i32
        %mul3A_483 = arith.muli %scan3A_477, %mul3A_482 : i32
        %add3A_484 = arith.constant 0 : i32
        %add3A_485 = arith.addi %mul3A_483, %add3A_484 : i32
        %mul3A_486 = arith.constant 16 : i32
        %mul3A_487 = arith.muli %add3A_485, %mul3A_486 : i32
        %get3A = arith.constant 0 : i32
        %get3A_488 = arith.constant 2 : i32
        %get3A_489 = arith.index_cast %get3A : i32 to index
        %get3A_490 = arith.index_cast %get3A_488 : i32 to index
        %get3A_491 = arith.index_cast %mul3A_487 : i32 to index
        %get3A_492 = tpu.vector_load %arg5[%get3A_489, %get3A_490, %get3A_491] {strides = array<i32>} : memref<2x4x4096xf32, #tpu.memory_space<vmem>>, vector<16xf32>,
        %get3A_493 = arith.constant 0 : i32
        %get3A_494 = arith.constant 2 : i32
        %get3A_495 = arith.index_cast %get3A_493 : i32 to index
        %get3A_496 = arith.index_cast %get3A_494 : i32 to index
        %get3A_497 = arith.index_cast %mul3A_487 : i32 to index
        %get3A_498 = tpu.vector_load %arg6[%get3A_495, %get3A_496, %get3A_497] {strides = array<i32>} : memref<2x4x4096xi32, #tpu.memory_space<vmem>>, vector<16xi32>,
        %convert_element_type3A_499 = arith.sitofp %get3A_498 : vector<16xi32> to vector<16xf32>
        %add3A_500 = arith.addf %scan3A_478, %convert_element_type3A_499 : vector<16xf32>
        %mul3A_501 = arith.mulf %get3A_492, %convert_element_type3A_499 : vector<16xf32>
        %add3A_502 = arith.addf %scan3A_479, %mul3A_501 : vector<16xf32>
        %sub3A_503 = arith.constant 1.000000e-01 : f32
        %sub3A_504 = vector.broadcast %sub3A_503 : f32 to vector<16xf32>
        %sub3A_505 = arith.subf %get3A_492, %sub3A_504 : vector<16xf32>
        %max3A = arith.constant 0.000000e+00 : f32
        %max3A_506 = vector.broadcast %max3A : f32 to vector<16xf32>
        %max3A_507 = arith.maximumf %sub3A_505, %max3A_506 : vector<16xf32>
        %add3A_508 = arith.addf %scan3A_480, %max3A_507 : vector<16xf32>
        %mul3A_509 = arith.mulf %max3A_507, %convert_element_type3A_499 : vector<16xf32>
        %add3A_510 = arith.addf %scan3A_481, %mul3A_509 : vector<16xf32>
        %mul3A_511 = arith.constant 4 : i32
        %mul3A_512 = arith.muli %scan3A_477, %mul3A_511 : i32
        %add3A_513 = arith.constant 1 : i32
        %add3A_514 = arith.addi %mul3A_512, %add3A_513 : i32
        %mul3A_515 = arith.constant 16 : i32
        %mul3A_516 = arith.muli %add3A_514, %mul3A_515 : i32
        %get3A_517 = arith.constant 0 : i32
        %get3A_518 = arith.constant 2 : i32
        %get3A_519 = arith.index_cast %get3A_517 : i32 to index
        %get3A_520 = arith.index_cast %get3A_518 : i32 to index
        %get3A_521 = arith.index_cast %mul3A_516 : i32 to index
        %get3A_522 = tpu.vector_load %arg5[%get3A_519, %get3A_520, %get3A_521] {strides = array<i32>} : memref<2x4x4096xf32, #tpu.memory_space<vmem>>, vector<16xf32>,
        %get3A_523 = arith.constant 0 : i32
        %get3A_524 = arith.constant 2 : i32
        %get3A_525 = arith.index_cast %get3A_523 : i32 to index
        %get3A_526 = arith.index_cast %get3A_524 : i32 to index
        %get3A_527 = arith.index_cast %mul3A_516 : i32 to index
        %get3A_528 = tpu.vector_load %arg6[%get3A_525, %get3A_526, %get3A_527] {strides = array<i32>} : memref<2x4x4096xi32, #tpu.memory_space<vmem>>, vector<16xi32>,
        %convert_element_type3A_529 = arith.sitofp %get3A_528 : vector<16xi32> to vector<16xf32>
        %add3A_530 = arith.addf %add3A_500, %convert_element_type3A_529 : vector<16xf32>
        %mul3A_531 = arith.mulf %get3A_522, %convert_element_type3A_529 : vector<16xf32>
        %add3A_532 = arith.addf %add3A_502, %mul3A_531 : vector<16xf32>
        %sub3A_533 = arith.constant 1.000000e-01 : f32
        %sub3A_534 = vector.broadcast %sub3A_533 : f32 to vector<16xf32>
        %sub3A_535 = arith.subf %get3A_522, %sub3A_534 : vector<16xf32>
        %max3A_536 = arith.constant 0.000000e+00 : f32
        %max3A_537 = vector.broadcast %max3A_536 : f32 to vector<16xf32>
        %max3A_538 = arith.maximumf %sub3A_535, %max3A_537 : vector<16xf32>
        %add3A_539 = arith.addf %add3A_508, %max3A_538 : vector<16xf32>
        %mul3A_540 = arith.mulf %max3A_538, %convert_element_type3A_529 : vector<16xf32>
        %add3A_541 = arith.addf %add3A_510, %mul3A_540 : vector<16xf32>
        %mul3A_542 = arith.constant 4 : i32
        %mul3A_543 = arith.muli %scan3A_477, %mul3A_542 : i32
        %add3A_544 = arith.constant 2 : i32
        %add3A_545 = arith.addi %mul3A_543, %add3A_544 : i32
        %mul3A_546 = arith.constant 16 : i32
        %mul3A_547 = arith.muli %add3A_545, %mul3A_546 : i32
        %get3A_548 = arith.constant 0 : i32
        %get3A_549 = arith.constant 2 : i32
        %get3A_550 = arith.index_cast %get3A_548 : i32 to index
        %get3A_551 = arith.index_cast %get3A_549 : i32 to index
        %get3A_552 = arith.index_cast %mul3A_547 : i32 to index
        %get3A_553 = tpu.vector_load %arg5[%get3A_550, %get3A_551, %get3A_552] {strides = array<i32>} : memref<2x4x4096xf32, #tpu.memory_space<vmem>>, vector<16xf32>,
        %get3A_554 = arith.constant 0 : i32
        %get3A_555 = arith.constant 2 : i32
        %get3A_556 = arith.index_cast %get3A_554 : i32 to index
        %get3A_557 = arith.index_cast %get3A_555 : i32 to index
        %get3A_558 = arith.index_cast %mul3A_547 : i32 to index
        %get3A_559 = tpu.vector_load %arg6[%get3A_556, %get3A_557, %get3A_558] {strides = array<i32>} : memref<2x4x4096xi32, #tpu.memory_space<vmem>>, vector<16xi32>,
        %convert_element_type3A_560 = arith.sitofp %get3A_559 : vector<16xi32> to vector<16xf32>
        %add3A_561 = arith.addf %add3A_530, %convert_element_type3A_560 : vector<16xf32>
        %mul3A_562 = arith.mulf %get3A_553, %convert_element_type3A_560 : vector<16xf32>
        %add3A_563 = arith.addf %add3A_532, %mul3A_562 : vector<16xf32>
        %sub3A_564 = arith.constant 1.000000e-01 : f32
        %sub3A_565 = vector.broadcast %sub3A_564 : f32 to vector<16xf32>
        %sub3A_566 = arith.subf %get3A_553, %sub3A_565 : vector<16xf32>
        %max3A_567 = arith.constant 0.000000e+00 : f32
        %max3A_568 = vector.broadcast %max3A_567 : f32 to vector<16xf32>
        %max3A_569 = arith.maximumf %sub3A_566, %max3A_568 : vector<16xf32>
        %add3A_570 = arith.addf %add3A_539, %max3A_569 : vector<16xf32>
        %mul3A_571 = arith.mulf %max3A_569, %convert_element_type3A_560 : vector<16xf32>
        %add3A_572 = arith.addf %add3A_541, %mul3A_571 : vector<16xf32>
        %mul3A_573 = arith.constant 4 : i32
        %mul3A_574 = arith.muli %scan3A_477, %mul3A_573 : i32
        %add3A_575 = arith.constant 3 : i32
        %add3A_576 = arith.addi %mul3A_574, %add3A_575 : i32
        %mul3A_577 = arith.constant 16 : i32
        %mul3A_578 = arith.muli %add3A_576, %mul3A_577 : i32
        %get3A_579 = arith.constant 0 : i32
        %get3A_580 = arith.constant 2 : i32
        %get3A_581 = arith.index_cast %get3A_579 : i32 to index
        %get3A_582 = arith.index_cast %get3A_580 : i32 to index
        %get3A_583 = arith.index_cast %mul3A_578 : i32 to index
        %get3A_584 = tpu.vector_load %arg5[%get3A_581, %get3A_582, %get3A_583] {strides = array<i32>} : memref<2x4x4096xf32, #tpu.memory_space<vmem>>, vector<16xf32>,
        %get3A_585 = arith.constant 0 : i32
        %get3A_586 = arith.constant 2 : i32
        %get3A_587 = arith.index_cast %get3A_585 : i32 to index
        %get3A_588 = arith.index_cast %get3A_586 : i32 to index
        %get3A_589 = arith.index_cast %mul3A_578 : i32 to index
        %get3A_590 = tpu.vector_load %arg6[%get3A_587, %get3A_588, %get3A_589] {strides = array<i32>} : memref<2x4x4096xi32, #tpu.memory_space<vmem>>, vector<16xi32>,
        %convert_element_type3A_591 = arith.sitofp %get3A_590 : vector<16xi32> to vector<16xf32>
        %add3A_592 = arith.addf %add3A_561, %convert_element_type3A_591 : vector<16xf32>
        %mul3A_593 = arith.mulf %get3A_584, %convert_element_type3A_591 : vector<16xf32>
        %add3A_594 = arith.addf %add3A_563, %mul3A_593 : vector<16xf32>
        %sub3A_595 = arith.constant 1.000000e-01 : f32
        %sub3A_596 = vector.broadcast %sub3A_595 : f32 to vector<16xf32>
        %sub3A_597 = arith.subf %get3A_584, %sub3A_596 : vector<16xf32>
        %max3A_598 = arith.constant 0.000000e+00 : f32
        %max3A_599 = vector.broadcast %max3A_598 : f32 to vector<16xf32>
        %max3A_600 = arith.maximumf %sub3A_597, %max3A_599 : vector<16xf32>
        %add3A_601 = arith.addf %add3A_570, %max3A_600 : vector<16xf32>
        %mul3A_602 = arith.mulf %max3A_600, %convert_element_type3A_591 : vector<16xf32>
        %add3A_603 = arith.addf %add3A_572, %mul3A_602 : vector<16xf32>
        scf.yield %add3A_592, %add3A_594, %add3A_601, %add3A_603 : vector<16xf32>, vector<16xf32>, vector<16xf32>, vector<16xf32>
      }
      %scan3A_182 = arith.constant 64 : i32
      %reduce_sum3A_183 = arith.constant true
      %reduce_sum3A_184 = vector.broadcast %reduce_sum3A_183 : i1 to vector<16xi1>
      %reduce_sum3A_185 = tpu.scan <sum>, %scan3A_181#0 masked %reduce_sum3A_184 : vector<16xf32>, vector<16xi1> -> vector<16xf32>
      %reduce_sum3A_186 = vector.extract %reduce_sum3A_185[15] : f32 from vector<16xf32>
      %reduce_sum3A_187 = arith.constant true
      %reduce_sum3A_188 = vector.broadcast %reduce_sum3A_187 : i1 to vector<16xi1>
      %reduce_sum3A_189 = tpu.scan <sum>, %scan3A_181#1 masked %reduce_sum3A_188 : vector<16xf32>, vector<16xi1> -> vector<16xf32>
      %reduce_sum3A_190 = vector.extract %reduce_sum3A_189[15] : f32 from vector<16xf32>
      %reduce_sum3A_191 = arith.constant true
      %reduce_sum3A_192 = vector.broadcast %reduce_sum3A_191 : i1 to vector<16xi1>
      %reduce_sum3A_193 = tpu.scan <sum>, %scan3A_181#2 masked %reduce_sum3A_192 : vector<16xf32>, vector<16xi1> -> vector<16xf32>
      %reduce_sum3A_194 = vector.extract %reduce_sum3A_193[15] : f32 from vector<16xf32>
      %reduce_sum3A_195 = arith.constant true
      %reduce_sum3A_196 = vector.broadcast %reduce_sum3A_195 : i1 to vector<16xi1>
      %reduce_sum3A_197 = tpu.scan <sum>, %scan3A_181#3 masked %reduce_sum3A_196 : vector<16xf32>, vector<16xi1> -> vector<16xf32>
      %reduce_sum3A_198 = vector.extract %reduce_sum3A_197[15] : f32 from vector<16xf32>
      %eq3A_199 = arith.constant 0 : i32
      %eq3A_200 = vector.broadcast %eq3A_199 : i32 to vector<16xi32>
      %eq3A_201 = arith.cmpi eq, %iota3A, %eq3A_200 : vector<16xi32>
      %sub3A_202 = arith.subf %reduce_sum3A_186, %reduce_sum3A_190 : f32
      %sub3A_203 = arith.subf %reduce_sum3A_194, %reduce_sum3A_198 : f32
      %broadcast_in_dim3A_204 = vector.broadcast %sub3A_202 : f32 to vector<16xf32>
      %broadcast_in_dim3A_205 = vector.broadcast %sub3A_203 : f32 to vector<16xf32>
      %select_n3A_206 = arith.select %eq3A_201, %broadcast_in_dim3A_204, %broadcast_in_dim3A_205 : vector<16xi1>, vector<16xf32>
      %sub3A_207 = arith.constant 4.096000e+03 : f32
      %sub3A_208 = arith.subf %sub3A_207, %reduce_sum3A_186 : f32
      %broadcast_in_dim3A_209 = vector.broadcast %reduce_sum3A_186 : f32 to vector<16xf32>
      %broadcast_in_dim3A_210 = vector.broadcast %sub3A_208 : f32 to vector<16xf32>
      %select_n3A_211 = arith.select %eq3A_201, %broadcast_in_dim3A_209, %broadcast_in_dim3A_210 : vector<16xi1>, vector<16xf32>
      %lt3A_212 = arith.constant 2 : i32
      %lt3A_213 = vector.broadcast %lt3A_212 : i32 to vector<16xi32>
      %lt3A_214 = arith.cmpi slt, %iota3A, %lt3A_213 : vector<16xi32>
      %div3A_215 = arith.divf %select_n3A_206, %select_n3A_211 : vector<16xf32>
      %jit3A_216 = arith.constant 0.000000e+00 : f32
      %broadcast_in_dim3A_217 = vector.broadcast %jit3A_216 : f32 to vector<16xf32>
      %select_n3A_218 = arith.select %lt3A_214, %div3A_215, %broadcast_in_dim3A_217 : vector<16xi1>, vector<16xf32>
      %add3A_219 = arith.addf %add3A_176, %select_n3A_218 : vector<16xf32>
      %scan3A_220 = arith.constant 0 : i32
      %scan3A_221 = arith.constant 64 : i32
      %scan3A_222 = arith.addi %scan3A_220, %scan3A_221 : i32
      %scan3A_223 = arith.constant 1 : i32
      %scan3A_224:4 = scf.for %scan3A_477 = %scan3A_220 to %scan3A_222 step %scan3A_223 iter_args(%scan3A_478 = %broadcast_in_dim3A_5, %scan3A_479 = %broadcast_in_dim3A_5, %scan3A_480 = %broadcast_in_dim3A_5, %scan3A_481 = %broadcast_in_dim3A_5) -> (vector<16xf32>, vector<16xf32>, vector<16xf32>, vector<16xf32>)  : i32 {
        %mul3A_482 = arith.constant 4 : i32
        %mul3A_483 = arith.muli %scan3A_477, %mul3A_482 : i32
        %add3A_484 = arith.constant 0 : i32
        %add3A_485 = arith.addi %mul3A_483, %add3A_484 : i32
        %mul3A_486 = arith.constant 16 : i32
        %mul3A_487 = arith.muli %add3A_485, %mul3A_486 : i32
        %get3A = arith.constant 0 : i32
        %get3A_488 = arith.constant 3 : i32
        %get3A_489 = arith.index_cast %get3A : i32 to index
        %get3A_490 = arith.index_cast %get3A_488 : i32 to index
        %get3A_491 = arith.index_cast %mul3A_487 : i32 to index
        %get3A_492 = tpu.vector_load %arg5[%get3A_489, %get3A_490, %get3A_491] {strides = array<i32>} : memref<2x4x4096xf32, #tpu.memory_space<vmem>>, vector<16xf32>,
        %get3A_493 = arith.constant 0 : i32
        %get3A_494 = arith.constant 3 : i32
        %get3A_495 = arith.index_cast %get3A_493 : i32 to index
        %get3A_496 = arith.index_cast %get3A_494 : i32 to index
        %get3A_497 = arith.index_cast %mul3A_487 : i32 to index
        %get3A_498 = tpu.vector_load %arg6[%get3A_495, %get3A_496, %get3A_497] {strides = array<i32>} : memref<2x4x4096xi32, #tpu.memory_space<vmem>>, vector<16xi32>,
        %convert_element_type3A_499 = arith.sitofp %get3A_498 : vector<16xi32> to vector<16xf32>
        %add3A_500 = arith.addf %scan3A_478, %convert_element_type3A_499 : vector<16xf32>
        %mul3A_501 = arith.mulf %get3A_492, %convert_element_type3A_499 : vector<16xf32>
        %add3A_502 = arith.addf %scan3A_479, %mul3A_501 : vector<16xf32>
        %sub3A_503 = arith.constant 1.000000e-01 : f32
        %sub3A_504 = vector.broadcast %sub3A_503 : f32 to vector<16xf32>
        %sub3A_505 = arith.subf %get3A_492, %sub3A_504 : vector<16xf32>
        %max3A = arith.constant 0.000000e+00 : f32
        %max3A_506 = vector.broadcast %max3A : f32 to vector<16xf32>
        %max3A_507 = arith.maximumf %sub3A_505, %max3A_506 : vector<16xf32>
        %add3A_508 = arith.addf %scan3A_480, %max3A_507 : vector<16xf32>
        %mul3A_509 = arith.mulf %max3A_507, %convert_element_type3A_499 : vector<16xf32>
        %add3A_510 = arith.addf %scan3A_481, %mul3A_509 : vector<16xf32>
        %mul3A_511 = arith.constant 4 : i32
        %mul3A_512 = arith.muli %scan3A_477, %mul3A_511 : i32
        %add3A_513 = arith.constant 1 : i32
        %add3A_514 = arith.addi %mul3A_512, %add3A_513 : i32
        %mul3A_515 = arith.constant 16 : i32
        %mul3A_516 = arith.muli %add3A_514, %mul3A_515 : i32
        %get3A_517 = arith.constant 0 : i32
        %get3A_518 = arith.constant 3 : i32
        %get3A_519 = arith.index_cast %get3A_517 : i32 to index
        %get3A_520 = arith.index_cast %get3A_518 : i32 to index
        %get3A_521 = arith.index_cast %mul3A_516 : i32 to index
        %get3A_522 = tpu.vector_load %arg5[%get3A_519, %get3A_520, %get3A_521] {strides = array<i32>} : memref<2x4x4096xf32, #tpu.memory_space<vmem>>, vector<16xf32>,
        %get3A_523 = arith.constant 0 : i32
        %get3A_524 = arith.constant 3 : i32
        %get3A_525 = arith.index_cast %get3A_523 : i32 to index
        %get3A_526 = arith.index_cast %get3A_524 : i32 to index
        %get3A_527 = arith.index_cast %mul3A_516 : i32 to index
        %get3A_528 = tpu.vector_load %arg6[%get3A_525, %get3A_526, %get3A_527] {strides = array<i32>} : memref<2x4x4096xi32, #tpu.memory_space<vmem>>, vector<16xi32>,
        %convert_element_type3A_529 = arith.sitofp %get3A_528 : vector<16xi32> to vector<16xf32>
        %add3A_530 = arith.addf %add3A_500, %convert_element_type3A_529 : vector<16xf32>
        %mul3A_531 = arith.mulf %get3A_522, %convert_element_type3A_529 : vector<16xf32>
        %add3A_532 = arith.addf %add3A_502, %mul3A_531 : vector<16xf32>
        %sub3A_533 = arith.constant 1.000000e-01 : f32
        %sub3A_534 = vector.broadcast %sub3A_533 : f32 to vector<16xf32>
        %sub3A_535 = arith.subf %get3A_522, %sub3A_534 : vector<16xf32>
        %max3A_536 = arith.constant 0.000000e+00 : f32
        %max3A_537 = vector.broadcast %max3A_536 : f32 to vector<16xf32>
        %max3A_538 = arith.maximumf %sub3A_535, %max3A_537 : vector<16xf32>
        %add3A_539 = arith.addf %add3A_508, %max3A_538 : vector<16xf32>
        %mul3A_540 = arith.mulf %max3A_538, %convert_element_type3A_529 : vector<16xf32>
        %add3A_541 = arith.addf %add3A_510, %mul3A_540 : vector<16xf32>
        %mul3A_542 = arith.constant 4 : i32
        %mul3A_543 = arith.muli %scan3A_477, %mul3A_542 : i32
        %add3A_544 = arith.constant 2 : i32
        %add3A_545 = arith.addi %mul3A_543, %add3A_544 : i32
        %mul3A_546 = arith.constant 16 : i32
        %mul3A_547 = arith.muli %add3A_545, %mul3A_546 : i32
        %get3A_548 = arith.constant 0 : i32
        %get3A_549 = arith.constant 3 : i32
        %get3A_550 = arith.index_cast %get3A_548 : i32 to index
        %get3A_551 = arith.index_cast %get3A_549 : i32 to index
        %get3A_552 = arith.index_cast %mul3A_547 : i32 to index
        %get3A_553 = tpu.vector_load %arg5[%get3A_550, %get3A_551, %get3A_552] {strides = array<i32>} : memref<2x4x4096xf32, #tpu.memory_space<vmem>>, vector<16xf32>,
        %get3A_554 = arith.constant 0 : i32
        %get3A_555 = arith.constant 3 : i32
        %get3A_556 = arith.index_cast %get3A_554 : i32 to index
        %get3A_557 = arith.index_cast %get3A_555 : i32 to index
        %get3A_558 = arith.index_cast %mul3A_547 : i32 to index
        %get3A_559 = tpu.vector_load %arg6[%get3A_556, %get3A_557, %get3A_558] {strides = array<i32>} : memref<2x4x4096xi32, #tpu.memory_space<vmem>>, vector<16xi32>,
        %convert_element_type3A_560 = arith.sitofp %get3A_559 : vector<16xi32> to vector<16xf32>
        %add3A_561 = arith.addf %add3A_530, %convert_element_type3A_560 : vector<16xf32>
        %mul3A_562 = arith.mulf %get3A_553, %convert_element_type3A_560 : vector<16xf32>
        %add3A_563 = arith.addf %add3A_532, %mul3A_562 : vector<16xf32>
        %sub3A_564 = arith.constant 1.000000e-01 : f32
        %sub3A_565 = vector.broadcast %sub3A_564 : f32 to vector<16xf32>
        %sub3A_566 = arith.subf %get3A_553, %sub3A_565 : vector<16xf32>
        %max3A_567 = arith.constant 0.000000e+00 : f32
        %max3A_568 = vector.broadcast %max3A_567 : f32 to vector<16xf32>
        %max3A_569 = arith.maximumf %sub3A_566, %max3A_568 : vector<16xf32>
        %add3A_570 = arith.addf %add3A_539, %max3A_569 : vector<16xf32>
        %mul3A_571 = arith.mulf %max3A_569, %convert_element_type3A_560 : vector<16xf32>
        %add3A_572 = arith.addf %add3A_541, %mul3A_571 : vector<16xf32>
        %mul3A_573 = arith.constant 4 : i32
        %mul3A_574 = arith.muli %scan3A_477, %mul3A_573 : i32
        %add3A_575 = arith.constant 3 : i32
        %add3A_576 = arith.addi %mul3A_574, %add3A_575 : i32
        %mul3A_577 = arith.constant 16 : i32
        %mul3A_578 = arith.muli %add3A_576, %mul3A_577 : i32
        %get3A_579 = arith.constant 0 : i32
        %get3A_580 = arith.constant 3 : i32
        %get3A_581 = arith.index_cast %get3A_579 : i32 to index
        %get3A_582 = arith.index_cast %get3A_580 : i32 to index
        %get3A_583 = arith.index_cast %mul3A_578 : i32 to index
        %get3A_584 = tpu.vector_load %arg5[%get3A_581, %get3A_582, %get3A_583] {strides = array<i32>} : memref<2x4x4096xf32, #tpu.memory_space<vmem>>, vector<16xf32>,
        %get3A_585 = arith.constant 0 : i32
        %get3A_586 = arith.constant 3 : i32
        %get3A_587 = arith.index_cast %get3A_585 : i32 to index
        %get3A_588 = arith.index_cast %get3A_586 : i32 to index
        %get3A_589 = arith.index_cast %mul3A_578 : i32 to index
        %get3A_590 = tpu.vector_load %arg6[%get3A_587, %get3A_588, %get3A_589] {strides = array<i32>} : memref<2x4x4096xi32, #tpu.memory_space<vmem>>, vector<16xi32>,
        %convert_element_type3A_591 = arith.sitofp %get3A_590 : vector<16xi32> to vector<16xf32>
        %add3A_592 = arith.addf %add3A_561, %convert_element_type3A_591 : vector<16xf32>
        %mul3A_593 = arith.mulf %get3A_584, %convert_element_type3A_591 : vector<16xf32>
        %add3A_594 = arith.addf %add3A_563, %mul3A_593 : vector<16xf32>
        %sub3A_595 = arith.constant 1.000000e-01 : f32
        %sub3A_596 = vector.broadcast %sub3A_595 : f32 to vector<16xf32>
        %sub3A_597 = arith.subf %get3A_584, %sub3A_596 : vector<16xf32>
        %max3A_598 = arith.constant 0.000000e+00 : f32
        %max3A_599 = vector.broadcast %max3A_598 : f32 to vector<16xf32>
        %max3A_600 = arith.maximumf %sub3A_597, %max3A_599 : vector<16xf32>
        %add3A_601 = arith.addf %add3A_570, %max3A_600 : vector<16xf32>
        %mul3A_602 = arith.mulf %max3A_600, %convert_element_type3A_591 : vector<16xf32>
        %add3A_603 = arith.addf %add3A_572, %mul3A_602 : vector<16xf32>
        scf.yield %add3A_592, %add3A_594, %add3A_601, %add3A_603 : vector<16xf32>, vector<16xf32>, vector<16xf32>, vector<16xf32>
      }
      %scan3A_225 = arith.constant 64 : i32
      %reduce_sum3A_226 = arith.constant true
      %reduce_sum3A_227 = vector.broadcast %reduce_sum3A_226 : i1 to vector<16xi1>
      %reduce_sum3A_228 = tpu.scan <sum>, %scan3A_224#0 masked %reduce_sum3A_227 : vector<16xf32>, vector<16xi1> -> vector<16xf32>
      %reduce_sum3A_229 = vector.extract %reduce_sum3A_228[15] : f32 from vector<16xf32>
      %reduce_sum3A_230 = arith.constant true
      %reduce_sum3A_231 = vector.broadcast %reduce_sum3A_230 : i1 to vector<16xi1>
      %reduce_sum3A_232 = tpu.scan <sum>, %scan3A_224#1 masked %reduce_sum3A_231 : vector<16xf32>, vector<16xi1> -> vector<16xf32>
      %reduce_sum3A_233 = vector.extract %reduce_sum3A_232[15] : f32 from vector<16xf32>
      %reduce_sum3A_234 = arith.constant true
      %reduce_sum3A_235 = vector.broadcast %reduce_sum3A_234 : i1 to vector<16xi1>
      %reduce_sum3A_236 = tpu.scan <sum>, %scan3A_224#2 masked %reduce_sum3A_235 : vector<16xf32>, vector<16xi1> -> vector<16xf32>
      %reduce_sum3A_237 = vector.extract %reduce_sum3A_236[15] : f32 from vector<16xf32>
      %reduce_sum3A_238 = arith.constant true
      %reduce_sum3A_239 = vector.broadcast %reduce_sum3A_238 : i1 to vector<16xi1>
      %reduce_sum3A_240 = tpu.scan <sum>, %scan3A_224#3 masked %reduce_sum3A_239 : vector<16xf32>, vector<16xi1> -> vector<16xf32>
      %reduce_sum3A_241 = vector.extract %reduce_sum3A_240[15] : f32 from vector<16xf32>
      %eq3A_242 = arith.constant 0 : i32
      %eq3A_243 = vector.broadcast %eq3A_242 : i32 to vector<16xi32>
      %eq3A_244 = arith.cmpi eq, %iota3A, %eq3A_243 : vector<16xi32>
      %sub3A_245 = arith.subf %reduce_sum3A_229, %reduce_sum3A_233 : f32
      %sub3A_246 = arith.subf %reduce_sum3A_237, %reduce_sum3A_241 : f32
      %broadcast_in_dim3A_247 = vector.broadcast %sub3A_245 : f32 to vector<16xf32>
      %broadcast_in_dim3A_248 = vector.broadcast %sub3A_246 : f32 to vector<16xf32>
      %select_n3A_249 = arith.select %eq3A_244, %broadcast_in_dim3A_247, %broadcast_in_dim3A_248 : vector<16xi1>, vector<16xf32>
      %sub3A_250 = arith.constant 4.096000e+03 : f32
      %sub3A_251 = arith.subf %sub3A_250, %reduce_sum3A_229 : f32
      %broadcast_in_dim3A_252 = vector.broadcast %reduce_sum3A_229 : f32 to vector<16xf32>
      %broadcast_in_dim3A_253 = vector.broadcast %sub3A_251 : f32 to vector<16xf32>
      %select_n3A_254 = arith.select %eq3A_244, %broadcast_in_dim3A_252, %broadcast_in_dim3A_253 : vector<16xi1>, vector<16xf32>
      %lt3A_255 = arith.constant 2 : i32
      %lt3A_256 = vector.broadcast %lt3A_255 : i32 to vector<16xi32>
      %lt3A_257 = arith.cmpi slt, %iota3A, %lt3A_256 : vector<16xi32>
      %div3A_258 = arith.divf %select_n3A_249, %select_n3A_254 : vector<16xf32>
      %jit3A_259 = arith.constant 0.000000e+00 : f32
      %broadcast_in_dim3A_260 = vector.broadcast %jit3A_259 : f32 to vector<16xf32>
      %select_n3A_261 = arith.select %lt3A_257, %div3A_258, %broadcast_in_dim3A_260 : vector<16xi1>, vector<16xf32>
      %add3A_262 = arith.addf %add3A_219, %select_n3A_261 : vector<16xf32>
      %add3A_263 = arith.constant 2 : i32
      %add3A_264 = arith.addi %add3A_72, %add3A_263 : i32
      %lt3A_265 = arith.constant 6 : i32
      %lt3A_266 = arith.cmpi slt, %add3A_264, %lt3A_265 : i32
      %convert_element_type3A = arith.extui %lt3A_266 : i1 to i32
      %cond3A = arith.constant 0 : i32
      %cond3A_267 = arith.cmpi ne, %convert_element_type3A, %cond3A : i32
      scf.if %cond3A_267 {
        %add3A_477 = arith.constant 2 : i32
        %add3A_478 = arith.addi %add3A_72, %add3A_477 : i32
        %mul3A_479 = arith.constant 4 : i32
        %mul3A_480 = arith.muli %add3A_478, %mul3A_479 : i32
        %add3A_481 = arith.addi %add3A_4, %mul3A_480 : i32
        %dma_start3A_482 = arith.constant 0 : i32
        %dma_start3A_483 = arith.constant 0 : i32
        %dma_start3A_484 = arith.constant 0 : i32
        %dma_start3A_485 = tpu.memref_slice %arg5[%dma_start3A_482, %dma_start3A_483, %dma_start3A_484] : memref<2x4x4096xf32, #tpu.memory_space<vmem>> -> memref<1x4x4096xf32, #tpu.memory_space<vmem>>
        %dma_start3A_486 = tpu.memref_squeeze %dma_start3A_485 : memref<1x4x4096xf32, #tpu.memory_space<vmem>> -> memref<4x4096xf32, #tpu.memory_space<vmem>>
        %dma_start3A_487 = arith.constant 0 : i32
        %dma_start3A_488 = tpu.memref_slice %arg2[%add3A_481, %dma_start3A_487] : memref<4096x4096xf32, #tpu.memory_space<hbm>> -> memref<4x4096xf32, #tpu.memory_space<hbm>>
        %dma_start3A_489 = arith.constant 0 : i32
        %dma_start3A_490 = arith.constant 0 : i32
        %dma_start3A_491 = tpu.memref_slice %arg5[%dma_start3A_482, %dma_start3A_489, %dma_start3A_490] : memref<2x4x4096xf32, #tpu.memory_space<vmem>> -> memref<1x4x4096xf32, #tpu.memory_space<vmem>>
        %dma_start3A_492 = tpu.memref_squeeze %dma_start3A_491 : memref<1x4x4096xf32, #tpu.memory_space<vmem>> -> memref<4x4096xf32, #tpu.memory_space<vmem>>
        %dma_start3A_493 = arith.constant 0 : i32
        %dma_start3A_494 = tpu.memref_slice %arg2[%add3A_481, %dma_start3A_493] : memref<4096x4096xf32, #tpu.memory_space<hbm>> -> memref<4x4096xf32, #tpu.memory_space<hbm>>
        tpu.enqueue_dma source(%dma_start3A_494 : memref<4x4096xf32, #tpu.memory_space<hbm>>) target(%dma_start3A_492 : memref<4x4096xf32, #tpu.memory_space<vmem>>) target_semaphore(%arg8 : memref<!tpu.dma_semaphore, #tpu.memory_space<semaphore_mem>>)
        %dma_start3A_495 = arith.constant 0 : i32
        %dma_start3A_496 = arith.constant 0 : i32
        %dma_start3A_497 = arith.constant 0 : i32
        %dma_start3A_498 = tpu.memref_slice %arg6[%dma_start3A_495, %dma_start3A_496, %dma_start3A_497] : memref<2x4x4096xi32, #tpu.memory_space<vmem>> -> memref<1x4x4096xi32, #tpu.memory_space<vmem>>
        %dma_start3A_499 = tpu.memref_squeeze %dma_start3A_498 : memref<1x4x4096xi32, #tpu.memory_space<vmem>> -> memref<4x4096xi32, #tpu.memory_space<vmem>>
        %dma_start3A_500 = arith.constant 0 : i32
        %dma_start3A_501 = tpu.memref_slice %arg3[%add3A_481, %dma_start3A_500] : memref<4096x4096xi32, #tpu.memory_space<hbm>> -> memref<4x4096xi32, #tpu.memory_space<hbm>>
        %dma_start3A_502 = arith.constant 0 : i32
        %dma_start3A_503 = arith.constant 0 : i32
        %dma_start3A_504 = tpu.memref_slice %arg6[%dma_start3A_495, %dma_start3A_502, %dma_start3A_503] : memref<2x4x4096xi32, #tpu.memory_space<vmem>> -> memref<1x4x4096xi32, #tpu.memory_space<vmem>>
        %dma_start3A_505 = tpu.memref_squeeze %dma_start3A_504 : memref<1x4x4096xi32, #tpu.memory_space<vmem>> -> memref<4x4096xi32, #tpu.memory_space<vmem>>
        %dma_start3A_506 = arith.constant 0 : i32
        %dma_start3A_507 = tpu.memref_slice %arg3[%add3A_481, %dma_start3A_506] : memref<4096x4096xi32, #tpu.memory_space<hbm>> -> memref<4x4096xi32, #tpu.memory_space<hbm>>
        tpu.enqueue_dma source(%dma_start3A_507 : memref<4x4096xi32, #tpu.memory_space<hbm>>) target(%dma_start3A_505 : memref<4x4096xi32, #tpu.memory_space<vmem>>) target_semaphore(%arg8 : memref<!tpu.dma_semaphore, #tpu.memory_space<semaphore_mem>>)
      } else {
      }
      %mul3A_268 = arith.constant 2 : i32
      %mul3A_269 = arith.muli %scan3A_67, %mul3A_268 : i32
      %add3A_270 = arith.constant 1 : i32
      %add3A_271 = arith.addi %mul3A_269, %add3A_270 : i32
      %dma_wait3A_272 = arith.constant 1 : i32
      %dma_wait3A_273 = arith.constant 0 : i32
      %dma_wait3A_274 = arith.constant 0 : i32
      %dma_wait3A_275 = tpu.memref_slice %arg5[%dma_wait3A_272, %dma_wait3A_273, %dma_wait3A_274] : memref<2x4x4096xf32, #tpu.memory_space<vmem>> -> memref<1x4x4096xf32, #tpu.memory_space<vmem>>
      %dma_wait3A_276 = tpu.memref_squeeze %dma_wait3A_275 : memref<1x4x4096xf32, #tpu.memory_space<vmem>> -> memref<4x4096xf32, #tpu.memory_space<vmem>>
      %dma_wait3A_277 = arith.constant 0 : i32
      %dma_wait3A_278 = tpu.memref_slice %arg2[%add3A_4, %dma_wait3A_277] : memref<4096x4096xf32, #tpu.memory_space<hbm>> -> memref<4x4096xf32, #tpu.memory_space<hbm>>
      %dma_wait3A_279 = arith.constant 0 : i32
      %dma_wait3A_280 = arith.constant 0 : i32
      %dma_wait3A_281 = tpu.memref_slice %arg5[%dma_wait3A_272, %dma_wait3A_279, %dma_wait3A_280] : memref<2x4x4096xf32, #tpu.memory_space<vmem>> -> memref<1x4x4096xf32, #tpu.memory_space<vmem>>
      %dma_wait3A_282 = tpu.memref_squeeze %dma_wait3A_281 : memref<1x4x4096xf32, #tpu.memory_space<vmem>> -> memref<4x4096xf32, #tpu.memory_space<vmem>>
      %dma_wait3A_283 = arith.constant 0 : i32
      %dma_wait3A_284 = tpu.memref_slice %arg2[%add3A_4, %dma_wait3A_283] : memref<4096x4096xf32, #tpu.memory_space<hbm>> -> memref<4x4096xf32, #tpu.memory_space<hbm>>
      tpu.wait_dma2 semaphore(%arg9 : memref<!tpu.dma_semaphore, #tpu.memory_space<semaphore_mem>>) src(%dma_wait3A_284 : memref<4x4096xf32, #tpu.memory_space<hbm>>) dst(%dma_wait3A_282 : memref<4x4096xf32, #tpu.memory_space<vmem>>)
      %dma_wait3A_285 = arith.constant 1 : i32
      %dma_wait3A_286 = arith.constant 0 : i32
      %dma_wait3A_287 = arith.constant 0 : i32
      %dma_wait3A_288 = tpu.memref_slice %arg6[%dma_wait3A_285, %dma_wait3A_286, %dma_wait3A_287] : memref<2x4x4096xi32, #tpu.memory_space<vmem>> -> memref<1x4x4096xi32, #tpu.memory_space<vmem>>
      %dma_wait3A_289 = tpu.memref_squeeze %dma_wait3A_288 : memref<1x4x4096xi32, #tpu.memory_space<vmem>> -> memref<4x4096xi32, #tpu.memory_space<vmem>>
      %dma_wait3A_290 = arith.constant 0 : i32
      %dma_wait3A_291 = tpu.memref_slice %arg3[%add3A_4, %dma_wait3A_290] : memref<4096x4096xi32, #tpu.memory_space<hbm>> -> memref<4x4096xi32, #tpu.memory_space<hbm>>
      %dma_wait3A_292 = arith.constant 0 : i32
      %dma_wait3A_293 = arith.constant 0 : i32
      %dma_wait3A_294 = tpu.memref_slice %arg6[%dma_wait3A_285, %dma_wait3A_292, %dma_wait3A_293] : memref<2x4x4096xi32, #tpu.memory_space<vmem>> -> memref<1x4x4096xi32, #tpu.memory_space<vmem>>
      %dma_wait3A_295 = tpu.memref_squeeze %dma_wait3A_294 : memref<1x4x4096xi32, #tpu.memory_space<vmem>> -> memref<4x4096xi32, #tpu.memory_space<vmem>>
      %dma_wait3A_296 = arith.constant 0 : i32
      %dma_wait3A_297 = tpu.memref_slice %arg3[%add3A_4, %dma_wait3A_296] : memref<4096x4096xi32, #tpu.memory_space<hbm>> -> memref<4x4096xi32, #tpu.memory_space<hbm>>
      tpu.wait_dma2 semaphore(%arg9 : memref<!tpu.dma_semaphore, #tpu.memory_space<semaphore_mem>>) src(%dma_wait3A_297 : memref<4x4096xi32, #tpu.memory_space<hbm>>) dst(%dma_wait3A_295 : memref<4x4096xi32, #tpu.memory_space<vmem>>)
      %scan3A_298 = arith.constant 0 : i32
      %scan3A_299 = arith.constant 64 : i32
      %scan3A_300 = arith.addi %scan3A_298, %scan3A_299 : i32
      %scan3A_301 = arith.constant 1 : i32
      %scan3A_302:4 = scf.for %scan3A_477 = %scan3A_298 to %scan3A_300 step %scan3A_301 iter_args(%scan3A_478 = %broadcast_in_dim3A_5, %scan3A_479 = %broadcast_in_dim3A_5, %scan3A_480 = %broadcast_in_dim3A_5, %scan3A_481 = %broadcast_in_dim3A_5) -> (vector<16xf32>, vector<16xf32>, vector<16xf32>, vector<16xf32>)  : i32 {
        %mul3A_482 = arith.constant 4 : i32
        %mul3A_483 = arith.muli %scan3A_477, %mul3A_482 : i32
        %add3A_484 = arith.constant 0 : i32
        %add3A_485 = arith.addi %mul3A_483, %add3A_484 : i32
        %mul3A_486 = arith.constant 16 : i32
        %mul3A_487 = arith.muli %add3A_485, %mul3A_486 : i32
        %get3A = arith.constant 1 : i32
        %get3A_488 = arith.constant 0 : i32
        %get3A_489 = arith.index_cast %get3A : i32 to index
        %get3A_490 = arith.index_cast %get3A_488 : i32 to index
        %get3A_491 = arith.index_cast %mul3A_487 : i32 to index
        %get3A_492 = tpu.vector_load %arg5[%get3A_489, %get3A_490, %get3A_491] {strides = array<i32>} : memref<2x4x4096xf32, #tpu.memory_space<vmem>>, vector<16xf32>,
        %get3A_493 = arith.constant 1 : i32
        %get3A_494 = arith.constant 0 : i32
        %get3A_495 = arith.index_cast %get3A_493 : i32 to index
        %get3A_496 = arith.index_cast %get3A_494 : i32 to index
        %get3A_497 = arith.index_cast %mul3A_487 : i32 to index
        %get3A_498 = tpu.vector_load %arg6[%get3A_495, %get3A_496, %get3A_497] {strides = array<i32>} : memref<2x4x4096xi32, #tpu.memory_space<vmem>>, vector<16xi32>,
        %convert_element_type3A_499 = arith.sitofp %get3A_498 : vector<16xi32> to vector<16xf32>
        %add3A_500 = arith.addf %scan3A_478, %convert_element_type3A_499 : vector<16xf32>
        %mul3A_501 = arith.mulf %get3A_492, %convert_element_type3A_499 : vector<16xf32>
        %add3A_502 = arith.addf %scan3A_479, %mul3A_501 : vector<16xf32>
        %sub3A_503 = arith.constant 1.000000e-01 : f32
        %sub3A_504 = vector.broadcast %sub3A_503 : f32 to vector<16xf32>
        %sub3A_505 = arith.subf %get3A_492, %sub3A_504 : vector<16xf32>
        %max3A = arith.constant 0.000000e+00 : f32
        %max3A_506 = vector.broadcast %max3A : f32 to vector<16xf32>
        %max3A_507 = arith.maximumf %sub3A_505, %max3A_506 : vector<16xf32>
        %add3A_508 = arith.addf %scan3A_480, %max3A_507 : vector<16xf32>
        %mul3A_509 = arith.mulf %max3A_507, %convert_element_type3A_499 : vector<16xf32>
        %add3A_510 = arith.addf %scan3A_481, %mul3A_509 : vector<16xf32>
        %mul3A_511 = arith.constant 4 : i32
        %mul3A_512 = arith.muli %scan3A_477, %mul3A_511 : i32
        %add3A_513 = arith.constant 1 : i32
        %add3A_514 = arith.addi %mul3A_512, %add3A_513 : i32
        %mul3A_515 = arith.constant 16 : i32
        %mul3A_516 = arith.muli %add3A_514, %mul3A_515 : i32
        %get3A_517 = arith.constant 1 : i32
        %get3A_518 = arith.constant 0 : i32
        %get3A_519 = arith.index_cast %get3A_517 : i32 to index
        %get3A_520 = arith.index_cast %get3A_518 : i32 to index
        %get3A_521 = arith.index_cast %mul3A_516 : i32 to index
        %get3A_522 = tpu.vector_load %arg5[%get3A_519, %get3A_520, %get3A_521] {strides = array<i32>} : memref<2x4x4096xf32, #tpu.memory_space<vmem>>, vector<16xf32>,
        %get3A_523 = arith.constant 1 : i32
        %get3A_524 = arith.constant 0 : i32
        %get3A_525 = arith.index_cast %get3A_523 : i32 to index
        %get3A_526 = arith.index_cast %get3A_524 : i32 to index
        %get3A_527 = arith.index_cast %mul3A_516 : i32 to index
        %get3A_528 = tpu.vector_load %arg6[%get3A_525, %get3A_526, %get3A_527] {strides = array<i32>} : memref<2x4x4096xi32, #tpu.memory_space<vmem>>, vector<16xi32>,
        %convert_element_type3A_529 = arith.sitofp %get3A_528 : vector<16xi32> to vector<16xf32>
        %add3A_530 = arith.addf %add3A_500, %convert_element_type3A_529 : vector<16xf32>
        %mul3A_531 = arith.mulf %get3A_522, %convert_element_type3A_529 : vector<16xf32>
        %add3A_532 = arith.addf %add3A_502, %mul3A_531 : vector<16xf32>
        %sub3A_533 = arith.constant 1.000000e-01 : f32
        %sub3A_534 = vector.broadcast %sub3A_533 : f32 to vector<16xf32>
        %sub3A_535 = arith.subf %get3A_522, %sub3A_534 : vector<16xf32>
        %max3A_536 = arith.constant 0.000000e+00 : f32
        %max3A_537 = vector.broadcast %max3A_536 : f32 to vector<16xf32>
        %max3A_538 = arith.maximumf %sub3A_535, %max3A_537 : vector<16xf32>
        %add3A_539 = arith.addf %add3A_508, %max3A_538 : vector<16xf32>
        %mul3A_540 = arith.mulf %max3A_538, %convert_element_type3A_529 : vector<16xf32>
        %add3A_541 = arith.addf %add3A_510, %mul3A_540 : vector<16xf32>
        %mul3A_542 = arith.constant 4 : i32
        %mul3A_543 = arith.muli %scan3A_477, %mul3A_542 : i32
        %add3A_544 = arith.constant 2 : i32
        %add3A_545 = arith.addi %mul3A_543, %add3A_544 : i32
        %mul3A_546 = arith.constant 16 : i32
        %mul3A_547 = arith.muli %add3A_545, %mul3A_546 : i32
        %get3A_548 = arith.constant 1 : i32
        %get3A_549 = arith.constant 0 : i32
        %get3A_550 = arith.index_cast %get3A_548 : i32 to index
        %get3A_551 = arith.index_cast %get3A_549 : i32 to index
        %get3A_552 = arith.index_cast %mul3A_547 : i32 to index
        %get3A_553 = tpu.vector_load %arg5[%get3A_550, %get3A_551, %get3A_552] {strides = array<i32>} : memref<2x4x4096xf32, #tpu.memory_space<vmem>>, vector<16xf32>,
        %get3A_554 = arith.constant 1 : i32
        %get3A_555 = arith.constant 0 : i32
        %get3A_556 = arith.index_cast %get3A_554 : i32 to index
        %get3A_557 = arith.index_cast %get3A_555 : i32 to index
        %get3A_558 = arith.index_cast %mul3A_547 : i32 to index
        %get3A_559 = tpu.vector_load %arg6[%get3A_556, %get3A_557, %get3A_558] {strides = array<i32>} : memref<2x4x4096xi32, #tpu.memory_space<vmem>>, vector<16xi32>,
        %convert_element_type3A_560 = arith.sitofp %get3A_559 : vector<16xi32> to vector<16xf32>
        %add3A_561 = arith.addf %add3A_530, %convert_element_type3A_560 : vector<16xf32>
        %mul3A_562 = arith.mulf %get3A_553, %convert_element_type3A_560 : vector<16xf32>
        %add3A_563 = arith.addf %add3A_532, %mul3A_562 : vector<16xf32>
        %sub3A_564 = arith.constant 1.000000e-01 : f32
        %sub3A_565 = vector.broadcast %sub3A_564 : f32 to vector<16xf32>
        %sub3A_566 = arith.subf %get3A_553, %sub3A_565 : vector<16xf32>
        %max3A_567 = arith.constant 0.000000e+00 : f32
        %max3A_568 = vector.broadcast %max3A_567 : f32 to vector<16xf32>
        %max3A_569 = arith.maximumf %sub3A_566, %max3A_568 : vector<16xf32>
        %add3A_570 = arith.addf %add3A_539, %max3A_569 : vector<16xf32>
        %mul3A_571 = arith.mulf %max3A_569, %convert_element_type3A_560 : vector<16xf32>
        %add3A_572 = arith.addf %add3A_541, %mul3A_571 : vector<16xf32>
        %mul3A_573 = arith.constant 4 : i32
        %mul3A_574 = arith.muli %scan3A_477, %mul3A_573 : i32
        %add3A_575 = arith.constant 3 : i32
        %add3A_576 = arith.addi %mul3A_574, %add3A_575 : i32
        %mul3A_577 = arith.constant 16 : i32
        %mul3A_578 = arith.muli %add3A_576, %mul3A_577 : i32
        %get3A_579 = arith.constant 1 : i32
        %get3A_580 = arith.constant 0 : i32
        %get3A_581 = arith.index_cast %get3A_579 : i32 to index
        %get3A_582 = arith.index_cast %get3A_580 : i32 to index
        %get3A_583 = arith.index_cast %mul3A_578 : i32 to index
        %get3A_584 = tpu.vector_load %arg5[%get3A_581, %get3A_582, %get3A_583] {strides = array<i32>} : memref<2x4x4096xf32, #tpu.memory_space<vmem>>, vector<16xf32>,
        %get3A_585 = arith.constant 1 : i32
        %get3A_586 = arith.constant 0 : i32
        %get3A_587 = arith.index_cast %get3A_585 : i32 to index
        %get3A_588 = arith.index_cast %get3A_586 : i32 to index
        %get3A_589 = arith.index_cast %mul3A_578 : i32 to index
        %get3A_590 = tpu.vector_load %arg6[%get3A_587, %get3A_588, %get3A_589] {strides = array<i32>} : memref<2x4x4096xi32, #tpu.memory_space<vmem>>, vector<16xi32>,
        %convert_element_type3A_591 = arith.sitofp %get3A_590 : vector<16xi32> to vector<16xf32>
        %add3A_592 = arith.addf %add3A_561, %convert_element_type3A_591 : vector<16xf32>
        %mul3A_593 = arith.mulf %get3A_584, %convert_element_type3A_591 : vector<16xf32>
        %add3A_594 = arith.addf %add3A_563, %mul3A_593 : vector<16xf32>
        %sub3A_595 = arith.constant 1.000000e-01 : f32
        %sub3A_596 = vector.broadcast %sub3A_595 : f32 to vector<16xf32>
        %sub3A_597 = arith.subf %get3A_584, %sub3A_596 : vector<16xf32>
        %max3A_598 = arith.constant 0.000000e+00 : f32
        %max3A_599 = vector.broadcast %max3A_598 : f32 to vector<16xf32>
        %max3A_600 = arith.maximumf %sub3A_597, %max3A_599 : vector<16xf32>
        %add3A_601 = arith.addf %add3A_570, %max3A_600 : vector<16xf32>
        %mul3A_602 = arith.mulf %max3A_600, %convert_element_type3A_591 : vector<16xf32>
        %add3A_603 = arith.addf %add3A_572, %mul3A_602 : vector<16xf32>
        scf.yield %add3A_592, %add3A_594, %add3A_601, %add3A_603 : vector<16xf32>, vector<16xf32>, vector<16xf32>, vector<16xf32>
      }
      %scan3A_303 = arith.constant 64 : i32
      %reduce_sum3A_304 = arith.constant true
      %reduce_sum3A_305 = vector.broadcast %reduce_sum3A_304 : i1 to vector<16xi1>
      %reduce_sum3A_306 = tpu.scan <sum>, %scan3A_302#0 masked %reduce_sum3A_305 : vector<16xf32>, vector<16xi1> -> vector<16xf32>
      %reduce_sum3A_307 = vector.extract %reduce_sum3A_306[15] : f32 from vector<16xf32>
      %reduce_sum3A_308 = arith.constant true
      %reduce_sum3A_309 = vector.broadcast %reduce_sum3A_308 : i1 to vector<16xi1>
      %reduce_sum3A_310 = tpu.scan <sum>, %scan3A_302#1 masked %reduce_sum3A_309 : vector<16xf32>, vector<16xi1> -> vector<16xf32>
      %reduce_sum3A_311 = vector.extract %reduce_sum3A_310[15] : f32 from vector<16xf32>
      %reduce_sum3A_312 = arith.constant true
      %reduce_sum3A_313 = vector.broadcast %reduce_sum3A_312 : i1 to vector<16xi1>
      %reduce_sum3A_314 = tpu.scan <sum>, %scan3A_302#2 masked %reduce_sum3A_313 : vector<16xf32>, vector<16xi1> -> vector<16xf32>
      %reduce_sum3A_315 = vector.extract %reduce_sum3A_314[15] : f32 from vector<16xf32>
      %reduce_sum3A_316 = arith.constant true
      %reduce_sum3A_317 = vector.broadcast %reduce_sum3A_316 : i1 to vector<16xi1>
      %reduce_sum3A_318 = tpu.scan <sum>, %scan3A_302#3 masked %reduce_sum3A_317 : vector<16xf32>, vector<16xi1> -> vector<16xf32>
      %reduce_sum3A_319 = vector.extract %reduce_sum3A_318[15] : f32 from vector<16xf32>
      %eq3A_320 = arith.constant 0 : i32
      %eq3A_321 = vector.broadcast %eq3A_320 : i32 to vector<16xi32>
      %eq3A_322 = arith.cmpi eq, %iota3A, %eq3A_321 : vector<16xi32>
      %sub3A_323 = arith.subf %reduce_sum3A_307, %reduce_sum3A_311 : f32
      %sub3A_324 = arith.subf %reduce_sum3A_315, %reduce_sum3A_319 : f32
      %broadcast_in_dim3A_325 = vector.broadcast %sub3A_323 : f32 to vector<16xf32>
      %broadcast_in_dim3A_326 = vector.broadcast %sub3A_324 : f32 to vector<16xf32>
      %select_n3A_327 = arith.select %eq3A_322, %broadcast_in_dim3A_325, %broadcast_in_dim3A_326 : vector<16xi1>, vector<16xf32>
      %sub3A_328 = arith.constant 4.096000e+03 : f32
      %sub3A_329 = arith.subf %sub3A_328, %reduce_sum3A_307 : f32
      %broadcast_in_dim3A_330 = vector.broadcast %reduce_sum3A_307 : f32 to vector<16xf32>
      %broadcast_in_dim3A_331 = vector.broadcast %sub3A_329 : f32 to vector<16xf32>
      %select_n3A_332 = arith.select %eq3A_322, %broadcast_in_dim3A_330, %broadcast_in_dim3A_331 : vector<16xi1>, vector<16xf32>
      %lt3A_333 = arith.constant 2 : i32
      %lt3A_334 = vector.broadcast %lt3A_333 : i32 to vector<16xi32>
      %lt3A_335 = arith.cmpi slt, %iota3A, %lt3A_334 : vector<16xi32>
      %div3A_336 = arith.divf %select_n3A_327, %select_n3A_332 : vector<16xf32>
      %jit3A_337 = arith.constant 0.000000e+00 : f32
      %broadcast_in_dim3A_338 = vector.broadcast %jit3A_337 : f32 to vector<16xf32>
      %select_n3A_339 = arith.select %lt3A_335, %div3A_336, %broadcast_in_dim3A_338 : vector<16xi1>, vector<16xf32>
      %add3A_340 = arith.addf %add3A_262, %select_n3A_339 : vector<16xf32>
      %scan3A_341 = arith.constant 0 : i32
      %scan3A_342 = arith.constant 64 : i32
      %scan3A_343 = arith.addi %scan3A_341, %scan3A_342 : i32
      %scan3A_344 = arith.constant 1 : i32
      %scan3A_345:4 = scf.for %scan3A_477 = %scan3A_341 to %scan3A_343 step %scan3A_344 iter_args(%scan3A_478 = %broadcast_in_dim3A_5, %scan3A_479 = %broadcast_in_dim3A_5, %scan3A_480 = %broadcast_in_dim3A_5, %scan3A_481 = %broadcast_in_dim3A_5) -> (vector<16xf32>, vector<16xf32>, vector<16xf32>, vector<16xf32>)  : i32 {
        %mul3A_482 = arith.constant 4 : i32
        %mul3A_483 = arith.muli %scan3A_477, %mul3A_482 : i32
        %add3A_484 = arith.constant 0 : i32
        %add3A_485 = arith.addi %mul3A_483, %add3A_484 : i32
        %mul3A_486 = arith.constant 16 : i32
        %mul3A_487 = arith.muli %add3A_485, %mul3A_486 : i32
        %get3A = arith.constant 1 : i32
        %get3A_488 = arith.constant 1 : i32
        %get3A_489 = arith.index_cast %get3A : i32 to index
        %get3A_490 = arith.index_cast %get3A_488 : i32 to index
        %get3A_491 = arith.index_cast %mul3A_487 : i32 to index
        %get3A_492 = tpu.vector_load %arg5[%get3A_489, %get3A_490, %get3A_491] {strides = array<i32>} : memref<2x4x4096xf32, #tpu.memory_space<vmem>>, vector<16xf32>,
        %get3A_493 = arith.constant 1 : i32
        %get3A_494 = arith.constant 1 : i32
        %get3A_495 = arith.index_cast %get3A_493 : i32 to index
        %get3A_496 = arith.index_cast %get3A_494 : i32 to index
        %get3A_497 = arith.index_cast %mul3A_487 : i32 to index
        %get3A_498 = tpu.vector_load %arg6[%get3A_495, %get3A_496, %get3A_497] {strides = array<i32>} : memref<2x4x4096xi32, #tpu.memory_space<vmem>>, vector<16xi32>,
        %convert_element_type3A_499 = arith.sitofp %get3A_498 : vector<16xi32> to vector<16xf32>
        %add3A_500 = arith.addf %scan3A_478, %convert_element_type3A_499 : vector<16xf32>
        %mul3A_501 = arith.mulf %get3A_492, %convert_element_type3A_499 : vector<16xf32>
        %add3A_502 = arith.addf %scan3A_479, %mul3A_501 : vector<16xf32>
        %sub3A_503 = arith.constant 1.000000e-01 : f32
        %sub3A_504 = vector.broadcast %sub3A_503 : f32 to vector<16xf32>
        %sub3A_505 = arith.subf %get3A_492, %sub3A_504 : vector<16xf32>
        %max3A = arith.constant 0.000000e+00 : f32
        %max3A_506 = vector.broadcast %max3A : f32 to vector<16xf32>
        %max3A_507 = arith.maximumf %sub3A_505, %max3A_506 : vector<16xf32>
        %add3A_508 = arith.addf %scan3A_480, %max3A_507 : vector<16xf32>
        %mul3A_509 = arith.mulf %max3A_507, %convert_element_type3A_499 : vector<16xf32>
        %add3A_510 = arith.addf %scan3A_481, %mul3A_509 : vector<16xf32>
        %mul3A_511 = arith.constant 4 : i32
        %mul3A_512 = arith.muli %scan3A_477, %mul3A_511 : i32
        %add3A_513 = arith.constant 1 : i32
        %add3A_514 = arith.addi %mul3A_512, %add3A_513 : i32
        %mul3A_515 = arith.constant 16 : i32
        %mul3A_516 = arith.muli %add3A_514, %mul3A_515 : i32
        %get3A_517 = arith.constant 1 : i32
        %get3A_518 = arith.constant 1 : i32
        %get3A_519 = arith.index_cast %get3A_517 : i32 to index
        %get3A_520 = arith.index_cast %get3A_518 : i32 to index
        %get3A_521 = arith.index_cast %mul3A_516 : i32 to index
        %get3A_522 = tpu.vector_load %arg5[%get3A_519, %get3A_520, %get3A_521] {strides = array<i32>} : memref<2x4x4096xf32, #tpu.memory_space<vmem>>, vector<16xf32>,
        %get3A_523 = arith.constant 1 : i32
        %get3A_524 = arith.constant 1 : i32
        %get3A_525 = arith.index_cast %get3A_523 : i32 to index
        %get3A_526 = arith.index_cast %get3A_524 : i32 to index
        %get3A_527 = arith.index_cast %mul3A_516 : i32 to index
        %get3A_528 = tpu.vector_load %arg6[%get3A_525, %get3A_526, %get3A_527] {strides = array<i32>} : memref<2x4x4096xi32, #tpu.memory_space<vmem>>, vector<16xi32>,
        %convert_element_type3A_529 = arith.sitofp %get3A_528 : vector<16xi32> to vector<16xf32>
        %add3A_530 = arith.addf %add3A_500, %convert_element_type3A_529 : vector<16xf32>
        %mul3A_531 = arith.mulf %get3A_522, %convert_element_type3A_529 : vector<16xf32>
        %add3A_532 = arith.addf %add3A_502, %mul3A_531 : vector<16xf32>
        %sub3A_533 = arith.constant 1.000000e-01 : f32
        %sub3A_534 = vector.broadcast %sub3A_533 : f32 to vector<16xf32>
        %sub3A_535 = arith.subf %get3A_522, %sub3A_534 : vector<16xf32>
        %max3A_536 = arith.constant 0.000000e+00 : f32
        %max3A_537 = vector.broadcast %max3A_536 : f32 to vector<16xf32>
        %max3A_538 = arith.maximumf %sub3A_535, %max3A_537 : vector<16xf32>
        %add3A_539 = arith.addf %add3A_508, %max3A_538 : vector<16xf32>
        %mul3A_540 = arith.mulf %max3A_538, %convert_element_type3A_529 : vector<16xf32>
        %add3A_541 = arith.addf %add3A_510, %mul3A_540 : vector<16xf32>
        %mul3A_542 = arith.constant 4 : i32
        %mul3A_543 = arith.muli %scan3A_477, %mul3A_542 : i32
        %add3A_544 = arith.constant 2 : i32
        %add3A_545 = arith.addi %mul3A_543, %add3A_544 : i32
        %mul3A_546 = arith.constant 16 : i32
        %mul3A_547 = arith.muli %add3A_545, %mul3A_546 : i32
        %get3A_548 = arith.constant 1 : i32
        %get3A_549 = arith.constant 1 : i32
        %get3A_550 = arith.index_cast %get3A_548 : i32 to index
        %get3A_551 = arith.index_cast %get3A_549 : i32 to index
        %get3A_552 = arith.index_cast %mul3A_547 : i32 to index
        %get3A_553 = tpu.vector_load %arg5[%get3A_550, %get3A_551, %get3A_552] {strides = array<i32>} : memref<2x4x4096xf32, #tpu.memory_space<vmem>>, vector<16xf32>,
        %get3A_554 = arith.constant 1 : i32
        %get3A_555 = arith.constant 1 : i32
        %get3A_556 = arith.index_cast %get3A_554 : i32 to index
        %get3A_557 = arith.index_cast %get3A_555 : i32 to index
        %get3A_558 = arith.index_cast %mul3A_547 : i32 to index
        %get3A_559 = tpu.vector_load %arg6[%get3A_556, %get3A_557, %get3A_558] {strides = array<i32>} : memref<2x4x4096xi32, #tpu.memory_space<vmem>>, vector<16xi32>,
        %convert_element_type3A_560 = arith.sitofp %get3A_559 : vector<16xi32> to vector<16xf32>
        %add3A_561 = arith.addf %add3A_530, %convert_element_type3A_560 : vector<16xf32>
        %mul3A_562 = arith.mulf %get3A_553, %convert_element_type3A_560 : vector<16xf32>
        %add3A_563 = arith.addf %add3A_532, %mul3A_562 : vector<16xf32>
        %sub3A_564 = arith.constant 1.000000e-01 : f32
        %sub3A_565 = vector.broadcast %sub3A_564 : f32 to vector<16xf32>
        %sub3A_566 = arith.subf %get3A_553, %sub3A_565 : vector<16xf32>
        %max3A_567 = arith.constant 0.000000e+00 : f32
        %max3A_568 = vector.broadcast %max3A_567 : f32 to vector<16xf32>
        %max3A_569 = arith.maximumf %sub3A_566, %max3A_568 : vector<16xf32>
        %add3A_570 = arith.addf %add3A_539, %max3A_569 : vector<16xf32>
        %mul3A_571 = arith.mulf %max3A_569, %convert_element_type3A_560 : vector<16xf32>
        %add3A_572 = arith.addf %add3A_541, %mul3A_571 : vector<16xf32>
        %mul3A_573 = arith.constant 4 : i32
        %mul3A_574 = arith.muli %scan3A_477, %mul3A_573 : i32
        %add3A_575 = arith.constant 3 : i32
        %add3A_576 = arith.addi %mul3A_574, %add3A_575 : i32
        %mul3A_577 = arith.constant 16 : i32
        %mul3A_578 = arith.muli %add3A_576, %mul3A_577 : i32
        %get3A_579 = arith.constant 1 : i32
        %get3A_580 = arith.constant 1 : i32
        %get3A_581 = arith.index_cast %get3A_579 : i32 to index
        %get3A_582 = arith.index_cast %get3A_580 : i32 to index
        %get3A_583 = arith.index_cast %mul3A_578 : i32 to index
        %get3A_584 = tpu.vector_load %arg5[%get3A_581, %get3A_582, %get3A_583] {strides = array<i32>} : memref<2x4x4096xf32, #tpu.memory_space<vmem>>, vector<16xf32>,
        %get3A_585 = arith.constant 1 : i32
        %get3A_586 = arith.constant 1 : i32
        %get3A_587 = arith.index_cast %get3A_585 : i32 to index
        %get3A_588 = arith.index_cast %get3A_586 : i32 to index
        %get3A_589 = arith.index_cast %mul3A_578 : i32 to index
        %get3A_590 = tpu.vector_load %arg6[%get3A_587, %get3A_588, %get3A_589] {strides = array<i32>} : memref<2x4x4096xi32, #tpu.memory_space<vmem>>, vector<16xi32>,
        %convert_element_type3A_591 = arith.sitofp %get3A_590 : vector<16xi32> to vector<16xf32>
        %add3A_592 = arith.addf %add3A_561, %convert_element_type3A_591 : vector<16xf32>
        %mul3A_593 = arith.mulf %get3A_584, %convert_element_type3A_591 : vector<16xf32>
        %add3A_594 = arith.addf %add3A_563, %mul3A_593 : vector<16xf32>
        %sub3A_595 = arith.constant 1.000000e-01 : f32
        %sub3A_596 = vector.broadcast %sub3A_595 : f32 to vector<16xf32>
        %sub3A_597 = arith.subf %get3A_584, %sub3A_596 : vector<16xf32>
        %max3A_598 = arith.constant 0.000000e+00 : f32
        %max3A_599 = vector.broadcast %max3A_598 : f32 to vector<16xf32>
        %max3A_600 = arith.maximumf %sub3A_597, %max3A_599 : vector<16xf32>
        %add3A_601 = arith.addf %add3A_570, %max3A_600 : vector<16xf32>
        %mul3A_602 = arith.mulf %max3A_600, %convert_element_type3A_591 : vector<16xf32>
        %add3A_603 = arith.addf %add3A_572, %mul3A_602 : vector<16xf32>
        scf.yield %add3A_592, %add3A_594, %add3A_601, %add3A_603 : vector<16xf32>, vector<16xf32>, vector<16xf32>, vector<16xf32>
      }
      %scan3A_346 = arith.constant 64 : i32
      %reduce_sum3A_347 = arith.constant true
      %reduce_sum3A_348 = vector.broadcast %reduce_sum3A_347 : i1 to vector<16xi1>
      %reduce_sum3A_349 = tpu.scan <sum>, %scan3A_345#0 masked %reduce_sum3A_348 : vector<16xf32>, vector<16xi1> -> vector<16xf32>
      %reduce_sum3A_350 = vector.extract %reduce_sum3A_349[15] : f32 from vector<16xf32>
      %reduce_sum3A_351 = arith.constant true
      %reduce_sum3A_352 = vector.broadcast %reduce_sum3A_351 : i1 to vector<16xi1>
      %reduce_sum3A_353 = tpu.scan <sum>, %scan3A_345#1 masked %reduce_sum3A_352 : vector<16xf32>, vector<16xi1> -> vector<16xf32>
      %reduce_sum3A_354 = vector.extract %reduce_sum3A_353[15] : f32 from vector<16xf32>
      %reduce_sum3A_355 = arith.constant true
      %reduce_sum3A_356 = vector.broadcast %reduce_sum3A_355 : i1 to vector<16xi1>
      %reduce_sum3A_357 = tpu.scan <sum>, %scan3A_345#2 masked %reduce_sum3A_356 : vector<16xf32>, vector<16xi1> -> vector<16xf32>
      %reduce_sum3A_358 = vector.extract %reduce_sum3A_357[15] : f32 from vector<16xf32>
      %reduce_sum3A_359 = arith.constant true
      %reduce_sum3A_360 = vector.broadcast %reduce_sum3A_359 : i1 to vector<16xi1>
      %reduce_sum3A_361 = tpu.scan <sum>, %scan3A_345#3 masked %reduce_sum3A_360 : vector<16xf32>, vector<16xi1> -> vector<16xf32>
      %reduce_sum3A_362 = vector.extract %reduce_sum3A_361[15] : f32 from vector<16xf32>
      %eq3A_363 = arith.constant 0 : i32
      %eq3A_364 = vector.broadcast %eq3A_363 : i32 to vector<16xi32>
      %eq3A_365 = arith.cmpi eq, %iota3A, %eq3A_364 : vector<16xi32>
      %sub3A_366 = arith.subf %reduce_sum3A_350, %reduce_sum3A_354 : f32
      %sub3A_367 = arith.subf %reduce_sum3A_358, %reduce_sum3A_362 : f32
      %broadcast_in_dim3A_368 = vector.broadcast %sub3A_366 : f32 to vector<16xf32>
      %broadcast_in_dim3A_369 = vector.broadcast %sub3A_367 : f32 to vector<16xf32>
      %select_n3A_370 = arith.select %eq3A_365, %broadcast_in_dim3A_368, %broadcast_in_dim3A_369 : vector<16xi1>, vector<16xf32>
      %sub3A_371 = arith.constant 4.096000e+03 : f32
      %sub3A_372 = arith.subf %sub3A_371, %reduce_sum3A_350 : f32
      %broadcast_in_dim3A_373 = vector.broadcast %reduce_sum3A_350 : f32 to vector<16xf32>
      %broadcast_in_dim3A_374 = vector.broadcast %sub3A_372 : f32 to vector<16xf32>
      %select_n3A_375 = arith.select %eq3A_365, %broadcast_in_dim3A_373, %broadcast_in_dim3A_374 : vector<16xi1>, vector<16xf32>
      %lt3A_376 = arith.constant 2 : i32
      %lt3A_377 = vector.broadcast %lt3A_376 : i32 to vector<16xi32>
      %lt3A_378 = arith.cmpi slt, %iota3A, %lt3A_377 : vector<16xi32>
      %div3A_379 = arith.divf %select_n3A_370, %select_n3A_375 : vector<16xf32>
      %jit3A_380 = arith.constant 0.000000e+00 : f32
      %broadcast_in_dim3A_381 = vector.broadcast %jit3A_380 : f32 to vector<16xf32>
      %select_n3A_382 = arith.select %lt3A_378, %div3A_379, %broadcast_in_dim3A_381 : vector<16xi1>, vector<16xf32>
      %add3A_383 = arith.addf %add3A_340, %select_n3A_382 : vector<16xf32>
      %scan3A_384 = arith.constant 0 : i32
      %scan3A_385 = arith.constant 64 : i32
      %scan3A_386 = arith.addi %scan3A_384, %scan3A_385 : i32
      %scan3A_387 = arith.constant 1 : i32
      %scan3A_388:4 = scf.for %scan3A_477 = %scan3A_384 to %scan3A_386 step %scan3A_387 iter_args(%scan3A_478 = %broadcast_in_dim3A_5, %scan3A_479 = %broadcast_in_dim3A_5, %scan3A_480 = %broadcast_in_dim3A_5, %scan3A_481 = %broadcast_in_dim3A_5) -> (vector<16xf32>, vector<16xf32>, vector<16xf32>, vector<16xf32>)  : i32 {
        %mul3A_482 = arith.constant 4 : i32
        %mul3A_483 = arith.muli %scan3A_477, %mul3A_482 : i32
        %add3A_484 = arith.constant 0 : i32
        %add3A_485 = arith.addi %mul3A_483, %add3A_484 : i32
        %mul3A_486 = arith.constant 16 : i32
        %mul3A_487 = arith.muli %add3A_485, %mul3A_486 : i32
        %get3A = arith.constant 1 : i32
        %get3A_488 = arith.constant 2 : i32
        %get3A_489 = arith.index_cast %get3A : i32 to index
        %get3A_490 = arith.index_cast %get3A_488 : i32 to index
        %get3A_491 = arith.index_cast %mul3A_487 : i32 to index
        %get3A_492 = tpu.vector_load %arg5[%get3A_489, %get3A_490, %get3A_491] {strides = array<i32>} : memref<2x4x4096xf32, #tpu.memory_space<vmem>>, vector<16xf32>,
        %get3A_493 = arith.constant 1 : i32
        %get3A_494 = arith.constant 2 : i32
        %get3A_495 = arith.index_cast %get3A_493 : i32 to index
        %get3A_496 = arith.index_cast %get3A_494 : i32 to index
        %get3A_497 = arith.index_cast %mul3A_487 : i32 to index
        %get3A_498 = tpu.vector_load %arg6[%get3A_495, %get3A_496, %get3A_497] {strides = array<i32>} : memref<2x4x4096xi32, #tpu.memory_space<vmem>>, vector<16xi32>,
        %convert_element_type3A_499 = arith.sitofp %get3A_498 : vector<16xi32> to vector<16xf32>
        %add3A_500 = arith.addf %scan3A_478, %convert_element_type3A_499 : vector<16xf32>
        %mul3A_501 = arith.mulf %get3A_492, %convert_element_type3A_499 : vector<16xf32>
        %add3A_502 = arith.addf %scan3A_479, %mul3A_501 : vector<16xf32>
        %sub3A_503 = arith.constant 1.000000e-01 : f32
        %sub3A_504 = vector.broadcast %sub3A_503 : f32 to vector<16xf32>
        %sub3A_505 = arith.subf %get3A_492, %sub3A_504 : vector<16xf32>
        %max3A = arith.constant 0.000000e+00 : f32
        %max3A_506 = vector.broadcast %max3A : f32 to vector<16xf32>
        %max3A_507 = arith.maximumf %sub3A_505, %max3A_506 : vector<16xf32>
        %add3A_508 = arith.addf %scan3A_480, %max3A_507 : vector<16xf32>
        %mul3A_509 = arith.mulf %max3A_507, %convert_element_type3A_499 : vector<16xf32>
        %add3A_510 = arith.addf %scan3A_481, %mul3A_509 : vector<16xf32>
        %mul3A_511 = arith.constant 4 : i32
        %mul3A_512 = arith.muli %scan3A_477, %mul3A_511 : i32
        %add3A_513 = arith.constant 1 : i32
        %add3A_514 = arith.addi %mul3A_512, %add3A_513 : i32
        %mul3A_515 = arith.constant 16 : i32
        %mul3A_516 = arith.muli %add3A_514, %mul3A_515 : i32
        %get3A_517 = arith.constant 1 : i32
        %get3A_518 = arith.constant 2 : i32
        %get3A_519 = arith.index_cast %get3A_517 : i32 to index
        %get3A_520 = arith.index_cast %get3A_518 : i32 to index
        %get3A_521 = arith.index_cast %mul3A_516 : i32 to index
        %get3A_522 = tpu.vector_load %arg5[%get3A_519, %get3A_520, %get3A_521] {strides = array<i32>} : memref<2x4x4096xf32, #tpu.memory_space<vmem>>, vector<16xf32>,
        %get3A_523 = arith.constant 1 : i32
        %get3A_524 = arith.constant 2 : i32
        %get3A_525 = arith.index_cast %get3A_523 : i32 to index
        %get3A_526 = arith.index_cast %get3A_524 : i32 to index
        %get3A_527 = arith.index_cast %mul3A_516 : i32 to index
        %get3A_528 = tpu.vector_load %arg6[%get3A_525, %get3A_526, %get3A_527] {strides = array<i32>} : memref<2x4x4096xi32, #tpu.memory_space<vmem>>, vector<16xi32>,
        %convert_element_type3A_529 = arith.sitofp %get3A_528 : vector<16xi32> to vector<16xf32>
        %add3A_530 = arith.addf %add3A_500, %convert_element_type3A_529 : vector<16xf32>
        %mul3A_531 = arith.mulf %get3A_522, %convert_element_type3A_529 : vector<16xf32>
        %add3A_532 = arith.addf %add3A_502, %mul3A_531 : vector<16xf32>
        %sub3A_533 = arith.constant 1.000000e-01 : f32
        %sub3A_534 = vector.broadcast %sub3A_533 : f32 to vector<16xf32>
        %sub3A_535 = arith.subf %get3A_522, %sub3A_534 : vector<16xf32>
        %max3A_536 = arith.constant 0.000000e+00 : f32
        %max3A_537 = vector.broadcast %max3A_536 : f32 to vector<16xf32>
        %max3A_538 = arith.maximumf %sub3A_535, %max3A_537 : vector<16xf32>
        %add3A_539 = arith.addf %add3A_508, %max3A_538 : vector<16xf32>
        %mul3A_540 = arith.mulf %max3A_538, %convert_element_type3A_529 : vector<16xf32>
        %add3A_541 = arith.addf %add3A_510, %mul3A_540 : vector<16xf32>
        %mul3A_542 = arith.constant 4 : i32
        %mul3A_543 = arith.muli %scan3A_477, %mul3A_542 : i32
        %add3A_544 = arith.constant 2 : i32
        %add3A_545 = arith.addi %mul3A_543, %add3A_544 : i32
        %mul3A_546 = arith.constant 16 : i32
        %mul3A_547 = arith.muli %add3A_545, %mul3A_546 : i32
        %get3A_548 = arith.constant 1 : i32
        %get3A_549 = arith.constant 2 : i32
        %get3A_550 = arith.index_cast %get3A_548 : i32 to index
        %get3A_551 = arith.index_cast %get3A_549 : i32 to index
        %get3A_552 = arith.index_cast %mul3A_547 : i32 to index
        %get3A_553 = tpu.vector_load %arg5[%get3A_550, %get3A_551, %get3A_552] {strides = array<i32>} : memref<2x4x4096xf32, #tpu.memory_space<vmem>>, vector<16xf32>,
        %get3A_554 = arith.constant 1 : i32
        %get3A_555 = arith.constant 2 : i32
        %get3A_556 = arith.index_cast %get3A_554 : i32 to index
        %get3A_557 = arith.index_cast %get3A_555 : i32 to index
        %get3A_558 = arith.index_cast %mul3A_547 : i32 to index
        %get3A_559 = tpu.vector_load %arg6[%get3A_556, %get3A_557, %get3A_558] {strides = array<i32>} : memref<2x4x4096xi32, #tpu.memory_space<vmem>>, vector<16xi32>,
        %convert_element_type3A_560 = arith.sitofp %get3A_559 : vector<16xi32> to vector<16xf32>
        %add3A_561 = arith.addf %add3A_530, %convert_element_type3A_560 : vector<16xf32>
        %mul3A_562 = arith.mulf %get3A_553, %convert_element_type3A_560 : vector<16xf32>
        %add3A_563 = arith.addf %add3A_532, %mul3A_562 : vector<16xf32>
        %sub3A_564 = arith.constant 1.000000e-01 : f32
        %sub3A_565 = vector.broadcast %sub3A_564 : f32 to vector<16xf32>
        %sub3A_566 = arith.subf %get3A_553, %sub3A_565 : vector<16xf32>
        %max3A_567 = arith.constant 0.000000e+00 : f32
        %max3A_568 = vector.broadcast %max3A_567 : f32 to vector<16xf32>
        %max3A_569 = arith.maximumf %sub3A_566, %max3A_568 : vector<16xf32>
        %add3A_570 = arith.addf %add3A_539, %max3A_569 : vector<16xf32>
        %mul3A_571 = arith.mulf %max3A_569, %convert_element_type3A_560 : vector<16xf32>
        %add3A_572 = arith.addf %add3A_541, %mul3A_571 : vector<16xf32>
        %mul3A_573 = arith.constant 4 : i32
        %mul3A_574 = arith.muli %scan3A_477, %mul3A_573 : i32
        %add3A_575 = arith.constant 3 : i32
        %add3A_576 = arith.addi %mul3A_574, %add3A_575 : i32
        %mul3A_577 = arith.constant 16 : i32
        %mul3A_578 = arith.muli %add3A_576, %mul3A_577 : i32
        %get3A_579 = arith.constant 1 : i32
        %get3A_580 = arith.constant 2 : i32
        %get3A_581 = arith.index_cast %get3A_579 : i32 to index
        %get3A_582 = arith.index_cast %get3A_580 : i32 to index
        %get3A_583 = arith.index_cast %mul3A_578 : i32 to index
        %get3A_584 = tpu.vector_load %arg5[%get3A_581, %get3A_582, %get3A_583] {strides = array<i32>} : memref<2x4x4096xf32, #tpu.memory_space<vmem>>, vector<16xf32>,
        %get3A_585 = arith.constant 1 : i32
        %get3A_586 = arith.constant 2 : i32
        %get3A_587 = arith.index_cast %get3A_585 : i32 to index
        %get3A_588 = arith.index_cast %get3A_586 : i32 to index
        %get3A_589 = arith.index_cast %mul3A_578 : i32 to index
        %get3A_590 = tpu.vector_load %arg6[%get3A_587, %get3A_588, %get3A_589] {strides = array<i32>} : memref<2x4x4096xi32, #tpu.memory_space<vmem>>, vector<16xi32>,
        %convert_element_type3A_591 = arith.sitofp %get3A_590 : vector<16xi32> to vector<16xf32>
        %add3A_592 = arith.addf %add3A_561, %convert_element_type3A_591 : vector<16xf32>
        %mul3A_593 = arith.mulf %get3A_584, %convert_element_type3A_591 : vector<16xf32>
        %add3A_594 = arith.addf %add3A_563, %mul3A_593 : vector<16xf32>
        %sub3A_595 = arith.constant 1.000000e-01 : f32
        %sub3A_596 = vector.broadcast %sub3A_595 : f32 to vector<16xf32>
        %sub3A_597 = arith.subf %get3A_584, %sub3A_596 : vector<16xf32>
        %max3A_598 = arith.constant 0.000000e+00 : f32
        %max3A_599 = vector.broadcast %max3A_598 : f32 to vector<16xf32>
        %max3A_600 = arith.maximumf %sub3A_597, %max3A_599 : vector<16xf32>
        %add3A_601 = arith.addf %add3A_570, %max3A_600 : vector<16xf32>
        %mul3A_602 = arith.mulf %max3A_600, %convert_element_type3A_591 : vector<16xf32>
        %add3A_603 = arith.addf %add3A_572, %mul3A_602 : vector<16xf32>
        scf.yield %add3A_592, %add3A_594, %add3A_601, %add3A_603 : vector<16xf32>, vector<16xf32>, vector<16xf32>, vector<16xf32>
      }
      %scan3A_389 = arith.constant 64 : i32
      %reduce_sum3A_390 = arith.constant true
      %reduce_sum3A_391 = vector.broadcast %reduce_sum3A_390 : i1 to vector<16xi1>
      %reduce_sum3A_392 = tpu.scan <sum>, %scan3A_388#0 masked %reduce_sum3A_391 : vector<16xf32>, vector<16xi1> -> vector<16xf32>
      %reduce_sum3A_393 = vector.extract %reduce_sum3A_392[15] : f32 from vector<16xf32>
      %reduce_sum3A_394 = arith.constant true
      %reduce_sum3A_395 = vector.broadcast %reduce_sum3A_394 : i1 to vector<16xi1>
      %reduce_sum3A_396 = tpu.scan <sum>, %scan3A_388#1 masked %reduce_sum3A_395 : vector<16xf32>, vector<16xi1> -> vector<16xf32>
      %reduce_sum3A_397 = vector.extract %reduce_sum3A_396[15] : f32 from vector<16xf32>
      %reduce_sum3A_398 = arith.constant true
      %reduce_sum3A_399 = vector.broadcast %reduce_sum3A_398 : i1 to vector<16xi1>
      %reduce_sum3A_400 = tpu.scan <sum>, %scan3A_388#2 masked %reduce_sum3A_399 : vector<16xf32>, vector<16xi1> -> vector<16xf32>
      %reduce_sum3A_401 = vector.extract %reduce_sum3A_400[15] : f32 from vector<16xf32>
      %reduce_sum3A_402 = arith.constant true
      %reduce_sum3A_403 = vector.broadcast %reduce_sum3A_402 : i1 to vector<16xi1>
      %reduce_sum3A_404 = tpu.scan <sum>, %scan3A_388#3 masked %reduce_sum3A_403 : vector<16xf32>, vector<16xi1> -> vector<16xf32>
      %reduce_sum3A_405 = vector.extract %reduce_sum3A_404[15] : f32 from vector<16xf32>
      %eq3A_406 = arith.constant 0 : i32
      %eq3A_407 = vector.broadcast %eq3A_406 : i32 to vector<16xi32>
      %eq3A_408 = arith.cmpi eq, %iota3A, %eq3A_407 : vector<16xi32>
      %sub3A_409 = arith.subf %reduce_sum3A_393, %reduce_sum3A_397 : f32
      %sub3A_410 = arith.subf %reduce_sum3A_401, %reduce_sum3A_405 : f32
      %broadcast_in_dim3A_411 = vector.broadcast %sub3A_409 : f32 to vector<16xf32>
      %broadcast_in_dim3A_412 = vector.broadcast %sub3A_410 : f32 to vector<16xf32>
      %select_n3A_413 = arith.select %eq3A_408, %broadcast_in_dim3A_411, %broadcast_in_dim3A_412 : vector<16xi1>, vector<16xf32>
      %sub3A_414 = arith.constant 4.096000e+03 : f32
      %sub3A_415 = arith.subf %sub3A_414, %reduce_sum3A_393 : f32
      %broadcast_in_dim3A_416 = vector.broadcast %reduce_sum3A_393 : f32 to vector<16xf32>
      %broadcast_in_dim3A_417 = vector.broadcast %sub3A_415 : f32 to vector<16xf32>
      %select_n3A_418 = arith.select %eq3A_408, %broadcast_in_dim3A_416, %broadcast_in_dim3A_417 : vector<16xi1>, vector<16xf32>
      %lt3A_419 = arith.constant 2 : i32
      %lt3A_420 = vector.broadcast %lt3A_419 : i32 to vector<16xi32>
      %lt3A_421 = arith.cmpi slt, %iota3A, %lt3A_420 : vector<16xi32>
      %div3A_422 = arith.divf %select_n3A_413, %select_n3A_418 : vector<16xf32>
      %jit3A_423 = arith.constant 0.000000e+00 : f32
      %broadcast_in_dim3A_424 = vector.broadcast %jit3A_423 : f32 to vector<16xf32>
      %select_n3A_425 = arith.select %lt3A_421, %div3A_422, %broadcast_in_dim3A_424 : vector<16xi1>, vector<16xf32>
      %add3A_426 = arith.addf %add3A_383, %select_n3A_425 : vector<16xf32>
      %scan3A_427 = arith.constant 0 : i32
      %scan3A_428 = arith.constant 64 : i32
      %scan3A_429 = arith.addi %scan3A_427, %scan3A_428 : i32
      %scan3A_430 = arith.constant 1 : i32
      %scan3A_431:4 = scf.for %scan3A_477 = %scan3A_427 to %scan3A_429 step %scan3A_430 iter_args(%scan3A_478 = %broadcast_in_dim3A_5, %scan3A_479 = %broadcast_in_dim3A_5, %scan3A_480 = %broadcast_in_dim3A_5, %scan3A_481 = %broadcast_in_dim3A_5) -> (vector<16xf32>, vector<16xf32>, vector<16xf32>, vector<16xf32>)  : i32 {
        %mul3A_482 = arith.constant 4 : i32
        %mul3A_483 = arith.muli %scan3A_477, %mul3A_482 : i32
        %add3A_484 = arith.constant 0 : i32
        %add3A_485 = arith.addi %mul3A_483, %add3A_484 : i32
        %mul3A_486 = arith.constant 16 : i32
        %mul3A_487 = arith.muli %add3A_485, %mul3A_486 : i32
        %get3A = arith.constant 1 : i32
        %get3A_488 = arith.constant 3 : i32
        %get3A_489 = arith.index_cast %get3A : i32 to index
        %get3A_490 = arith.index_cast %get3A_488 : i32 to index
        %get3A_491 = arith.index_cast %mul3A_487 : i32 to index
        %get3A_492 = tpu.vector_load %arg5[%get3A_489, %get3A_490, %get3A_491] {strides = array<i32>} : memref<2x4x4096xf32, #tpu.memory_space<vmem>>, vector<16xf32>,
        %get3A_493 = arith.constant 1 : i32
        %get3A_494 = arith.constant 3 : i32
        %get3A_495 = arith.index_cast %get3A_493 : i32 to index
        %get3A_496 = arith.index_cast %get3A_494 : i32 to index
        %get3A_497 = arith.index_cast %mul3A_487 : i32 to index
        %get3A_498 = tpu.vector_load %arg6[%get3A_495, %get3A_496, %get3A_497] {strides = array<i32>} : memref<2x4x4096xi32, #tpu.memory_space<vmem>>, vector<16xi32>,
        %convert_element_type3A_499 = arith.sitofp %get3A_498 : vector<16xi32> to vector<16xf32>
        %add3A_500 = arith.addf %scan3A_478, %convert_element_type3A_499 : vector<16xf32>
        %mul3A_501 = arith.mulf %get3A_492, %convert_element_type3A_499 : vector<16xf32>
        %add3A_502 = arith.addf %scan3A_479, %mul3A_501 : vector<16xf32>
        %sub3A_503 = arith.constant 1.000000e-01 : f32
        %sub3A_504 = vector.broadcast %sub3A_503 : f32 to vector<16xf32>
        %sub3A_505 = arith.subf %get3A_492, %sub3A_504 : vector<16xf32>
        %max3A = arith.constant 0.000000e+00 : f32
        %max3A_506 = vector.broadcast %max3A : f32 to vector<16xf32>
        %max3A_507 = arith.maximumf %sub3A_505, %max3A_506 : vector<16xf32>
        %add3A_508 = arith.addf %scan3A_480, %max3A_507 : vector<16xf32>
        %mul3A_509 = arith.mulf %max3A_507, %convert_element_type3A_499 : vector<16xf32>
        %add3A_510 = arith.addf %scan3A_481, %mul3A_509 : vector<16xf32>
        %mul3A_511 = arith.constant 4 : i32
        %mul3A_512 = arith.muli %scan3A_477, %mul3A_511 : i32
        %add3A_513 = arith.constant 1 : i32
        %add3A_514 = arith.addi %mul3A_512, %add3A_513 : i32
        %mul3A_515 = arith.constant 16 : i32
        %mul3A_516 = arith.muli %add3A_514, %mul3A_515 : i32
        %get3A_517 = arith.constant 1 : i32
        %get3A_518 = arith.constant 3 : i32
        %get3A_519 = arith.index_cast %get3A_517 : i32 to index
        %get3A_520 = arith.index_cast %get3A_518 : i32 to index
        %get3A_521 = arith.index_cast %mul3A_516 : i32 to index
        %get3A_522 = tpu.vector_load %arg5[%get3A_519, %get3A_520, %get3A_521] {strides = array<i32>} : memref<2x4x4096xf32, #tpu.memory_space<vmem>>, vector<16xf32>,
        %get3A_523 = arith.constant 1 : i32
        %get3A_524 = arith.constant 3 : i32
        %get3A_525 = arith.index_cast %get3A_523 : i32 to index
        %get3A_526 = arith.index_cast %get3A_524 : i32 to index
        %get3A_527 = arith.index_cast %mul3A_516 : i32 to index
        %get3A_528 = tpu.vector_load %arg6[%get3A_525, %get3A_526, %get3A_527] {strides = array<i32>} : memref<2x4x4096xi32, #tpu.memory_space<vmem>>, vector<16xi32>,
        %convert_element_type3A_529 = arith.sitofp %get3A_528 : vector<16xi32> to vector<16xf32>
        %add3A_530 = arith.addf %add3A_500, %convert_element_type3A_529 : vector<16xf32>
        %mul3A_531 = arith.mulf %get3A_522, %convert_element_type3A_529 : vector<16xf32>
        %add3A_532 = arith.addf %add3A_502, %mul3A_531 : vector<16xf32>
        %sub3A_533 = arith.constant 1.000000e-01 : f32
        %sub3A_534 = vector.broadcast %sub3A_533 : f32 to vector<16xf32>
        %sub3A_535 = arith.subf %get3A_522, %sub3A_534 : vector<16xf32>
        %max3A_536 = arith.constant 0.000000e+00 : f32
        %max3A_537 = vector.broadcast %max3A_536 : f32 to vector<16xf32>
        %max3A_538 = arith.maximumf %sub3A_535, %max3A_537 : vector<16xf32>
        %add3A_539 = arith.addf %add3A_508, %max3A_538 : vector<16xf32>
        %mul3A_540 = arith.mulf %max3A_538, %convert_element_type3A_529 : vector<16xf32>
        %add3A_541 = arith.addf %add3A_510, %mul3A_540 : vector<16xf32>
        %mul3A_542 = arith.constant 4 : i32
        %mul3A_543 = arith.muli %scan3A_477, %mul3A_542 : i32
        %add3A_544 = arith.constant 2 : i32
        %add3A_545 = arith.addi %mul3A_543, %add3A_544 : i32
        %mul3A_546 = arith.constant 16 : i32
        %mul3A_547 = arith.muli %add3A_545, %mul3A_546 : i32
        %get3A_548 = arith.constant 1 : i32
        %get3A_549 = arith.constant 3 : i32
        %get3A_550 = arith.index_cast %get3A_548 : i32 to index
        %get3A_551 = arith.index_cast %get3A_549 : i32 to index
        %get3A_552 = arith.index_cast %mul3A_547 : i32 to index
        %get3A_553 = tpu.vector_load %arg5[%get3A_550, %get3A_551, %get3A_552] {strides = array<i32>} : memref<2x4x4096xf32, #tpu.memory_space<vmem>>, vector<16xf32>,
        %get3A_554 = arith.constant 1 : i32
        %get3A_555 = arith.constant 3 : i32
        %get3A_556 = arith.index_cast %get3A_554 : i32 to index
        %get3A_557 = arith.index_cast %get3A_555 : i32 to index
        %get3A_558 = arith.index_cast %mul3A_547 : i32 to index
        %get3A_559 = tpu.vector_load %arg6[%get3A_556, %get3A_557, %get3A_558] {strides = array<i32>} : memref<2x4x4096xi32, #tpu.memory_space<vmem>>, vector<16xi32>,
        %convert_element_type3A_560 = arith.sitofp %get3A_559 : vector<16xi32> to vector<16xf32>
        %add3A_561 = arith.addf %add3A_530, %convert_element_type3A_560 : vector<16xf32>
        %mul3A_562 = arith.mulf %get3A_553, %convert_element_type3A_560 : vector<16xf32>
        %add3A_563 = arith.addf %add3A_532, %mul3A_562 : vector<16xf32>
        %sub3A_564 = arith.constant 1.000000e-01 : f32
        %sub3A_565 = vector.broadcast %sub3A_564 : f32 to vector<16xf32>
        %sub3A_566 = arith.subf %get3A_553, %sub3A_565 : vector<16xf32>
        %max3A_567 = arith.constant 0.000000e+00 : f32
        %max3A_568 = vector.broadcast %max3A_567 : f32 to vector<16xf32>
        %max3A_569 = arith.maximumf %sub3A_566, %max3A_568 : vector<16xf32>
        %add3A_570 = arith.addf %add3A_539, %max3A_569 : vector<16xf32>
        %mul3A_571 = arith.mulf %max3A_569, %convert_element_type3A_560 : vector<16xf32>
        %add3A_572 = arith.addf %add3A_541, %mul3A_571 : vector<16xf32>
        %mul3A_573 = arith.constant 4 : i32
        %mul3A_574 = arith.muli %scan3A_477, %mul3A_573 : i32
        %add3A_575 = arith.constant 3 : i32
        %add3A_576 = arith.addi %mul3A_574, %add3A_575 : i32
        %mul3A_577 = arith.constant 16 : i32
        %mul3A_578 = arith.muli %add3A_576, %mul3A_577 : i32
        %get3A_579 = arith.constant 1 : i32
        %get3A_580 = arith.constant 3 : i32
        %get3A_581 = arith.index_cast %get3A_579 : i32 to index
        %get3A_582 = arith.index_cast %get3A_580 : i32 to index
        %get3A_583 = arith.index_cast %mul3A_578 : i32 to index
        %get3A_584 = tpu.vector_load %arg5[%get3A_581, %get3A_582, %get3A_583] {strides = array<i32>} : memref<2x4x4096xf32, #tpu.memory_space<vmem>>, vector<16xf32>,
        %get3A_585 = arith.constant 1 : i32
        %get3A_586 = arith.constant 3 : i32
        %get3A_587 = arith.index_cast %get3A_585 : i32 to index
        %get3A_588 = arith.index_cast %get3A_586 : i32 to index
        %get3A_589 = arith.index_cast %mul3A_578 : i32 to index
        %get3A_590 = tpu.vector_load %arg6[%get3A_587, %get3A_588, %get3A_589] {strides = array<i32>} : memref<2x4x4096xi32, #tpu.memory_space<vmem>>, vector<16xi32>,
        %convert_element_type3A_591 = arith.sitofp %get3A_590 : vector<16xi32> to vector<16xf32>
        %add3A_592 = arith.addf %add3A_561, %convert_element_type3A_591 : vector<16xf32>
        %mul3A_593 = arith.mulf %get3A_584, %convert_element_type3A_591 : vector<16xf32>
        %add3A_594 = arith.addf %add3A_563, %mul3A_593 : vector<16xf32>
        %sub3A_595 = arith.constant 1.000000e-01 : f32
        %sub3A_596 = vector.broadcast %sub3A_595 : f32 to vector<16xf32>
        %sub3A_597 = arith.subf %get3A_584, %sub3A_596 : vector<16xf32>
        %max3A_598 = arith.constant 0.000000e+00 : f32
        %max3A_599 = vector.broadcast %max3A_598 : f32 to vector<16xf32>
        %max3A_600 = arith.maximumf %sub3A_597, %max3A_599 : vector<16xf32>
        %add3A_601 = arith.addf %add3A_570, %max3A_600 : vector<16xf32>
        %mul3A_602 = arith.mulf %max3A_600, %convert_element_type3A_591 : vector<16xf32>
        %add3A_603 = arith.addf %add3A_572, %mul3A_602 : vector<16xf32>
        scf.yield %add3A_592, %add3A_594, %add3A_601, %add3A_603 : vector<16xf32>, vector<16xf32>, vector<16xf32>, vector<16xf32>
      }
      %scan3A_432 = arith.constant 64 : i32
      %reduce_sum3A_433 = arith.constant true
      %reduce_sum3A_434 = vector.broadcast %reduce_sum3A_433 : i1 to vector<16xi1>
      %reduce_sum3A_435 = tpu.scan <sum>, %scan3A_431#0 masked %reduce_sum3A_434 : vector<16xf32>, vector<16xi1> -> vector<16xf32>
      %reduce_sum3A_436 = vector.extract %reduce_sum3A_435[15] : f32 from vector<16xf32>
      %reduce_sum3A_437 = arith.constant true
      %reduce_sum3A_438 = vector.broadcast %reduce_sum3A_437 : i1 to vector<16xi1>
      %reduce_sum3A_439 = tpu.scan <sum>, %scan3A_431#1 masked %reduce_sum3A_438 : vector<16xf32>, vector<16xi1> -> vector<16xf32>
      %reduce_sum3A_440 = vector.extract %reduce_sum3A_439[15] : f32 from vector<16xf32>
      %reduce_sum3A_441 = arith.constant true
      %reduce_sum3A_442 = vector.broadcast %reduce_sum3A_441 : i1 to vector<16xi1>
      %reduce_sum3A_443 = tpu.scan <sum>, %scan3A_431#2 masked %reduce_sum3A_442 : vector<16xf32>, vector<16xi1> -> vector<16xf32>
      %reduce_sum3A_444 = vector.extract %reduce_sum3A_443[15] : f32 from vector<16xf32>
      %reduce_sum3A_445 = arith.constant true
      %reduce_sum3A_446 = vector.broadcast %reduce_sum3A_445 : i1 to vector<16xi1>
      %reduce_sum3A_447 = tpu.scan <sum>, %scan3A_431#3 masked %reduce_sum3A_446 : vector<16xf32>, vector<16xi1> -> vector<16xf32>
      %reduce_sum3A_448 = vector.extract %reduce_sum3A_447[15] : f32 from vector<16xf32>
      %eq3A_449 = arith.constant 0 : i32
      %eq3A_450 = vector.broadcast %eq3A_449 : i32 to vector<16xi32>
      %eq3A_451 = arith.cmpi eq, %iota3A, %eq3A_450 : vector<16xi32>
      %sub3A_452 = arith.subf %reduce_sum3A_436, %reduce_sum3A_440 : f32
      %sub3A_453 = arith.subf %reduce_sum3A_444, %reduce_sum3A_448 : f32
      %broadcast_in_dim3A_454 = vector.broadcast %sub3A_452 : f32 to vector<16xf32>
      %broadcast_in_dim3A_455 = vector.broadcast %sub3A_453 : f32 to vector<16xf32>
      %select_n3A_456 = arith.select %eq3A_451, %broadcast_in_dim3A_454, %broadcast_in_dim3A_455 : vector<16xi1>, vector<16xf32>
      %sub3A_457 = arith.constant 4.096000e+03 : f32
      %sub3A_458 = arith.subf %sub3A_457, %reduce_sum3A_436 : f32
      %broadcast_in_dim3A_459 = vector.broadcast %reduce_sum3A_436 : f32 to vector<16xf32>
      %broadcast_in_dim3A_460 = vector.broadcast %sub3A_458 : f32 to vector<16xf32>
      %select_n3A_461 = arith.select %eq3A_451, %broadcast_in_dim3A_459, %broadcast_in_dim3A_460 : vector<16xi1>, vector<16xf32>
      %lt3A_462 = arith.constant 2 : i32
      %lt3A_463 = vector.broadcast %lt3A_462 : i32 to vector<16xi32>
      %lt3A_464 = arith.cmpi slt, %iota3A, %lt3A_463 : vector<16xi32>
      %div3A_465 = arith.divf %select_n3A_456, %select_n3A_461 : vector<16xf32>
      %jit3A_466 = arith.constant 0.000000e+00 : f32
      %broadcast_in_dim3A_467 = vector.broadcast %jit3A_466 : f32 to vector<16xf32>
      %select_n3A_468 = arith.select %lt3A_464, %div3A_465, %broadcast_in_dim3A_467 : vector<16xi1>, vector<16xf32>
      %add3A_469 = arith.addf %add3A_426, %select_n3A_468 : vector<16xf32>
      %add3A_470 = arith.constant 2 : i32
      %add3A_471 = arith.addi %add3A_271, %add3A_470 : i32
      %lt3A_472 = arith.constant 6 : i32
      %lt3A_473 = arith.cmpi slt, %add3A_471, %lt3A_472 : i32
      %convert_element_type3A_474 = arith.extui %lt3A_473 : i1 to i32
      %cond3A_475 = arith.constant 0 : i32
      %cond3A_476 = arith.cmpi ne, %convert_element_type3A_474, %cond3A_475 : i32
      scf.if %cond3A_476 {
        %add3A_477 = arith.constant 2 : i32
        %add3A_478 = arith.addi %add3A_271, %add3A_477 : i32
        %mul3A_479 = arith.constant 4 : i32
        %mul3A_480 = arith.muli %add3A_478, %mul3A_479 : i32
        %add3A_481 = arith.addi %add3A_4, %mul3A_480 : i32
        %dma_start3A_482 = arith.constant 1 : i32
        %dma_start3A_483 = arith.constant 0 : i32
        %dma_start3A_484 = arith.constant 0 : i32
        %dma_start3A_485 = tpu.memref_slice %arg5[%dma_start3A_482, %dma_start3A_483, %dma_start3A_484] : memref<2x4x4096xf32, #tpu.memory_space<vmem>> -> memref<1x4x4096xf32, #tpu.memory_space<vmem>>
        %dma_start3A_486 = tpu.memref_squeeze %dma_start3A_485 : memref<1x4x4096xf32, #tpu.memory_space<vmem>> -> memref<4x4096xf32, #tpu.memory_space<vmem>>
        %dma_start3A_487 = arith.constant 0 : i32
        %dma_start3A_488 = tpu.memref_slice %arg2[%add3A_481, %dma_start3A_487] : memref<4096x4096xf32, #tpu.memory_space<hbm>> -> memref<4x4096xf32, #tpu.memory_space<hbm>>
        %dma_start3A_489 = arith.constant 0 : i32
        %dma_start3A_490 = arith.constant 0 : i32
        %dma_start3A_491 = tpu.memref_slice %arg5[%dma_start3A_482, %dma_start3A_489, %dma_start3A_490] : memref<2x4x4096xf32, #tpu.memory_space<vmem>> -> memref<1x4x4096xf32, #tpu.memory_space<vmem>>
        %dma_start3A_492 = tpu.memref_squeeze %dma_start3A_491 : memref<1x4x4096xf32, #tpu.memory_space<vmem>> -> memref<4x4096xf32, #tpu.memory_space<vmem>>
        %dma_start3A_493 = arith.constant 0 : i32
        %dma_start3A_494 = tpu.memref_slice %arg2[%add3A_481, %dma_start3A_493] : memref<4096x4096xf32, #tpu.memory_space<hbm>> -> memref<4x4096xf32, #tpu.memory_space<hbm>>
        tpu.enqueue_dma source(%dma_start3A_494 : memref<4x4096xf32, #tpu.memory_space<hbm>>) target(%dma_start3A_492 : memref<4x4096xf32, #tpu.memory_space<vmem>>) target_semaphore(%arg9 : memref<!tpu.dma_semaphore, #tpu.memory_space<semaphore_mem>>)
        %dma_start3A_495 = arith.constant 1 : i32
        %dma_start3A_496 = arith.constant 0 : i32
        %dma_start3A_497 = arith.constant 0 : i32
        %dma_start3A_498 = tpu.memref_slice %arg6[%dma_start3A_495, %dma_start3A_496, %dma_start3A_497] : memref<2x4x4096xi32, #tpu.memory_space<vmem>> -> memref<1x4x4096xi32, #tpu.memory_space<vmem>>
        %dma_start3A_499 = tpu.memref_squeeze %dma_start3A_498 : memref<1x4x4096xi32, #tpu.memory_space<vmem>> -> memref<4x4096xi32, #tpu.memory_space<vmem>>
        %dma_start3A_500 = arith.constant 0 : i32
        %dma_start3A_501 = tpu.memref_slice %arg3[%add3A_481, %dma_start3A_500] : memref<4096x4096xi32, #tpu.memory_space<hbm>> -> memref<4x4096xi32, #tpu.memory_space<hbm>>
        %dma_start3A_502 = arith.constant 0 : i32
        %dma_start3A_503 = arith.constant 0 : i32
        %dma_start3A_504 = tpu.memref_slice %arg6[%dma_start3A_495, %dma_start3A_502, %dma_start3A_503] : memref<2x4x4096xi32, #tpu.memory_space<vmem>> -> memref<1x4x4096xi32, #tpu.memory_space<vmem>>
        %dma_start3A_505 = tpu.memref_squeeze %dma_start3A_504 : memref<1x4x4096xi32, #tpu.memory_space<vmem>> -> memref<4x4096xi32, #tpu.memory_space<vmem>>
        %dma_start3A_506 = arith.constant 0 : i32
        %dma_start3A_507 = tpu.memref_slice %arg3[%add3A_481, %dma_start3A_506] : memref<4096x4096xi32, #tpu.memory_space<hbm>> -> memref<4x4096xi32, #tpu.memory_space<hbm>>
        tpu.enqueue_dma source(%dma_start3A_507 : memref<4x4096xi32, #tpu.memory_space<hbm>>) target(%dma_start3A_505 : memref<4x4096xi32, #tpu.memory_space<vmem>>) target_semaphore(%arg9 : memref<!tpu.dma_semaphore, #tpu.memory_space<semaphore_mem>>)
      } else {
      }
      scf.yield %add3A_469 : vector<16xf32>
    }
    %scan3A_65 = arith.constant 3 : i32
    %swap3A = arith.constant 0 : index
    %swap3A_66 = tpu.vector_load %arg7[%swap3A] {strides = array<i32>} : memref<16xf32, #tpu.memory_space<vmem>>, vector<16xf32>,
    tpu.vector_store %arg7[%swap3A], %scan3A_64 {strides = array<i32>} : memref<16xf32, #tpu.memory_space<vmem>>, vector<16xf32>,
    "tpu.region"() ({
      %run_scoped3A = tpu.sem_alloc : memref<!tpu.dma_semaphore, #tpu.memory_space<semaphore_mem>>
      %dma_start3A_67 = arith.constant 0 : i32
      %dma_start3A_68 = tpu.memref_slice %arg4[%add3A, %dma_start3A_67] : memref<32x16xf32, #tpu.memory_space<hbm>> -> memref<1x16xf32, #tpu.memory_space<hbm>>
      %dma_start3A_69 = tpu.memref_squeeze %dma_start3A_68 : memref<1x16xf32, #tpu.memory_space<hbm>> -> memref<16xf32, #tpu.memory_space<hbm>>
      %dma_start3A_70 = arith.constant 0 : i32
      %dma_start3A_71 = tpu.memref_slice %arg4[%add3A, %dma_start3A_70] : memref<32x16xf32, #tpu.memory_space<hbm>> -> memref<1x16xf32, #tpu.memory_space<hbm>>
      %dma_start3A_72 = tpu.memref_squeeze %dma_start3A_71 : memref<1x16xf32, #tpu.memory_space<hbm>> -> memref<16xf32, #tpu.memory_space<hbm>>
      tpu.enqueue_dma source(%arg7 : memref<16xf32, #tpu.memory_space<vmem>>) target(%dma_start3A_72 : memref<16xf32, #tpu.memory_space<hbm>>) target_semaphore(%run_scoped3A : memref<!tpu.dma_semaphore, #tpu.memory_space<semaphore_mem>>)
      %dma_wait3A = arith.constant 0 : i32
      %dma_wait3A_73 = tpu.memref_slice %arg4[%add3A, %dma_wait3A] : memref<32x16xf32, #tpu.memory_space<hbm>> -> memref<1x16xf32, #tpu.memory_space<hbm>>
      %dma_wait3A_74 = tpu.memref_squeeze %dma_wait3A_73 : memref<1x16xf32, #tpu.memory_space<hbm>> -> memref<16xf32, #tpu.memory_space<hbm>>
      %dma_wait3A_75 = arith.constant 0 : i32
      %dma_wait3A_76 = tpu.memref_slice %arg4[%add3A, %dma_wait3A_75] : memref<32x16xf32, #tpu.memory_space<hbm>> -> memref<1x16xf32, #tpu.memory_space<hbm>>
      %dma_wait3A_77 = tpu.memref_squeeze %dma_wait3A_76 : memref<1x16xf32, #tpu.memory_space<hbm>> -> memref<16xf32, #tpu.memory_space<hbm>>
      tpu.wait_dma2 semaphore(%run_scoped3A : memref<!tpu.dma_semaphore, #tpu.memory_space<semaphore_mem>>) src(%arg7 : memref<16xf32, #tpu.memory_space<vmem>>) dst(%dma_wait3A_77 : memref<16xf32, #tpu.memory_space<hbm>>)
      tpu.yield
    }) : () -> ()
    return
  }
}

module attributes {stable_mosaic.version = 14 : i64} {
  func.func @_tc_body(%arg0: i32, %arg1: memref<256x4096xf32, #tpu.memory_space<vmem>>, %arg2: memref<256x4096xi32, #tpu.memory_space<vmem>>, %arg3: memref<2xf32, #tpu.memory_space<smem>>, %arg4: memref<2xf32, #tpu.memory_space<smem>>) attributes {dimension_semantics = [#tpu.dimension_semantics<arbitrary>], iteration_bounds = array<i64: 13>, scalar_prefetch = 0 : i64, scratch_operands = 1 : i64, tpu.core_type = #tpu.core_type<tc>, window_params = [{transform_indices = @transform_0, window_bounds = array<i64: 256, 4096>}, {transform_indices = @transform_1, window_bounds = array<i64: 256, 4096>}, {transform_indices = @transform_2, window_bounds = array<i64: 2>}]} {
    %eq3A = arith.constant 0 : i32
    %eq3A_0 = arith.cmpi eq, %arg0, %eq3A : i32
    %convert_element_type3A = arith.extui %eq3A_0 : i1 to i32
    %cond3A = arith.constant 0 : i32
    %cond3A_1 = arith.cmpi ne, %convert_element_type3A, %cond3A : i32
    scf.if %cond3A_1 {
      %swap3A_54 = arith.constant 0.000000e+00 : f32
      %swap3A_55 = arith.constant 0 : index
      %swap3A_56 = memref.load %arg4[%swap3A_55] : memref<2xf32, #tpu.memory_space<smem>>
      memref.store %swap3A_54, %arg4[%swap3A_55] : memref<2xf32, #tpu.memory_space<smem>>
      %swap3A_57 = arith.constant 0.000000e+00 : f32
      %swap3A_58 = arith.constant 1 : index
      %swap3A_59 = memref.load %arg4[%swap3A_58] : memref<2xf32, #tpu.memory_space<smem>>
      memref.store %swap3A_57, %arg4[%swap3A_58] : memref<2xf32, #tpu.memory_space<smem>>
    } else {
    }
    %get3A = arith.constant 0 : index
    %get3A_2 = arith.constant 0 : index
    %get3A_3 = vector.load %arg1[%get3A, %get3A_2] : memref<256x4096xf32, #tpu.memory_space<vmem>>, vector<256x4096xf32>
    %get3A_4 = arith.constant 0 : index
    %get3A_5 = arith.constant 0 : index
    %get3A_6 = vector.load %arg2[%get3A_4, %get3A_5] : memref<256x4096xi32, #tpu.memory_space<vmem>>, vector<256x4096xi32>
    %convert_element_type3A_7 = arith.sitofp %get3A_6 : vector<256x4096xi32> to vector<256x4096xf32>
    %reduce_sum3A = arith.constant dense<0.000000e+00> : vector<256xf32>
    %reduce_sum3A_8 = vector.multi_reduction <add>, %convert_element_type3A_7, %reduce_sum3A [1] : vector<256x4096xf32> to vector<256xf32>
    %broadcast_in_dim3A = vector.shape_cast %reduce_sum3A_8 : vector<256xf32> to vector<256x1xf32>
    %sub3A = arith.constant 4.096000e+03 : f32
    %sub3A_9 = vector.broadcast %sub3A : f32 to vector<256x1xf32>
    %sub3A_10 = arith.subf %sub3A_9, %broadcast_in_dim3A : vector<256x1xf32>
    %sub3A_11 = arith.constant 1.000000e+00 : f32
    %sub3A_12 = vector.broadcast %sub3A_11 : f32 to vector<256x4096xf32>
    %sub3A_13 = arith.subf %sub3A_12, %get3A_3 : vector<256x4096xf32>
    %mul3A = arith.mulf %sub3A_13, %convert_element_type3A_7 : vector<256x4096xf32>
    %reduce_sum3A_14 = arith.constant dense<0.000000e+00> : vector<256xf32>
    %reduce_sum3A_15 = vector.multi_reduction <add>, %mul3A, %reduce_sum3A_14 [1] : vector<256x4096xf32> to vector<256xf32>
    %broadcast_in_dim3A_16 = vector.shape_cast %reduce_sum3A_15 : vector<256xf32> to vector<256x1xf32>
    %sub3A_17 = arith.constant 1.000000e-01 : f32
    %sub3A_18 = vector.broadcast %sub3A_17 : f32 to vector<256x4096xf32>
    %sub3A_19 = arith.subf %get3A_3, %sub3A_18 : vector<256x4096xf32>
    %max3A = arith.constant 0.000000e+00 : f32
    %max3A_20 = vector.broadcast %max3A : f32 to vector<256x4096xf32>
    %max3A_21 = arith.maximumf %sub3A_19, %max3A_20 : vector<256x4096xf32>
    %reduce_sum3A_22 = arith.constant dense<0.000000e+00> : vector<256xf32>
    %reduce_sum3A_23 = vector.multi_reduction <add>, %max3A_21, %reduce_sum3A_22 [1] : vector<256x4096xf32> to vector<256xf32>
    %broadcast_in_dim3A_24 = vector.shape_cast %reduce_sum3A_23 : vector<256xf32> to vector<256x1xf32>
    %mul3A_25 = arith.mulf %max3A_21, %convert_element_type3A_7 : vector<256x4096xf32>
    %reduce_sum3A_26 = arith.constant dense<0.000000e+00> : vector<256xf32>
    %reduce_sum3A_27 = vector.multi_reduction <add>, %mul3A_25, %reduce_sum3A_26 [1] : vector<256x4096xf32> to vector<256xf32>
    %broadcast_in_dim3A_28 = vector.shape_cast %reduce_sum3A_27 : vector<256xf32> to vector<256x1xf32>
    %sub3A_29 = arith.subf %broadcast_in_dim3A_24, %broadcast_in_dim3A_28 : vector<256x1xf32>
    %get3A_30 = arith.constant 0 : index
    %get3A_31 = memref.load %arg4[%get3A_30] : memref<2xf32, #tpu.memory_space<smem>>
    %div3A = arith.divf %broadcast_in_dim3A_16, %broadcast_in_dim3A : vector<256x1xf32>
    %reduce_sum3A_32 = vector.shape_cast %div3A : vector<256x1xf32> to vector<1x256x1xf32>
    %reduce_sum3A_33 = arith.constant dense<0.000000e+00> : vector<1xf32>
    %reduce_sum3A_34 = vector.multi_reduction <add>, %reduce_sum3A_32, %reduce_sum3A_33 [1, 2] : vector<1x256x1xf32> to vector<1xf32>
    %reduce_sum3A_35 = vector.shape_cast %reduce_sum3A_34 : vector<1xf32> to vector<1x1x1xf32>
    %reduce_sum3A_36 = vector.extract %reduce_sum3A_35[0, 0, 0] : f32 from vector<1x1x1xf32>
    %add3A = arith.addf %get3A_31, %reduce_sum3A_36 : f32
    %swap3A = arith.constant 0 : index
    %swap3A_37 = memref.load %arg4[%swap3A] : memref<2xf32, #tpu.memory_space<smem>>
    memref.store %add3A, %arg4[%swap3A] : memref<2xf32, #tpu.memory_space<smem>>
    %get3A_38 = arith.constant 1 : index
    %get3A_39 = memref.load %arg4[%get3A_38] : memref<2xf32, #tpu.memory_space<smem>>
    %div3A_40 = arith.divf %sub3A_29, %sub3A_10 : vector<256x1xf32>
    %reduce_sum3A_41 = vector.shape_cast %div3A_40 : vector<256x1xf32> to vector<1x256x1xf32>
    %reduce_sum3A_42 = arith.constant dense<0.000000e+00> : vector<1xf32>
    %reduce_sum3A_43 = vector.multi_reduction <add>, %reduce_sum3A_41, %reduce_sum3A_42 [1, 2] : vector<1x256x1xf32> to vector<1xf32>
    %reduce_sum3A_44 = vector.shape_cast %reduce_sum3A_43 : vector<1xf32> to vector<1x1x1xf32>
    %reduce_sum3A_45 = vector.extract %reduce_sum3A_44[0, 0, 0] : f32 from vector<1x1x1xf32>
    %add3A_46 = arith.addf %get3A_39, %reduce_sum3A_45 : f32
    %swap3A_47 = arith.constant 1 : index
    %swap3A_48 = memref.load %arg4[%swap3A_47] : memref<2xf32, #tpu.memory_space<smem>>
    memref.store %add3A_46, %arg4[%swap3A_47] : memref<2xf32, #tpu.memory_space<smem>>
    %eq3A_49 = arith.constant 12 : i32
    %eq3A_50 = arith.cmpi eq, %arg0, %eq3A_49 : i32
    %convert_element_type3A_51 = arith.extui %eq3A_50 : i1 to i32
    %cond3A_52 = arith.constant 0 : i32
    %cond3A_53 = arith.cmpi ne, %convert_element_type3A_51, %cond3A_52 : i32
    scf.if %cond3A_53 {
      %get3A_54 = arith.constant 0 : index
      %get3A_55 = memref.load %arg4[%get3A_54] : memref<2xf32, #tpu.memory_space<smem>>
      %swap3A_56 = arith.constant 0 : index
      %swap3A_57 = memref.load %arg3[%swap3A_56] : memref<2xf32, #tpu.memory_space<smem>>
      memref.store %get3A_55, %arg3[%swap3A_56] : memref<2xf32, #tpu.memory_space<smem>>
      %get3A_58 = arith.constant 1 : index
      %get3A_59 = memref.load %arg4[%get3A_58] : memref<2xf32, #tpu.memory_space<smem>>
      %swap3A_60 = arith.constant 1 : index
      %swap3A_61 = memref.load %arg3[%swap3A_60] : memref<2xf32, #tpu.memory_space<smem>>
      memref.store %get3A_59, %arg3[%swap3A_60] : memref<2xf32, #tpu.memory_space<smem>>
    } else {
    }
    return
  }
  func.func @transform_0(%arg0: i32) -> (i32, i32) {
    %c0_i32 = arith.constant 0 : i32
    %c0_i32_0 = arith.constant 0 : i32
    return %arg0, %c0_i32 : i32, i32
  }
  func.func @transform_1(%arg0: i32) -> (i32, i32) {
    %c0_i32 = arith.constant 0 : i32
    %c0_i32_0 = arith.constant 0 : i32
    return %arg0, %c0_i32 : i32, i32
  }
  func.func @transform_2(%arg0: i32) -> i32 {
    %c0_i32 = arith.constant 0 : i32
    %c0_i32_0 = arith.constant 0 : i32
    return %c0_i32 : i32
  }
}

</mosaic_0001>

<sc_bundles>
// kernel: kernel.4.cloned.1.call-start
scs
__scs_entry_jumppad:
0x0: {  	(pc) =	sbr.rel $0x88, $3  }
0x1: {  	(tag) =	ssettag $0x0;
	lr =	simm.s32 $0x1  }
0x2: {  	[smem:$0x3F9F] =	sst lr;
	_ =	strace $0xD0000000  }
0x3: {  	_ = 	snop  }
0x4: {  	_ = 	snop  }
0x5: {  	_ = 	snop  }
0x6: {  	_ = 	snop  }
0x7: {  	_ = 	snop  }
__scs_overlays_trampoline_lowered:
0x8: {  	[smem:$0x3FAE] =	sst s0  }
0x9: {  	[smem:$0x3FAF] =	sst s1  }
0xa: {  	[smem:$0x3FB0] =	sst s2  }
0xb: {  	[smem:$0x3FB1] =	sst s3  }
0xc: {  	[smem:$0x3FB2] =	sst s4  }
0xd: {  	[smem:$0x3FB3] =	sst s5  }
0xe: {  	[smem:$0x3FB4] =	sst s6  }
0xf: {  	[smem:$0x3FB5] =	sst s7  }
0x10: {  	[smem:$0x3FB6] =	sst s8  }
0x11: {  	[smem:$0x3FB7] =	sst s9;
	s0 =	simm.s32 @!p0 $0x0  }
0x12: {  	s1 =	sld [smem:$0x3F9D];
	s0 =	simm.s32 @p0 $0x1  }
0x13: {  	[smem:$0x3FB8] =	sst s0;
	s0 =	simm.s32 @!p1 $0x0  }
0x14: {  	s2 =	sld [smem:$0x3F9C];
	s0 =	simm.s32 @p1 $0x1  }
0x15: {  	[smem:$0x3FB9] =	sst s0;
	s0 =	simm.s32 @!p2 $0x0  }
0x16: {  	s3 =	sld [smem:$0x3FDB];
	s0 =	simm.s32 @p2 $0x1  }
0x17: {  	s4 =	simm.s32 $0x1BF5;
	[smem:$0x3FBB] =	sst s0  }
0x18: {  	s0 =	sld [smem:$0x3F9E];
	_ =	swait.ge [sflag:s4], $0x0  }
0x19: {  	s7 =	sld [smem:$0x3F9F]  }
0x1a: {  	s8 =	sadd.s32 $0xFFFFE003, lr  }
0x1b: {  	s9 =	sadd.s32 $0xFFFFFEF7, lr;
	s5 =	simm.s32 $0xFFFFFFFF;
	p2 =	slt.u32 s8, $0xFFFFF086  }
0x1c: {  	p1 =	slt.u32 s9, $0xF7A;
	s5 =	simm.s32 @!p2 $0x0  }
0x1d: {  	s5 =	simm.s32 @p1 $0x1;
	p0 =	seq.s32 s7, s2  }
0x1e: {  	s7 =	smul.u32 @!p0 $0xF7A, s2;
	p2 =	seq.s32 @!p0 s5, $0x0  }
0x1f: {  	s9 =	smul.u32 $0xF7A, s1;
	s8 =	simm.s32 @!p0 $0x1BF5;
	p2 =	por !p2, p0  }
0x20: {  	[sflag:s8] =	ssyncset.s32 @!p0 $0xFFFFF086;
	s6 =	sadd.s32 @!p0 s3, s7;
	s7 =	simm.s32 @!p0 $0x108  }
0x21: {  	s3 =	sadd.s32 s3, s9;
	s6 =	sadd.s32 @!p0 $0x88, s6;
	s7 =	simm.s32 @p2 $0x1082  }
0x22: {  	[simem:s7], [sflag:s8] =	dma.local @!p0 [hbm:s6], $0xF7A  }
0x23: {  	s9 =	sor.u32 $0xD0000000, s2;
	s6 =	simm.s32 $0x108;
	_ =	swait.ge @!p0 [sflag:s8], $0x0  }
0x24: {  	s3 =	sadd.s32 $0x88, s3;
	s6 =	simm.s32 @!p1 $0x1082;
	[sflag:s4] =	ssyncset.s32 $0xFFFFF086  }
0x25: {  	[simem:s6], [sflag:s4] =	dma.local [hbm:s3], $0xF7A  }
0x26: {  	[smem:$0x3F9F] =	sst s1;
	(tag) =	ssettag s2;
	_ =	strace s9  }
0x27: {  	s1 =	sld [smem:$0x3FAF]  }
0x28: {  	s2 =	sld [smem:$0x3FB0]  }
0x29: {  	s4 =	sld [smem:$0x3FB2]  }
0x2a: {  	p0 =	seq.s32 s5, $0x0;
	s5 =	sld [smem:$0x3FB3]  }
0x2b: {  	s6 =	sld [smem:$0x3FB4]  }
0x2c: {  	s7 =	sld [smem:$0x3FB5]  }
0x2d: {  	s3 =	simm.s32 $0x108;
	s8 =	sld [smem:$0x3FB6]  }
0x2e: {  	s3 =	simm.s32 @!p0 $0x1082;
	s9 =	sld [smem:$0x3FB7]  }
0x2f: {  	lr =	sadd.s32 s0, s3;
	s0 =	sld [smem:$0x3FAE]  }
0x30: {  	s3 =	sld [smem:$0x3FB1]  }
0x31: {  	[smem:$0x3FBA] =	sst s10  }
0x32: {  	s10 =	sld [smem:$0x3FB8];
	_ =	sdelay $0x3  }
0x33: {  	p0 =	seq.s32 s10, $0x1;
	s10 =	sld [smem:$0x3FBA];
	_ =	sdelay $0x3  }
0x34: {  	[smem:$0x3FBA] =	sst s10  }
0x35: {  	s10 =	sld [smem:$0x3FB9];
	_ =	sdelay $0x3  }
0x36: {  	p1 =	seq.s32 s10, $0x1;
	s10 =	sld [smem:$0x3FBA];
	_ =	sdelay $0x3  }
0x37: {  	[smem:$0x3FBA] =	sst s10  }
0x38: {  	s10 =	sld [smem:$0x3FBB]  }
0x39: {  	_ = 	snop;
	(pc) =	sbr.ind lr, $3  }
0x3a: {  	_ = 	snop  }
0x3b: {  	_ = 	snop  }
0x3c: {  	p2 =	seq.s32 s10, $0x1;
	s10 =	sld [smem:$0x3FBA]  }
0x3d: {  	_ =	shalt  }
0x3e: {  	_ =	shalt  }
0x3f: {  	_ =	shalt  }
0x40: {  	_ =	shalt  }
0x41: {  	_ =	shalt  }
0x42: {  	_ =	shalt  }
0x43: {  	_ =	shalt  }
0x44: {  	_ =	shalt  }
0x45: {  	_ =	shalt  }
0x46: {  	_ =	shalt  }
0x47: {  	_ =	shalt  }
0x48: {  	_ =	shalt  }
0x49: {  	_ =	shalt  }
0x4a: {  	_ =	shalt  }
0x4b: {  	_ =	shalt  }
0x4c: {  	_ =	shalt  }
0x4d: {  	_ =	shalt  }
0x4e: {  	_ =	shalt  }
0x4f: {  	_ =	shalt  }
0x50: {  	_ =	shalt  }
0x51: {  	_ =	shalt  }
0x52: {  	_ =	shalt  }
0x53: {  	_ =	shalt  }
0x54: {  	_ =	shalt  }
0x55: {  	_ =	shalt  }
0x56: {  	_ =	shalt  }
0x57: {  	_ =	shalt  }
0x58: {  	_ =	shalt  }
0x59: {  	_ =	shalt  }
0x5a: {  	_ =	shalt  }
0x5b: {  	_ =	shalt  }
0x5c: {  	_ =	shalt  }
0x5d: {  	_ =	shalt  }
0x5e: {  	_ =	shalt  }
0x5f: {  	_ =	shalt  }
0x60: {  	_ =	shalt  }
0x61: {  	_ =	shalt  }
0x62: {  	_ =	shalt  }
0x63: {  	_ =	shalt  }
0x64: {  	_ =	shalt  }
0x65: {  	_ =	shalt  }
0x66: {  	_ =	shalt  }
0x67: {  	_ =	shalt  }
0x68: {  	_ =	shalt  }
0x69: {  	_ =	shalt  }
0x6a: {  	_ =	shalt  }
0x6b: {  	_ =	shalt  }
0x6c: {  	_ =	shalt  }
0x6d: {  	_ =	shalt  }
0x6e: {  	_ =	shalt  }
0x6f: {  	_ =	shalt  }
0x70: {  	_ =	shalt  }
0x71: {  	_ =	shalt  }
0x72: {  	_ =	shalt  }
0x73: {  	_ =	shalt  }
0x74: {  	_ =	shalt  }
0x75: {  	_ =	shalt  }
0x76: {  	_ =	shalt  }
0x77: {  	_ =	shalt  }
0x78: {  	_ =	shalt  }
0x79: {  	_ =	shalt  }
0x7a: {  	_ =	shalt  }
0x7b: {  	_ =	shalt  }
0x7c: {  	_ =	shalt  }
0x7d: {  	_ =	shalt  }
0x7e: {  	_ =	shalt  }
0x7f: {  	_ =	shalt  }
0x80: {  	_ =	shalt  }
0x81: {  	_ =	shalt  }
0x82: {  	_ =	shalt  }
0x83: {  	_ =	shalt  }
0x84: {  	_ =	shalt  }
0x85: {  	_ =	shalt  }
0x86: {  	_ =	shalt  }
0x87: {  	_ =	shalt  }
.Lfunc_end0:
.L_simem_size_0:
called_computation_lowered:
.L_overlay_start_0:
0x88: {  	s2 =	sld [smem:$0x3FD9]  }
0x89: {  	s3 =	sld [smem:$0x3FFE];
	_ =	sdelay $0x1  }
0x8a: {  	s1 =	srdreg.scid  }
0x8b: {  	s0 =	sand.u32 $0x1, s1  }
0x8c: {  	s17 =	sshll.u32 s0, $0xA;
	s2 =	sadd.s32 s3, s2  }
0x8d: {  	s2 =	sadd.s32 s2, s17  }
0x8e: {  	[smem:$0x3FC6] =	sst s2  }
0x8f: {  	_ = 	snop  }
0x90: {  	s2 =	sld [smem:$0x3FC9]  }
0x91: {  	s18 =	sld [smem:$0x3FC8];
	(tm) =	ssettm $0x1  }
0x92: {  	s4 =	sld [smem:$0x3FFB];
	_ =	sdelay $0x3  }
0x93: {  	_ =	strace s4  }
0x94: {  	s4 =	sld [smem:$0x3FFC];
	_ =	sdelay $0x3  }
0x95: {  	_ =	strace s4  }
0x96: {  	s4 =	sld [smem:$0x3FFD];
	_ =	sdelay $0x3  }
0x97: {  	_ =	strace s4  }
0x98: {  	_ =	strace $0x8FFFFFFF  }
0x99: {  	s19 =	sld [smem:$0x3FDB];
	_ =	sdelay $0x1  }
0x9a: {  	s5 =	simm.s32 $_scs_section_size  }
0x9b: {  	s6 =	simm.s32 $_size__tile_overlayer_lowered;
	s7 =	simm.s32 $_tile_overlayer_lowered  }
0x9c: {  	s22 =	simm.s32 $0x1BFF;
	s21 =	sshll.u32 s7, $0x1;
	s4 =	sadd.s32 s5, s19  }
0x9d: {  	s8 =	simm.s32 $0x0;
	s20 =	sshll.u32 s6, $0x1;
	s6 =	sadd.s32 s21, s4  }
0x9e: {  	[timem:s8], [sflag:s22] =	dma.local [hbm:s6], s20  }
0x9f: {  	_ =	swait.ge [sflag:s22], s20  }
0xa0: {  	s5 =	ssub.s32 $0x0, s20;
	[sflag:s22] =	ssyncset.done $0x0  }
0xa1: {  	[sflag:s22] =	ssyncadd.s32 s5;
	_ =	sdelay $0x1  }
0xa2: {  	s23 =	simm.s32 $0x1B8B  }
0xa3: {  	_ =	swait.ge [sflag:s23], $0x1  }
0xa4: {  	[sflag:s23] =	ssyncset.done $0x0  }
0xa5: {  	s25 =	simm.s32 $0x1B8E;
	s24 =	sld [smem:$0x3FFE];
	[sflag:s23] =	ssyncadd.s32 $0xFFFFFFFF  }
0xa6: {  	s26 =	simm.s32 $execute0_lowered;
	[smem:$0x3FD2] =	sst s25  }
0xa7: {  	s6 =	sshll.u32 s26, $0x1;
	_ =	strace $0x80000046;
	[dreg:$0x1] =	wrdreg $0xFFFFFFFF  }
0xa8: {  	s28 =	simm.s32 $_size_execute0_lowered;
	s4 =	sadd.s32 s4, s6;
	[dreg:$0x0] =	wrdreg $0x0  }
0xa9: {  	s6 =	sshll.u32 s28, $0x1;
	[dreg:$0x2] =	wrdreg s4  }
0xaa: {  	[dreg:$0x3] =	wrdreg s6  }
0xab: {  	[dreg:$0x4] =	wrdreg $0xC0  }
0xac: {  	_ =	task [dreg:s8], $0x5FFFF  }
0xad: {  	[dreg:$0x1] =	wrdreg $0xFFFFFFFF  }
0xae: {  	[dreg:$0x0] =	wrdreg $0x60  }
0xaf: {  	[dreg:$0x2] =	wrdreg s2  }
0xb0: {  	[dreg:$0x3] =	wrdreg s18  }
0xb1: {  	[dreg:$0x4] =	wrdreg s24  }
0xb2: {  	[dreg:$0x5] =	wrdreg $0x9  }
0xb3: {  	_ =	task.clear_ibuf [dreg:s8], $0x6FFFF;
	_ =	strace $0x90000046  }
0xb4: {  	s29 =	simm.s32 $0x9;
	_ =	strace $0x80000048  }
0xb5: {  	_ =	swait.ge [sflag:s29], $0x1  }
0xb6: {  	[sflag:s29] =	ssyncadd.s32 $0xFFFFFFFF  }
0xb7: {  	_ =	strace $0x90000048  }
0xb8: {  	_ =	sfence  }
0xb9: {  	s30 =	sld [smem:$0x0];
	_ =	sdelay $0x2  }
0xba: {  	s31 =	sshll.u32 s1, $0xD;
	s1 =	sshrl.u32 s1, $0x2  }
0xbb: {  	s3 =	sand.u32 $0x4000, s31;
	s1 =	sadd.s32 s1, s30  }
0xbc: {  	s0 =	sor.u32 s3, s0;
	s1 =	sshll.u32 s1, $0x11  }
0xbd: {  	s0 =	sor.u32 s1, s0  }
0xbe: {  	s0 =	sadd.s32 $0x8F2B, s0  }
0xbf: {  	[sflag:s0] =	ssyncadd.remote.s32 $0x1  }
0xc0: {  	_ =	sfence.sel $0xFFFF  }
0xc1: {  	[dreg:$0x0] =	wrdreg $0xFFFFFFFF;
	(pc) =	sbr.abs _section_cstart, $3  }
0xc2: {  	[dreg:$0x1] =	wrdreg $0xFFFFFFFF  }
0xc3: {  	_ =	task.clear_ibuf [dreg:s8], $0x2FFFF;
	_ =	strace $0x9FFFFFFF  }
0xc4: {  	(tm) =	ssettm $0x7FFFFFFF  }
0xc5: {  	_ =	shalt  }
tec
execute0_lowered:
.L_overlay_start_1:
0x0: {  	(tag) =	ssettag $0x1  }
0x1: {  	s1 =	rddreg [dreg:$0x0]  }
0x2: {  	s2 =	srdreg.scid;
	s3 =	rddreg [dreg:$0x1]  }
0x3: {  	s0 =	stileid.u32;
	s10 =	rddreg [dreg:$0x2];
	s13 =	simm.s32 $0x400  }
0x4: {  	s15 =	simm.s32 $0x4000;
	s5 =	sand.u32 $0x1, s2;
	s23 =	sshll.u32 s0, $0x1  }
0x5: {  	s16 =	simm.s32 $0xC000;
	s17 =	simm.s32 $0x1;
	s11 =	sor.u32 s5, s23  }
0x6: {  	s18 =	simm.s32 $0x2;
	s0 =	simm.s32 $0x0;
	s6 =	smul.u32 $0x18000, s11  }
0x7: {  	[smem:$0x7FF] =	sst s0;
	s5 =	ssub.s32 $0x2, s5;
	s9 =	smul.u32 $0x3000, s11  }
0x8: {  	_ =	strace $0x80000047;
	s7 =	sshrl.u32 s5, $0x1;
	s11 =	sshll.u32 s11, $0x4  }
0x9: {  	s12 =	ssub.s32 s5, s7;
	s30 =	sadd.s32 s10, s11;
	s6 =	sshrl.u32 s6, $0x3  }
0xa: {  	s24 =	sadd.s32 $0x1A0000, s9;
	[dreg:$0x8] =	wrdreg s30;
	s31 =	smax.u32 s12, $0x1  }
.Ltmp0:
0xb: {  	s25 =	sadd.s32 s1, s24;
	[dreg:$0x9] =	wrdreg s31;
	(pc) =	sbr.rel .LBB2_1-.Ltmp0, $4  }
0xc: {  	s8 =	sadd.s32 $0x1A0040, s6;
	s26 =	sadd.s32 s3, s24;
	[dreg:$0x4] =	wrdreg s25  }
0xd: {  	s20 =	simm.s32 $0x3;
	[dreg:$0x5] =	wrdreg s26;
	s28 =	sadd.s32 s1, s8  }
0xe: {  	vm0 =	vcmask $0x704;
	s21 =	simm.s32 $0x0;
	s29 =	sadd.s32 s3, s8;
	[dreg:$0x6] =	wrdreg s28  }
0xf: {  	vm1 =	vmmov $0x1;
	vm2 =	vmmov $0x3;
	v0 =	vimm.f32 $0.0e+00;
	s9 =	sadd.s32 $0x1A1000, s9;
	s12 =	simm.s32 $0x200;
	[dreg:$0x7] =	wrdreg s29  }
.LBB2_26:
0x10: {  	[tilespmem:$0x10000] =	vst v1;
	s0 =	simm.s32 $0x0;
	s2 =	rddreg [dreg:$0x8];
	s4 =	simm.s32 $0x10000  }
0x11: {  	[hbm4b:s2+s0] =	stream.linear.scatter [tilespmem:s4], [sflag:$0x3], $0x80, $0x38;
	[tilespmem:$0x10080] =	vst v63  }
0x12: {  	_ =	swait.ge [sflag:s20], $0x80  }
0x13: {  	s21 =	sadd.s32 $0x1, s21;
	s31 =	rddreg [dreg:$0x9]  }
0x14: {  	p0 =	sne.s32 s21, s31  }
.Ltmp1:
0x15: {  	_ = 	snop;
	(pc) =	sbr.rel @!p0 .LBB2_27-.Ltmp1, $3  }
0x16: {  	_ =	sdelay $0x1  }
0x17: {  	[sflag:s20] =	ssyncset.done $0x0  }
0x18: {  	[sflag:s20] =	ssyncadd.s32 $0xFFFFFF80  }
.LBB2_1:
0x19: {  	s2 =	rddreg [dreg:$0x4]  }
0x1a: {  	[tilespmem:s0], [sflag:$0x1] =	stream.strided.gather [hbm4b:s2+s12], $0x4000, s13, s12, $0x38;
	[tilespmem:$0x10080] =	vst v63  }
0x1b: {  	s28 =	rddreg [dreg:$0x5];
	s29 =	simm.s32 $0x8000  }
0x1c: {  	[tilespmem:s29], [sflag:$0x1] =	stream.strided.gather [hbm4b:s28+s12], $0x4000, s13, s12, $0x38;
	[tilespmem:$0x10080] =	vst v63  }
0x1d: {  	s30 =	rddreg [dreg:$0x6]  }
0x1e: {  	[tilespmem:s15], [sflag:$0x2] =	stream.strided.gather [hbm4b:s30+s12], $0x4000, s13, s12, $0x38;
	[tilespmem:$0x10080] =	vst v63  }
0x1f: {  	s31 =	rddreg [dreg:$0x7];
	s22 =	simm.s32 $0x0  }
0x20: {  	v1 =	vimm.f32 $0.0e+00;
	[tilespmem:s16], [sflag:$0x2] =	stream.strided.gather [hbm4b:s31+s12], $0x4000, s13, s12, $0x38;
	[tilespmem:$0x10080] =	vst v63  }
.LBB2_2:
0x21: {  	_ =	swait.ge [sflag:s17], $0x4000  }
0x22: {  	[sflag:s17] =	ssyncset.done $0x0  }
0x23: {  	[sflag:s17] =	ssyncadd.s32 $0xFFFFC000  }
0x24: {  	s23 =	simm.s32 $0x0;
	_ =	swait.ge [sflag:s17], $0x4000  }
0x25: {  	s24 =	sand.u32 $0x40, s23;
	s23 =	sand.u32 $0x3E00, s23;
	[sflag:s17] =	ssyncset.done $0x0  }
0x26: {  	s23 =	sor.u32 s24, s23;
	[sflag:s17] =	ssyncadd.s32 $0xFFFFC000  }
0x27: {  	v2 =	vld [tilespmem:s23+$0x8030]  }
0x28: {  	v3 =	vld [tilespmem:s23+$0x30]  }
0x29: {  	v5 =	vld [tilespmem:s23+$0x8020]  }
0x2a: {  	v6 =	vld [tilespmem:s23+$0x8010]  }
0x2b: {  	v7 =	vld [tilespmem:s23+$0x8000]  }
0x2c: {  	v8 =	vld [tilespmem:s23+$0x0]  }
0x2d: {  	v9 =	vld [tilespmem:s23+$0x10]  }
0x2e: {  	v11 =	vld [tilespmem:s23+$0x20];
	_ =	sdelay $0x1  }
0x2f: {  	v2 =	vcvt.s32.f32 v2;
	v4 =	vadd.f32 $-1.000000010e-01, v3  }
0x30: {  	s31 =	simm.s32 $0x40;
	s25 =	simm.s32 $0x100;
	v12 =	vcvt.s32.f32 v7;
	v10 =	vadd.f32 $-1.000000010e-01, v8;
	v7 =	vcvt.s32.f32 v5  }
0x31: {  	s26 =	sand.u32 $0x3E00, s25;
	s24 =	sand.u32 $0x40, s31;
	v16 =	vcvt.s32.f32 v6;
	v13 =	vadd.f32 $-1.000000010e-01, v9;
	v5 =	vmul.f32 v2, v3  }
0x32: {  	s26 =	sor.u32 s24, s26;
	v8 =	vmul.f32 v12, v8;
	v14 =	vmax.f32 v10, $0.0e+00;
	v10 =	vmul.f32 v7, v11  }
0x33: {  	v6 =	vld [tilespmem:s26+$0x8030];
	v18 =	vadd.f32 $-1.000000010e-01, v11;
	v17 =	vmul.f32 v16, v9;
	v15 =	vmul.f32 v12, v14  }
0x34: {  	v3 =	vld [tilespmem:s26+$0x30];
	v11 =	vmax.f32 v13, $0.0e+00;
	v12 =	vadd.f32 v12, v0;
	v19 =	vadd.f32 v8, v0  }
0x35: {  	v9 =	vld [tilespmem:s26+$0x8010];
	v13 =	vadd.f32 v14, v0;
	v14 =	vadd.f32 v15, v0;
	v15 =	vmul.f32 v16, v11  }
0x36: {  	s28 =	simm.s32 $0x80;
	v8 =	vld [tilespmem:s26+$0x8020];
	v16 =	vadd.f32 v16, v12;
	v12 =	vmax.f32 v18, $0.0e+00;
	v17 =	vadd.f32 v17, v19  }
.LBB2_3:
0x37: {  	p0 =	sne.s32 s28, $0xFC0;
	v18 =	vld [tilespmem:s26+$0x8000];
	v11 =	vadd.f32 v11, v13;
	v13 =	vadd.f32 v15, v14;
	v14 =	vmul.f32 v7, v12  }
0x38: {  	v4 =	vmax.f32 v4, $0.0e+00;
	v15 =	vld [tilespmem:s26+$0x0];
	v7 =	vadd.f32 v7, v16;
	v10 =	vadd.f32 v10, v17  }
0x39: {  	v16 =	vld [tilespmem:s26+$0x10];
	v11 =	vadd.f32 v12, v11;
	v12 =	vadd.f32 v14, v13;
	v13 =	vmul.f32 v2, v4  }
0x3a: {  	v14 =	vld [tilespmem:s26+$0x20];
	v17 =	vadd.f32 v2, v7;
	v19 =	vadd.f32 v5, v10  }
0x3b: {  	v20 =	vadd.f32 v4, v11;
	v12 =	vadd.f32 v13, v12  }
0x3c: {  	v2 =	vcvt.s32.f32 v6;
	v4 =	vadd.f32 $-1.000000010e-01, v3  }
0x3d: {  	s25 =	sadd.s32 $0x100, s25;
	v7 =	vcvt.s32.f32 v8;
	v11 =	vcvt.s32.f32 v18;
	v6 =	vadd.f32 $-1.000000010e-01, v15  }
0x3e: {  	s29 =	sand.u32 $0x3E00, s25;
	s26 =	sand.u32 $0x40, s28;
	v18 =	vcvt.s32.f32 v9;
	v5 =	vmul.f32 v2, v3;
	v8 =	vadd.f32 $-1.000000010e-01, v16  }
.Ltmp2:
0x3f: {  	s26 =	sor.u32 s26, s29;
	v9 =	vmul.f32 v11, v15;
	v13 =	vmax.f32 v6, $0.0e+00;
	v10 =	vmul.f32 v7, v14;
	(pc) =	sbr.rel @p0 .LBB2_3-.Ltmp2, $4  }
0x40: {  	v21 =	vmul.f32 v18, v16;
	v22 =	vadd.f32 $-1.000000010e-01, v14;
	v6 =	vld [tilespmem:s26+$0x8030];
	v15 =	vmul.f32 v11, v13  }
0x41: {  	v16 =	vadd.f32 v11, v17;
	v17 =	vadd.f32 v9, v19;
	v11 =	vmax.f32 v8, $0.0e+00;
	v3 =	vld [tilespmem:s26+$0x30]  }
0x42: {  	v13 =	vadd.f32 v13, v20;
	v8 =	vld [tilespmem:s26+$0x8020];
	v14 =	vadd.f32 v15, v12;
	v15 =	vmul.f32 v18, v11  }
0x43: {  	s28 =	sadd.s32 $0x40, s28;
	v16 =	vadd.f32 v18, v16;
	v17 =	vadd.f32 v21, v17;
	v12 =	vmax.f32 v22, $0.0e+00;
	v9 =	vld [tilespmem:s26+$0x8010]  }
0x44: {  	v18 =	vld [tilespmem:s26+$0x8000];
	v11 =	vadd.f32 v11, v13  }
0x45: {  	v13 =	vadd.f32 v15, v14;
	v14 =	vmul.f32 v7, v12;
	v15 =	vld [tilespmem:s26+$0x0];
	v7 =	vadd.f32 v7, v16  }
0x46: {  	v4 =	vmax.f32 v4, $0.0e+00;
	v10 =	vadd.f32 v10, v17;
	v16 =	vld [tilespmem:s26+$0x10];
	v11 =	vadd.f32 v12, v11  }
0x47: {  	v12 =	vadd.f32 v14, v13;
	v13 =	vmul.f32 v2, v4;
	v2 =	vadd.f32 v2, v7  }
0x48: {  	v14 =	vld [tilespmem:s26+$0x20];
	v5 =	vadd.f32 v5, v10;
	v10 =	vadd.f32 $-1.000000010e-01, v3  }
0x49: {  	v6 =	vcvt.s32.f32 v6;
	v4 =	vadd.f32 v4, v11;
	v7 =	vadd.f32 v13, v12  }
0x4a: {  	v9 =	vcvt.s32.f32 v9;
	v11 =	vcvt.s32.f32 v18;
	v12 =	vadd.f32 $-1.000000010e-01, v15  }
0x4b: {  	v8 =	vcvt.s32.f32 v8;
	v3 =	vmul.f32 v6, v3;
	v13 =	vadd.f32 $-1.000000010e-01, v16  }
0x4c: {  	v16 =	vmul.f32 v9, v16;
	v15 =	vmul.f32 v11, v15;
	v12 =	vmax.f32 v12, $0.0e+00  }
0x4d: {  	v20 =	vld [tilespmem:s23+$0x80A0];
	v17 =	vmul.f32 v8, v14;
	v14 =	vadd.f32 $-1.000000010e-01, v14;
	v2 =	vadd.f32 v11, v2  }
0x4e: {  	v18 =	vld [tilespmem:s23+$0xB0];
	v19 =	vmul.f32 v11, v12;
	v11 =	vmax.f32 v13, $0.0e+00;
	v4 =	vadd.f32 v12, v4  }
0x4f: {  	v13 =	vld [tilespmem:s23+$0x8090];
	v5 =	vadd.f32 v15, v5;
	v12 =	vmul.f32 v9, v11;
	v2 =	vadd.f32 v9, v2  }
0x50: {  	v9 =	vmax.f32 v14, $0.0e+00;
	v7 =	vadd.f32 v19, v7;
	v19 =	vld [tilespmem:s23+$0x80];
	v4 =	vadd.f32 v11, v4  }
0x51: {  	v11 =	vmul.f32 v8, v9;
	v5 =	vadd.f32 v16, v5;
	v16 =	vld [tilespmem:s23+$0x90];
	v2 =	vadd.f32 v8, v2  }
0x52: {  	v8 =	vmax.f32 v10, $0.0e+00;
	v7 =	vadd.f32 v12, v7;
	v12 =	vld [tilespmem:s23+$0x80B0];
	v9 =	vadd.f32 v9, v4  }
0x53: {  	v21 =	vld [tilespmem:s23+$0xA0];
	s31 =	simm.s32 $0x100;
	v10 =	vmul.f32 v6, v8;
	v5 =	vadd.f32 v17, v5;
	v6 =	vadd.f32 v6, v2  }
0x54: {  	v25 =	vcvt.s32.f32 v20;
	v7 =	vadd.f32 v11, v7;
	v11 =	vld [tilespmem:s23+$0x8080];
	s23 =	sand.u32 $0x3E00, s31;
	v2 =	vadd.f32 v8, v9  }
0x55: {  	v13 =	vcvt.s32.f32 v13;
	v4 =	vadd.f32 v3, v5;
	s23 =	sor.u32 s24, s23;
	v22 =	vadd.f32 $-1.000000010e-01, v19  }
0x56: {  	v5 =	vimm.f32 $0.0e+00;
	v9 =	vadd.f32 $-1.000000010e-01, v16;
	v3 =	vadd.f32 v10, v7;
	v8 =	vld [tilespmem:s23+$0xB0]  }
0x57: {  	v7 =	vadd.f32 $-1.000000010e-01, v18;
	v20 =	vld [tilespmem:s23+$0x80A0];
	v17 =	vmul.f32 v13, v16;
	v10 =	vcvt.s32.f32 v12  }
0x58: {  	v16 =	vld [tilespmem:s23+$0x90];
	v28 =	vmax.f32 v22, $0.0e+00;
	v14 =	vmax.f32 v9, $0.0e+00;
	v9 =	vmul.f32 v25, v21  }
0x59: {  	v27 =	vld [tilespmem:s23+$0x8090];
	v12 =	vmax.f32 v7, $0.0e+00;
	v7 =	vadd.f32 $-1.000000010e-01, v21;
	v23 =	vcvt.s32.f32 v11  }
0x5a: {  	v29 =	vadd.f32 v28, v5;
	v15 =	vmul.f32 v13, v14;
	v11 =	vmul.f32 v10, v18  }
0x5b: {  	v26 =	vld [tilespmem:s23+$0x80B0];
	v22 =	vmax.f32 v7, $0.0e+00;
	v21 =	vadd.f32 v23, v5;
	v31 =	vmul.f32 v23, v19  }
0x5c: {  	v18 =	vld [tilespmem:s23+$0x80];
	v19 =	vmul.f32 v23, v28;
	v32 =	vadd.f32 $-1.000000010e-01, v8;
	v7 =	vcvt.s32.f32 v20  }
0x5d: {  	v23 =	vmul.f32 v25, v22;
	v20 =	vld [tilespmem:s23+$0xA0];
	v30 =	vadd.f32 $-1.000000010e-01, v16;
	v21 =	vadd.f32 v13, v21  }
0x5e: {  	v24 =	vadd.f32 v19, v5;
	v13 =	vcvt.s32.f32 v27;
	v27 =	vld [tilespmem:s23+$0x8080];
	v19 =	vmax.f32 v32, $0.0e+00  }
0x5f: {  	s25 =	simm.s32 $0x80;
	s23 =	simm.s32 $0x200;
	v28 =	vadd.f32 v31, v5;
	v25 =	vadd.f32 v25, v21;
	v21 =	vmul.f32 v10, v12  }
.LBB2_5:
0x60: {  	s24 =	smov.u32 s25  }
0x61: {  	s26 =	sand.u32 $0x40, s25;
	s28 =	sand.u32 $0x3E00, s23;
	v31 =	vadd.f32 $-1.000000010e-01, v18;
	v26 =	vcvt.s32.f32 v26;
	v29 =	vadd.f32 v14, v29;
	s24 =	sadd.s32 $0x40, s25  }
0x62: {  	p0 =	sne.s32 s25, $0xFC0;
	v24 =	vadd.f32 v15, v24;
	s26 =	sor.u32 s26, s28;
	v14 =	vmax.f32 v30, $0.0e+00;
	v30 =	vmul.f32 v7, v20  }
0x63: {  	v27 =	vcvt.s32.f32 v27;
	v15 =	vmul.f32 v13, v14;
	v22 =	vadd.f32 v22, v29;
	v32 =	vld [tilespmem:s26+$0xB0]  }
0x64: {  	v16 =	vmul.f32 v13, v16;
	v33 =	vmul.f32 v26, v8;
	v8 =	vadd.f32 v10, v25;
	v10 =	vmovc v26;
	v29 =	vld [tilespmem:s26+$0x80A0]  }
0x65: {  	v28 =	vadd.f32 v17, v28;
	v23 =	vadd.f32 v23, v24;
	v34 =	vmul.f32 v27, v18;
	v25 =	vld [tilespmem:s26+$0x8090]  }
0x66: {  	v20 =	vadd.f32 $-1.000000010e-01, v20;
	v31 =	vmax.f32 v31, $0.0e+00;
	v17 =	vmovc v16;
	v35 =	vadd.f32 v12, v22;
	v12 =	vmovc v19;
	v18 =	vld [tilespmem:s26+$0x80]  }
0x67: {  	v19 =	vadd.f32 v27, v8;
	v24 =	vmul.f32 v27, v31;
	v21 =	vadd.f32 v21, v23;
	v16 =	vld [tilespmem:s26+$0x90]  }
.Ltmp3:
0x68: {  	v28 =	vadd.f32 v9, v28;
	v9 =	vmovc v30;
	v22 =	vmax.f32 v20, $0.0e+00;
	v26 =	vld [tilespmem:s26+$0x80B0];
	v36 =	vadd.f32 $-1.000000010e-01, v32;
	v8 =	vmovc v32;
	(pc) =	sbr.rel @p0 .LBB2_5-.Ltmp3, $4  }
0x69: {  	v24 =	vadd.f32 v24, v21;
	v19 =	vadd.f32 v13, v19;
	v20 =	vld [tilespmem:s26+$0xA0];
	v30 =	vcvt.s32.f32 v29  }
0x6a: {  	v23 =	vmul.f32 v7, v22;
	v28 =	vadd.f32 v11, v28;
	v11 =	vmovc v33;
	v27 =	vld [tilespmem:s26+$0x8080];
	v13 =	vcvt.s32.f32 v25  }
0x6b: {  	v21 =	vmul.f32 v10, v12;
	v29 =	vadd.f32 v31, v35;
	v25 =	vadd.f32 v7, v19;
	v7 =	vmovc v30  }
0x6c: {  	s23 =	sadd.s32 $0x100, s23;
	s25 =	smov.u32 s24;
	v28 =	vadd.f32 v34, v28;
	v19 =	vmax.f32 v36, $0.0e+00;
	v30 =	vadd.f32 $-1.000000010e-01, v16  }
0x6d: {  	v31 =	vadd.f32 $-1.000000010e-01, v18  }
0x6e: {  	v26 =	vcvt.s32.f32 v26;
	v14 =	vadd.f32 v14, v29;
	v15 =	vadd.f32 v15, v24  }
0x6f: {  	v10 =	vadd.f32 v10, v25;
	v16 =	vmul.f32 v13, v16;
	v17 =	vadd.f32 v17, v28  }
0x70: {  	v63 =	vadd.f32 $-1.000000010e-01, v20;
	v59 =	vcvt.s32.f32 v27;
	v14 =	vadd.f32 v22, v14  }
0x71: {  	v58 =	vmax.f32 v30, $0.0e+00;
	v15 =	vadd.f32 v23, v15;
	v9 =	vadd.f32 v9, v17  }
0x72: {  	v62 =	vmax.f32 v31, $0.0e+00;
	v61 =	vmul.f32 v59, v18;
	v12 =	vadd.f32 v12, v14  }
0x73: {  	v14 =	vmul.f32 v59, v62;
	v15 =	vadd.f32 v21, v15;
	v9 =	vadd.f32 v11, v9  }
0x74: {  	v60 =	vmul.f32 v7, v20;
	v10 =	vadd.f32 v59, v10;
	v12 =	vadd.f32 v62, v12  }
0x75: {  	p0 =	por $0x0, $0x0;
	s23 =	simm.s32 $0x1;
	v11 =	vmul.f32 v13, v58;
	v14 =	vadd.f32 v14, v15;
	v9 =	vadd.f32 v61, v9  }
0x76: {  	p1 =	por $0x1, $0x1;
	s23 =	simm.s32 @!p0 $0x0;
	v15 =	vmax.f32 v63, $0.0e+00;
	v10 =	vadd.f32 v13, v10;
	v12 =	vadd.f32 v58, v12  }
.Ltmp4:
0x77: {  	s23 =	sshll.u32 s23, $0x6;
	v13 =	vmul.f32 v7, v15;
	v11 =	vadd.f32 v11, v14;
	v9 =	vadd.f32 v16, v9;
	(pc) =	sbr.rel @!p1 .LBB2_7-.Ltmp4, $4  }
0x78: {  	s23 =	sadd.s32 $0x0, s23;
	v14 =	vmul.f32 v26, v8;
	v7 =	vadd.f32 v7, v10;
	v8 =	vadd.f32 v15, v12  }
0x79: {  	s25 =	sor.u32 $0x130, s23;
	v10 =	vmul.f32 v26, v19;
	v11 =	vadd.f32 v13, v11;
	v13 =	vadd.f32 v60, v9  }
0x7a: {  	v12 =	vld [tilespmem:s25+$0x8000];
	v9 =	vadd.f32 v26, v7;
	v7 =	vadd.f32 v19, v8  }
0x7b: {  	s24 =	sor.u32 $0x120, s23;
	v8 =	vadd.f32 v10, v11;
	v11 =	vld [tilespmem:s25+$0x0];
	v10 =	vadd.f32 v14, v13  }
0x7c: {  	s25 =	sor.u32 $0x110, s23;
	v15 =	vld [tilespmem:s24+$0x8000]  }
0x7d: {  	s26 =	sor.u32 $0x100, s23;
	v17 =	vld [tilespmem:s25+$0x8000]  }
0x7e: {  	v16 =	vld [tilespmem:s26+$0x8000]  }
0x7f: {  	v19 =	vld [tilespmem:s26+$0x0]  }
0x80: {  	v20 =	vld [tilespmem:s25+$0x0];
	_ =	sdelay $0x1  }
0x81: {  	v22 =	vld [tilespmem:s24+$0x0]  }
0x82: {  	p3 =	por !p0, !p0;
	s24 =	simm.s32 $0x1;
	v13 =	vcvt.s32.f32 v12  }
0x83: {  	p4 =	por $0x1, $0x1;
	s24 =	simm.s32 @!p3 $0x0;
	v14 =	vadd.f32 $-1.000000010e-01, v11;
	v25 =	vcvt.s32.f32 v16;
	v12 =	vadd.f32 $-1.000000010e-01, v19  }
.Ltmp5:
0x84: {  	s24 =	sshll.u32 s24, $0x6;
	v16 =	vcvt.s32.f32 v15;
	v18 =	vcvt.s32.f32 v17;
	v28 =	vadd.f32 $-1.000000010e-01, v20;
	(pc) =	sbr.rel @!p4 .LBB2_9-.Ltmp5, $4  }
0x85: {  	s25 =	sadd.s32 $0x100, s24;
	v15 =	vmul.f32 v13, v11;
	v11 =	vmul.f32 v25, v19;
	v21 =	vmax.f32 v12, $0.0e+00  }
0x86: {  	s28 =	sor.u32 $0x130, s25;
	v17 =	vmul.f32 v16, v22;
	v22 =	vadd.f32 $-1.000000010e-01, v22;
	v24 =	vmul.f32 v18, v20  }
0x87: {  	p2 =	por $0x1, $0x1;
	v12 =	vld [tilespmem:s28+$0x8000];
	v26 =	vadd.f32 v25, v5;
	v19 =	vimm.f32 $0.0e+00;
	v23 =	vmul.f32 v25, v21  }
0x88: {  	s26 =	simm.s32 $0x100;
	s24 =	sor.u32 $0x120, s25;
	v20 =	vimm.f32 $0.0e+00;
	v25 =	vmax.f32 v28, $0.0e+00;
	v27 =	vadd.f32 v11, v5;
	v11 =	vld [tilespmem:s28+$0x0];
	s28 =	simm.s32 $0x80  }
.LBB2_10:
0x89: {  	p4 =	sne.s32 s28, $0xFC0;
	s29 =	sor.u32 $0x110, s25;
	v28 =	vld [tilespmem:s24+$0x8000];
	v19 =	vadd.f32 v21, v19;
	v20 =	vadd.f32 v23, v20;
	v21 =	vmul.f32 v18, v25  }
0x8a: {  	s25 =	sor.u32 $0x100, s25;
	v22 =	vmax.f32 v22, $0.0e+00;
	v23 =	vld [tilespmem:s29+$0x8000];
	v18 =	vadd.f32 v18, v26;
	v24 =	vadd.f32 v24, v27  }
0x8b: {  	v26 =	vld [tilespmem:s25+$0x8000];
	v19 =	vadd.f32 v25, v19;
	v20 =	vadd.f32 v21, v20;
	v21 =	vmul.f32 v16, v22  }
0x8c: {  	v14 =	vmax.f32 v14, $0.0e+00;
	v25 =	vld [tilespmem:s25+$0x0];
	v16 =	vadd.f32 v16, v18;
	v17 =	vadd.f32 v17, v24  }
0x8d: {  	v24 =	vld [tilespmem:s29+$0x0];
	v18 =	vadd.f32 v22, v19;
	v20 =	vadd.f32 v21, v20;
	v21 =	vmul.f32 v13, v14  }
0x8e: {  	v22 =	vld [tilespmem:s24+$0x0];
	v27 =	vadd.f32 v13, v16;
	v29 =	vadd.f32 v15, v17  }
0x8f: {  	p3 =	por !p3, !p3;
	s24 =	simm.s32 $0x1;
	v19 =	vadd.f32 v14, v18;
	v20 =	vadd.f32 v21, v20  }
0x90: {  	v13 =	vcvt.s32.f32 v12;
	s24 =	simm.s32 @!p3 $0x0;
	v14 =	vadd.f32 $-1.000000010e-01, v11  }
.Ltmp6:
0x91: {  	s26 =	sadd.s32 $0x100, s26;
	v16 =	vcvt.s32.f32 v28;
	s24 =	sshll.u32 s24, $0x6;
	v26 =	vcvt.s32.f32 v26;
	v12 =	vadd.f32 $-1.000000010e-01, v25;
	(pc) =	sbr.rel @p4 .LBB2_10-.Ltmp6, $4  }
0x92: {  	v18 =	vcvt.s32.f32 v23;
	v15 =	vmul.f32 v13, v11;
	s25 =	sadd.s32 s24, s26;
	v28 =	vadd.f32 $-1.000000010e-01, v24  }
0x93: {  	s29 =	sor.u32 $0x130, s25;
	v25 =	vmul.f32 v26, v25;
	v21 =	vmax.f32 v12, $0.0e+00;
	v17 =	vmul.f32 v16, v22  }
0x94: {  	v24 =	vmul.f32 v18, v24;
	v22 =	vadd.f32 $-1.000000010e-01, v22;
	v12 =	vld [tilespmem:s29+$0x8000];
	v23 =	vmul.f32 v26, v21  }
0x95: {  	s28 =	sadd.s32 $0x40, s28;
	s24 =	sor.u32 $0x120, s25;
	v26 =	vadd.f32 v26, v27;
	v27 =	vadd.f32 v25, v29;
	v25 =	vmax.f32 v28, $0.0e+00;
	v11 =	vld [tilespmem:s29+$0x0]  }
.LBB2_11:
0x96: {  	v28 =	vld [tilespmem:s24+$0x8000];
	v19 =	vadd.f32 @p2 v21, v19  }
0x97: {  	v20 =	vadd.f32 @p2 v23, v20;
	v21 =	vmul.f32 @p2 v18, v25;
	s26 =	sor.u32 $0x100, s25;
	v57 =	vld [tilespmem:s24+$0x0];
	v18 =	vadd.f32 @p2 v18, v26  }
0x98: {  	v22 =	vmax.f32 @p2 v22, $0.0e+00;
	v23 =	vadd.f32 @p2 v24, v27;
	v54 =	vld [tilespmem:s26+$0x8000];
	v19 =	vadd.f32 @p2 v25, v19  }
0x99: {  	s30 =	sor.u32 $0x110, s25;
	v55 =	vld [tilespmem:s26+$0x0];
	v20 =	vadd.f32 @p2 v21, v20;
	v21 =	vmul.f32 @p2 v16, v22;
	v16 =	vadd.f32 @p2 v16, v18  }
0x9a: {  	v14 =	vmax.f32 @p2 v14, $0.0e+00;
	v56 =	vld [tilespmem:s30+$0x8000];
	v17 =	vadd.f32 @p2 v17, v23;
	v19 =	vadd.f32 @p2 v22, v19  }
0x9b: {  	v12 =	vcvt.s32.f32 v12;
	v20 =	vadd.f32 @p2 v21, v20;
	v58 =	vadd.f32 $-1.000000010e-01, v11  }
0x9c: {  	v18 =	vld [tilespmem:s30+$0x0];
	v21 =	vmul.f32 @p2 v13, v14;
	v13 =	vadd.f32 @p2 v13, v16;
	v15 =	vadd.f32 @p2 v15, v17  }
0x9d: {  	v59 =	vcvt.s32.f32 v28;
	v11 =	vmul.f32 v12, v11;
	v22 =	vadd.f32 $-1.000000010e-01, v57  }
0x9e: {  	v14 =	vadd.f32 @p2 v14, v19;
	v17 =	vcvt.s32.f32 v54;
	v19 =	vadd.f32 $-1.000000010e-01, v55  }
0x9f: {  	v16 =	vadd.f32 @p2 v21, v20;
	v60 =	vcvt.s32.f32 v56;
	v13 =	vpsel p2, v13, v5  }
0xa0: {  	v15 =	vpsel p2, v15, v5;
	v24 =	vmul.f32 v17, v55;
	v19 =	vmax.f32 v19, $0.0e+00  }
0xa1: {  	v61 =	vadd.f32 $-1.000000010e-01, v18;
	v18 =	vmul.f32 v60, v18;
	v13 =	vadd.f32 v17, v13  }
0xa2: {  	v14 =	vpsel p2, v14, v5;
	v5 =	vpsel p2, v16, v5;
	v63 =	vmul.f32 v17, v19  }
0xa3: {  	v14 =	vadd.f32 v19, v14;
	v15 =	vadd.f32 v24, v15;
	v17 =	vmax.f32 v61, $0.0e+00  }
0xa4: {  	v13 =	vadd.f32 v60, v13;
	v5 =	vadd.f32 v63, v5;
	v16 =	vmul.f32 v60, v17  }
0xa5: {  	v14 =	vadd.f32 v17, v14;
	v15 =	vadd.f32 v18, v15;
	v18 =	vmax.f32 v22, $0.0e+00  }
.Ltmp7:
0xa6: {  	v62 =	vmul.f32 v59, v57;
	v5 =	vadd.f32 v16, v5;
	v16 =	vmul.f32 v59, v18;
	(pc) =	sbr.rel @!p1 .LBB2_12-.Ltmp7, $4  }
0xa7: {  	v19 =	vmax.f32 v58, $0.0e+00;
	v13 =	vadd.f32 v59, v13;
	v18 =	vadd.f32 v18, v14  }
0xa8: {  	s31 =	sor.u32 $0x1B0, s23;
	v20 =	vmul.f32 v12, v19;
	v17 =	vadd.f32 v62, v15;
	v5 =	vadd.f32 v16, v5  }
0xa9: {  	v15 =	vadd.f32 v12, v13;
	v16 =	vld [tilespmem:s31+$0x8000];
	v13 =	vadd.f32 v19, v18  }
0xaa: {  	s24 =	sor.u32 $0x1A0, s23;
	v14 =	vadd.f32 v11, v17;
	v11 =	vld [tilespmem:s31+$0x0];
	v12 =	vadd.f32 v20, v5;
	v5 =	vimm.f32 $0.0e+00  }
0xab: {  	s25 =	sor.u32 $0x190, s23;
	v19 =	vld [tilespmem:s24+$0x8000]  }
0xac: {  	s31 =	sor.u32 $0x180, s23;
	v21 =	vld [tilespmem:s25+$0x8000]  }
0xad: {  	v20 =	vld [tilespmem:s31+$0x8000]  }
0xae: {  	v23 =	vld [tilespmem:s31+$0x0]  }
0xaf: {  	v24 =	vld [tilespmem:s25+$0x0];
	_ =	sdelay $0x1  }
0xb0: {  	v26 =	vld [tilespmem:s24+$0x0]  }
0xb1: {  	p1 =	por !p0, !p0;
	s23 =	simm.s32 $0x1;
	v17 =	vcvt.s32.f32 v16  }
0xb2: {  	p2 =	por $0x1, $0x1;
	s23 =	simm.s32 @!p1 $0x0;
	v18 =	vadd.f32 $-1.000000010e-01, v11;
	v29 =	vcvt.s32.f32 v20;
	v16 =	vadd.f32 $-1.000000010e-01, v23  }
.Ltmp8:
0xb3: {  	s23 =	sshll.u32 s23, $0x6;
	v20 =	vcvt.s32.f32 v19;
	v22 =	vcvt.s32.f32 v21;
	v32 =	vadd.f32 $-1.000000010e-01, v24;
	(pc) =	sbr.rel @!p2 .LBB2_14-.Ltmp8, $4  }
0xb4: {  	s23 =	sadd.s32 $0x100, s23;
	v19 =	vmul.f32 v17, v11;
	v11 =	vmul.f32 v29, v23;
	v25 =	vmax.f32 v16, $0.0e+00  }
0xb5: {  	s26 =	sor.u32 $0x1B0, s23;
	v21 =	vmul.f32 v20, v26;
	v26 =	vadd.f32 $-1.000000010e-01, v26;
	v28 =	vmul.f32 v22, v24  }
0xb6: {  	p0 =	por $0x1, $0x1;
	v16 =	vld [tilespmem:s26+$0x8000];
	v31 =	vadd.f32 v29, v5;
	v23 =	vimm.f32 $0.0e+00;
	v27 =	vmul.f32 v29, v25  }
0xb7: {  	s25 =	simm.s32 $0x100;
	s24 =	sor.u32 $0x1A0, s23;
	v24 =	vimm.f32 $0.0e+00;
	v29 =	vmax.f32 v32, $0.0e+00;
	v30 =	vadd.f32 v11, v5;
	v11 =	vld [tilespmem:s26+$0x0];
	s26 =	simm.s32 $0x80  }
.LBB2_15:
0xb8: {  	p2 =	sne.s32 s26, $0xFC0;
	s28 =	sor.u32 $0x190, s23;
	v32 =	vld [tilespmem:s24+$0x8000];
	v23 =	vadd.f32 v25, v23;
	v24 =	vadd.f32 v27, v24;
	v25 =	vmul.f32 v22, v29  }
0xb9: {  	s23 =	sor.u32 $0x180, s23;
	v26 =	vmax.f32 v26, $0.0e+00;
	v27 =	vld [tilespmem:s28+$0x8000];
	v22 =	vadd.f32 v22, v31;
	v28 =	vadd.f32 v28, v30  }
0xba: {  	v30 =	vld [tilespmem:s23+$0x8000];
	v23 =	vadd.f32 v29, v23;
	v24 =	vadd.f32 v25, v24;
	v25 =	vmul.f32 v20, v26  }
0xbb: {  	v18 =	vmax.f32 v18, $0.0e+00;
	v29 =	vld [tilespmem:s23+$0x0];
	v20 =	vadd.f32 v20, v22;
	v21 =	vadd.f32 v21, v28  }
0xbc: {  	v28 =	vld [tilespmem:s28+$0x0];
	v22 =	vadd.f32 v26, v23;
	v24 =	vadd.f32 v25, v24;
	v25 =	vmul.f32 v17, v18  }
0xbd: {  	v26 =	vld [tilespmem:s24+$0x0];
	v31 =	vadd.f32 v17, v20;
	v33 =	vadd.f32 v19, v21  }
0xbe: {  	p1 =	por !p1, !p1;
	s23 =	simm.s32 $0x1;
	v23 =	vadd.f32 v18, v22;
	v24 =	vadd.f32 v25, v24  }
0xbf: {  	s23 =	simm.s32 @!p1 $0x0;
	v17 =	vcvt.s32.f32 v16;
	v18 =	vadd.f32 $-1.000000010e-01, v11  }
.Ltmp9:
0xc0: {  	s25 =	sadd.s32 $0x100, s25;
	s23 =	sshll.u32 s23, $0x6;
	v20 =	vcvt.s32.f32 v32;
	v30 =	vcvt.s32.f32 v30;
	v16 =	vadd.f32 $-1.000000010e-01, v29;
	(pc) =	sbr.rel @p2 .LBB2_15-.Ltmp9, $4  }
0xc1: {  	s23 =	sadd.s32 s23, s25;
	v22 =	vcvt.s32.f32 v27;
	v19 =	vmul.f32 v17, v11;
	v32 =	vadd.f32 $-1.000000010e-01, v28  }
0xc2: {  	s28 =	sor.u32 $0x1B0, s23;
	v29 =	vmul.f32 v30, v29;
	v25 =	vmax.f32 v16, $0.0e+00;
	v21 =	vmul.f32 v20, v26  }
0xc3: {  	v28 =	vmul.f32 v22, v28;
	v26 =	vadd.f32 $-1.000000010e-01, v26;
	v16 =	vld [tilespmem:s28+$0x8000];
	v27 =	vmul.f32 v30, v25  }
0xc4: {  	s26 =	sadd.s32 $0x40, s26;
	s24 =	sor.u32 $0x1A0, s23;
	v31 =	vadd.f32 v30, v31;
	v30 =	vadd.f32 v29, v33;
	v29 =	vmax.f32 v32, $0.0e+00;
	v11 =	vld [tilespmem:s28+$0x0]  }
.LBB2_16:
0xc5: {  	s25 =	sor.u32 $0x180, s23  }
0xc6: {  	v31 =	vadd.f32 @p0 v22, v31;
	v32 =	vld [tilespmem:s25+$0x8000]  }
0xc7: {  	s7 =	sor.u32 $0x190, s23  }
0xc8: {  	v23 =	vadd.f32 @p0 v25, v23;
	v60 =	vld [tilespmem:s7+$0x8000];
	v31 =	vadd.f32 @p0 v20, v31  }
0xc9: {  	v24 =	vadd.f32 @p0 v27, v24;
	v26 =	vmax.f32 @p0 v26, $0.0e+00;
	v22 =	vmul.f32 @p0 v22, v29  }
0xca: {  	(xrf2) =	vadd.scan.msk.f32 $0xffff, v6;
	v6 =	vld [tilespmem:s24+$0x8000];
	v18 =	vmax.f32 @p0 v18, $0.0e+00;
	v27 =	vadd.f32 @p0 v28, v30;
	v28 =	vadd.f32 @p0 v17, v31  }
0xcb: {  	(xrf2) =	vadd.scan.msk.f32 $0xffff, v4;
	v61 =	vld [tilespmem:s25+$0x0];
	v23 =	vadd.f32 @p0 v29, v23;
	v4 =	vadd.f32 @p0 v22, v24;
	v62 =	vcvt.s32.f32 v32  }
0xcc: {  	(xrf2) =	vadd.scan.msk.f32 $0xffff, v2;
	v20 =	vmul.f32 @p0 v20, v26;
	v2 =	vadd.f32 @p0 v21, v27;
	v63 =	vpsel p0, v28, v5  }
0xcd: {  	(xrf2) =	vadd.scan.msk.f32 $0xffff, v3;
	v3 =	vld [tilespmem:s7+$0x0];
	v23 =	vadd.f32 @p0 v26, v23;
	v25 =	vcvt.s32.f32 v60;
	v21 =	vadd.f32 v62, v63  }
0xce: {  	(xrf2) =	vadd.scan.msk.f32 $0xffff, v9;
	v9 =	vmul.f32 @p0 v17, v18;
	v4 =	vadd.f32 @p0 v20, v4  }
0xcf: {  	(xrf2) =	vadd.scan.msk.f32 $0xffff, v10;
	v10 =	vld [tilespmem:s24+$0x0];
	v6 =	vcvt.s32.f32 v6;
	v17 =	vadd.f32 @p0 v18, v23;
	v18 =	vadd.f32 v25, v21  }
0xd0: {  	v2 =	vadd.f32 @p0 v19, v2;
	(xrf2) =	vadd.scan.msk.f32 $0xffff, v7;
	v7 =	vadd.f32 $-1.000000010e-01, v61  }
0xd1: {  	v4 =	vadd.f32 @p0 v9, v4;
	(xrf2) =	vadd.scan.msk.f32 $0xffff, v8;
	v8 =	vcvt.s32.f32 v16;
	v16 =	vadd.f32 v6, v18  }
0xd2: {  	v9 =	vadd.f32 $-1.000000010e-01, v11;
	v2 =	vpsel p0, v2, v5;
	(xrf2) =	vadd.scan.msk.f32 $0xffff, v15;
	v15 =	vadd.f32 $-1.000000010e-01, v3  }
0xd3: {  	v7 =	vmax.f32 v7, $0.0e+00;
	v3 =	vmul.f32 v25, v3;
	(xrf2) =	vadd.scan.msk.f32 $0xffff, v14;
	v16 =	vadd.f32 v8, v16  }
0xd4: {  	v14 =	vmul.f32 v62, v7;
	v4 =	vpsel p0, v4, v5;
	v19, _, _ =	vpop (xrf2);
	(xrf2) =	vadd.scan.msk.f32 $0xffff, v13;
	v13 =	vadd.f32 $-1.000000010e-01, v10  }
0xd5: {  	v15 =	vmax.f32 v15, $0.0e+00;
	(v2sf) =	vpush v19, $0xF;
	v20, _, _ =	vpop (xrf2);
	(xrf2) =	vadd.scan.msk.f32 $0xffff, v12;
	v12 =	vpsel p0, v17, v5  }
0xd6: {  	v4 =	vadd.f32 v14, v4;
	v18 =	vmul.f32 v62, v61;
	(v2sf) =	vpush v20, $0xF;
	v17, _, _ =	vpop (xrf2);
	(xrf2) =	vadd.scan.msk.f32 $0xffff, v16  }
0xd7: {  	v10 =	vmul.f32 v6, v10;
	v7 =	vadd.f32 v7, v12;
	(v2sf) =	vpush v17, $0xF;
	v16, _, _ =	vpop (xrf2)  }
0xd8: {  	v13 =	vmax.f32 v13, $0.0e+00;
	v2 =	vadd.f32 v18, v2;
	v12, _, _ =	vpop (xrf2);
	(v2sf) =	vpush v16, $0xF  }
0xd9: {  	v6 =	vmul.f32 v6, v13;
	v7 =	vadd.f32 v15, v7;
	v14, _, _ =	vpop (xrf2);
	(v2sf) =	vpush v12, $0xF  }
0xda: {  	v2 =	vadd.f32 v3, v2;
	v16 =	vmul.f32 v25, v15;
	v3, _, _ =	vpop (xrf2);
	(v2sf) =	vpush v14, $0xF  }
0xdb: {  	v7 =	vadd.f32 v13, v7;
	v14, _, _ =	vpop (xrf2);
	(v2sf) =	vpush v3, $0xF  }
0xdc: {  	v4 =	vadd.f32 v16, v4;
	v3, _, _ =	vpop (xrf2);
	(v2sf) =	vpush v14, $0xF  }
0xdd: {  	v11 =	vmul.f32 v8, v11;
	v2 =	vadd.f32 v10, v2;
	v10, _, _ =	vpop (xrf2);
	(v2sf) =	vpush v3, $0xF  }
0xde: {  	v9 =	vmax.f32 v9, $0.0e+00;
	v4 =	vadd.f32 v6, v4;
	(v2sf) =	vpush v10, $0xF;
	v6, _, _ =	vpop (xrf2)  }
0xdf: {  	v8 =	vmul.f32 v8, v9;
	v2 =	vadd.f32 v11, v2;
	(v2sf) =	vpush v6, $0xF;
	v6, _, _ =	vpop (xrf2)  }
0xe0: {  	v7 =	vadd.f32 v9, v7;
	(v2sf) =	vpush v6, $0xF;
	v6, _, _ =	vpop (xrf2)  }
0xe1: {  	v4 =	vadd.f32 v8, v4;
	(xrf2) =	vadd.scan.msk.f32 $0xffff, v2;
	(v2sf) =	vpush v6, $0xF  }
0xe2: {  	(xrf2) =	vadd.scan.msk.f32 $0xffff, v7  }
0xe3: {  	(xrf2) =	vadd.scan.msk.f32 $0xffff, v4  }
0xe4: {  	s24 =	spop (v2sf)  }
0xe5: {  	s25 =	spop (v2sf)  }
0xe6: {  	s26 =	spop (v2sf)  }
0xe7: {  	s28 =	spop (v2sf)  }
0xe8: {  	s29 =	spop (v2sf)  }
0xe9: {  	s30 =	spop (v2sf)  }
0xea: {  	s31 =	spop (v2sf)  }
0xeb: {  	v2, _, _ =	vpop (xrf2);
	s2 =	spop (v2sf)  }
0xec: {  	v4, _, _ =	vpop (xrf2);
	(v2sf) =	vpush v2, $0xF;
	s0 =	spop (v2sf)  }
0xed: {  	(v2sf) =	vpush v4, $0xF;
	v2, _, _ =	vpop (xrf2);
	s14 =	spop (v2sf)  }
0xee: {  	s8 =	ssub.f32 $4.096000000e+03, s24;
	v4 =	vbroadcast v19, $0xF;
	(v2sf) =	vpush v2, $0xF;
	s19 =	spop (v2sf)  }
0xef: {  	s5 =	ssub.f32 $4.096000000e+03, s29;
	v2 =	vbroadcast v12, $0xF;
	s4 =	spop (v2sf)  }
0xf0: {  	v3 =	vbroadcast v3, $0xF;
	v4 =	vnsel vm1, s8, v4;
	s10 =	ssub.f32 $4.096000000e+03, s0;
	s6 =	spop (v2sf)  }
0xf1: {  	(erf) = vrcp.f32 v4;
	v2 =	vnsel vm1, s5, v2;
	v4 =	vbroadcast v6, $0xF;
	s11 =	ssub.f32 $4.096000000e+03, s6  }
0xf2: {  	(erf) = vrcp.f32 v2;
	v2 =	vnsel vm1, s10, v3  }
0xf3: {  	(erf) = vrcp.f32 v2;
	v2 =	vnsel vm1, s11, v4  }
0xf4: {  	(erf) = vrcp.f32 v2  }
0xf5: {  	s23 =	sshll.u32 s22, $0xC;
	p0 =	seq.s32 s22, $0x2  }
0xf6: {  	s8 =	simm.s32 @!p0 $0x200;
	s5 =	sadd.s32 @!p0 s23, s9  }
0xf7: {  	s7 =	sadd.s32 @!p0 s1, s5;
	s10 =	simm.s32 @!p0 $0x400;
	s11 =	simm.s32 @!p0 $0x0  }
0xf8: {  	[tilespmem:s11], [sflag:$0x1] =	stream.strided.gather @!p0 [hbm4b:s7+s8], $0x4000, s10, s8, $0x38;
	[tilespmem:$0x10080] =	vst v63  }
0xf9: {  	s5 =	sadd.s32 @!p0 s3, s5;
	s7 =	simm.s32 @!p0 $0x8000  }
0xfa: {  	[tilespmem:s7], [sflag:$0x1] =	stream.strided.gather @!p0 [hbm4b:s5+s8], $0x4000, s10, s8, $0x38;
	v2 =	vpop (erf);
	[tilespmem:$0x10080] =	vst v63  }
0xfb: {  	v3 =	vpop (erf);
	s5 =	spop (v2sf)  }
0xfc: {  	v4 =	vpop (erf);
	s7 =	spop (v2sf)  }
0xfd: {  	s8 =	spop (v2sf);
	v6 =	vpop (erf)  }
0xfe: {  	_ =	swait.ge [sflag:s18], $0x4000  }
0xff: {  	s24 =	ssub.f32 s24, s25;
	[sflag:s18] =	ssyncset.done $0x0  }
0x100: {  	s25 =	ssub.f32 s29, s30;
	[sflag:s18] =	ssyncadd.s32 $0xFFFFC000  }
0x101: {  	s11 =	ssub.f32 s26, s28;
	s26 =	simm.s32 $0x0;
	_ =	swait.ge [sflag:s18], $0x4000  }
0x102: {  	v7 =	vmov s24;
	s30 =	sand.u32 $0x40, s26;
	s24 =	sand.u32 $0x3E00, s26;
	[sflag:s18] =	ssyncset.done $0x0  }
0x103: {  	s2 =	ssub.f32 s31, s2;
	v7 =	vsel vm0, s11, v7;
	s24 =	sor.u32 s30, s24;
	[sflag:s18] =	ssyncadd.s32 $0xFFFFC000  }
0x104: {  	v8 =	vmov s25;
	s0 =	ssub.f32 s0, s14;
	v2 =	vmul.f32 v2, v7;
	v7 =	vld [tilespmem:s24+$0xC030]  }
0x105: {  	v8 =	vsel vm0, s2, v8;
	s19 =	ssub.f32 s19, s4;
	v9 =	vld [tilespmem:s24+$0x4030]  }
0x106: {  	v10 =	vmov s0;
	v3 =	vmul.f32 v3, v8;
	s25 =	ssub.f32 s6, s5;
	v2 =	vnsel vm2, $0x0, v2;
	v8 =	vld [tilespmem:s24+$0xC020]  }
0x107: {  	v1 =	vadd.f32 v2, v1;
	v2 =	vsel vm0, s19, v10;
	s26 =	ssub.f32 s7, s8;
	v10 =	vld [tilespmem:s24+$0xC010]  }
0x108: {  	v3 =	vnsel vm2, $0x0, v3;
	v2 =	vmul.f32 v4, v2;
	v4 =	vmov s25;
	v11 =	vld [tilespmem:s24+$0xC000]  }
0x109: {  	v1 =	vadd.f32 v3, v1;
	v3 =	vsel vm0, s26, v4;
	v4 =	vld [tilespmem:s24+$0x4000]  }
0x10a: {  	v2 =	vnsel vm2, $0x0, v2;
	v3 =	vmul.f32 v6, v3;
	v12 =	vld [tilespmem:s24+$0x4010]  }
0x10b: {  	v1 =	vadd.f32 v2, v1;
	v13 =	vld [tilespmem:s24+$0x4020]  }
0x10c: {  	v2 =	vnsel vm2, $0x0, v3  }
0x10d: {  	v1 =	vadd.f32 v2, v1;
	v2 =	vcvt.s32.f32 v7;
	v3 =	vadd.f32 $-1.000000010e-01, v9  }
0x10e: {  	s30 =	simm.s32 $0x40;
	s26 =	simm.s32 $0x100;
	v14 =	vcvt.s32.f32 v11;
	v7 =	vadd.f32 $-1.000000010e-01, v4;
	v8 =	vcvt.s32.f32 v8  }
0x10f: {  	s25 =	sand.u32 $0x40, s30;
	s31 =	sand.u32 $0x3E00, s26;
	v17 =	vcvt.s32.f32 v10;
	v10 =	vadd.f32 $-1.000000010e-01, v12;
	v6 =	vmul.f32 v2, v9  }
0x110: {  	s28 =	sor.u32 s25, s31;
	v9 =	vmul.f32 v14, v4;
	v15 =	vmax.f32 v7, $0.0e+00;
	v11 =	vmul.f32 v8, v13  }
0x111: {  	v7 =	vld [tilespmem:s28+$0xC030];
	v18 =	vmul.f32 v17, v12;
	v13 =	vadd.f32 $-1.000000010e-01, v13;
	v16 =	vmul.f32 v14, v15  }
0x112: {  	v4 =	vld [tilespmem:s28+$0x4030];
	v19 =	vadd.f32 v14, v5;
	v12 =	vmax.f32 v10, $0.0e+00;
	v20 =	vadd.f32 v9, v5  }
0x113: {  	v10 =	vld [tilespmem:s28+$0xC010];
	v14 =	vadd.f32 v15, v5;
	v15 =	vadd.f32 v16, v5;
	v16 =	vmul.f32 v17, v12  }
0x114: {  	s29 =	simm.s32 $0x80;
	v9 =	vld [tilespmem:s28+$0xC020];
	v13 =	vmax.f32 v13, $0.0e+00;
	v17 =	vadd.f32 v17, v19;
	v18 =	vadd.f32 v18, v20  }
.LBB2_17:
0x115: {  	p1 =	sne.s32 s29, $0xFC0;
	v19 =	vld [tilespmem:s28+$0xC000];
	v12 =	vadd.f32 v12, v14;
	v14 =	vadd.f32 v16, v15;
	v15 =	vmul.f32 v8, v13  }
0x116: {  	v3 =	vmax.f32 v3, $0.0e+00;
	v16 =	vld [tilespmem:s28+$0x4000];
	v8 =	vadd.f32 v8, v17;
	v11 =	vadd.f32 v11, v18  }
0x117: {  	v17 =	vld [tilespmem:s28+$0x4010];
	v12 =	vadd.f32 v13, v12;
	v13 =	vadd.f32 v15, v14;
	v14 =	vmul.f32 v2, v3  }
0x118: {  	v15 =	vld [tilespmem:s28+$0x4020];
	v18 =	vadd.f32 v2, v8;
	v20 =	vadd.f32 v6, v11  }
0x119: {  	v21 =	vadd.f32 v3, v12;
	v13 =	vadd.f32 v14, v13  }
0x11a: {  	v2 =	vcvt.s32.f32 v7;
	v3 =	vadd.f32 $-1.000000010e-01, v4  }
0x11b: {  	s26 =	sadd.s32 $0x100, s26;
	v8 =	vcvt.s32.f32 v9;
	v12 =	vcvt.s32.f32 v19;
	v7 =	vadd.f32 $-1.000000010e-01, v16  }
0x11c: {  	s0 =	sand.u32 $0x40, s29;
	s2 =	sand.u32 $0x3E00, s26;
	v19 =	vcvt.s32.f32 v10;
	v6 =	vmul.f32 v2, v4;
	v9 =	vadd.f32 $-1.000000010e-01, v17  }
.Ltmp10:
0x11d: {  	s28 =	sor.u32 s0, s2;
	v10 =	vmul.f32 v12, v16;
	v14 =	vmax.f32 v7, $0.0e+00;
	v11 =	vmul.f32 v8, v15;
	(pc) =	sbr.rel @p1 .LBB2_17-.Ltmp10, $4  }
0x11e: {  	v22 =	vmul.f32 v19, v17;
	v23 =	vadd.f32 $-1.000000010e-01, v15;
	v7 =	vld [tilespmem:s28+$0xC030];
	v16 =	vmul.f32 v12, v14  }
0x11f: {  	v17 =	vadd.f32 v12, v18;
	v18 =	vadd.f32 v10, v20;
	v12 =	vmax.f32 v9, $0.0e+00;
	v4 =	vld [tilespmem:s28+$0x4030]  }
0x120: {  	v14 =	vadd.f32 v14, v21;
	v9 =	vld [tilespmem:s28+$0xC020];
	v15 =	vadd.f32 v16, v13;
	v16 =	vmul.f32 v19, v12  }
0x121: {  	s29 =	sadd.s32 $0x40, s29;
	v17 =	vadd.f32 v19, v17;
	v18 =	vadd.f32 v22, v18;
	v13 =	vmax.f32 v23, $0.0e+00;
	v10 =	vld [tilespmem:s28+$0xC010]  }
0x122: {  	v19 =	vld [tilespmem:s28+$0xC000]  }
0x123: {  	v12 =	vadd.f32 v12, v14;
	v14 =	vadd.f32 v16, v15;
	v15 =	vmul.f32 v8, v13;
	v16 =	vld [tilespmem:s28+$0x4000]  }
0x124: {  	v3 =	vmax.f32 v3, $0.0e+00;
	v8 =	vadd.f32 v8, v17;
	v11 =	vadd.f32 v11, v18;
	v17 =	vld [tilespmem:s28+$0x4010]  }
0x125: {  	v7 =	vcvt.s32.f32 v7;
	v12 =	vadd.f32 v13, v12;
	v13 =	vadd.f32 v15, v14;
	v15 =	vld [tilespmem:s28+$0x4020]  }
0x126: {  	v14 =	vmul.f32 v2, v3;
	v2 =	vadd.f32 v2, v8;
	v6 =	vadd.f32 v6, v11  }
0x127: {  	v9 =	vcvt.s32.f32 v9;
	v3 =	vadd.f32 v3, v12;
	v11 =	vcvt.s32.f32 v19  }
0x128: {  	v8 =	vadd.f32 v14, v13;
	v10 =	vcvt.s32.f32 v10;
	v12 =	vadd.f32 $-1.000000010e-01, v16  }
0x129: {  	v13 =	vadd.f32 $-1.000000010e-01, v4;
	v4 =	vmul.f32 v7, v4;
	v14 =	vmul.f32 v11, v16  }
0x12a: {  	v20 =	vld [tilespmem:s24+$0xC0B0];
	v12 =	vmax.f32 v12, $0.0e+00;
	v16 =	vadd.f32 $-1.000000010e-01, v17;
	v18 =	vmul.f32 v9, v15  }
0x12b: {  	v17 =	vmul.f32 v10, v17;
	v2 =	vadd.f32 v11, v2;
	v19 =	vmul.f32 v11, v12;
	v11 =	vld [tilespmem:s24+$0x40B0]  }
0x12c: {  	v3 =	vadd.f32 v12, v3;
	v12 =	vld [tilespmem:s24+$0xC0A0];
	v6 =	vadd.f32 v14, v6;
	v14 =	vmax.f32 v16, $0.0e+00  }
0x12d: {  	v15 =	vadd.f32 $-1.000000010e-01, v15;
	v2 =	vadd.f32 v10, v2;
	v16 =	vmul.f32 v10, v14;
	v10 =	vld [tilespmem:s24+$0xC090]  }
0x12e: {  	v13 =	vmax.f32 v13, $0.0e+00;
	v8 =	vadd.f32 v19, v8;
	v3 =	vadd.f32 v14, v3;
	v14 =	vld [tilespmem:s24+$0xC080]  }
0x12f: {  	v15 =	vmax.f32 v15, $0.0e+00;
	v6 =	vadd.f32 v17, v6;
	v2 =	vadd.f32 v9, v2;
	v17 =	vld [tilespmem:s24+$0x4080]  }
0x130: {  	v8 =	vadd.f32 v16, v8;
	v16 =	vmul.f32 v9, v15;
	v3 =	vadd.f32 v15, v3;
	v15 =	vld [tilespmem:s24+$0x4090]  }
0x131: {  	v9 =	vadd.f32 v18, v6;
	v6 =	vadd.f32 v7, v2;
	v18 =	vld [tilespmem:s24+$0x40A0];
	v12 =	vcvt.s32.f32 v12  }
0x132: {  	v8 =	vadd.f32 v16, v8;
	v16 =	vmul.f32 v7, v13;
	v3 =	vadd.f32 v13, v3  }
0x133: {  	v7 =	vcvt.s32.f32 v20;
	v4 =	vadd.f32 v4, v9;
	v9 =	vadd.f32 $-1.000000010e-01, v11  }
0x134: {  	s24 =	simm.s32 $0x100;
	v13 =	vcvt.s32.f32 v14;
	v2 =	vadd.f32 v16, v8;
	v8 =	vadd.f32 $-1.000000010e-01, v17  }
0x135: {  	s0 =	sand.u32 $0x3E00, s24;
	v16 =	vcvt.s32.f32 v10;
	v10 =	vmul.f32 v7, v11;
	v19 =	vadd.f32 $-1.000000010e-01, v15  }
0x136: {  	s25 =	sor.u32 s25, s0;
	v17 =	vmul.f32 v13, v17;
	v20 =	vmax.f32 v8, $0.0e+00;
	v14 =	vmul.f32 v12, v18  }
0x137: {  	v11 =	vld [tilespmem:s25+$0xC0B0];
	v24 =	vadd.f32 v13, v5;
	v22 =	vmul.f32 v16, v15;
	v21 =	vmul.f32 v13, v20  }
0x138: {  	v23 =	vadd.f32 $-1.000000010e-01, v18;
	v8 =	vld [tilespmem:s25+$0x40B0];
	v25 =	vadd.f32 v17, v5;
	v15 =	vmax.f32 v19, $0.0e+00  }
0x139: {  	v13 =	vld [tilespmem:s25+$0xC0A0];
	v17 =	vadd.f32 v20, v5;
	v19 =	vmul.f32 v16, v15;
	v18 =	vadd.f32 v21, v5  }
0x13a: {  	s26 =	simm.s32 $0x80;
	v20 =	vadd.f32 v16, v24;
	v16 =	vmax.f32 v23, $0.0e+00;
	v5 =	vld [tilespmem:s25+$0xC090];
	v21 =	vadd.f32 v22, v25  }
.LBB2_19:
0x13b: {  	p1 =	sne.s32 s26, $0xFC0;
	v22 =	vld [tilespmem:s25+$0xC080];
	v15 =	vadd.f32 v15, v17;
	v17 =	vadd.f32 v19, v18;
	v18 =	vmul.f32 v12, v16  }
0x13c: {  	v9 =	vmax.f32 v9, $0.0e+00;
	v19 =	vld [tilespmem:s25+$0x4080];
	v12 =	vadd.f32 v12, v20;
	v14 =	vadd.f32 v14, v21  }
0x13d: {  	v20 =	vld [tilespmem:s25+$0x4090];
	v15 =	vadd.f32 v16, v15;
	v16 =	vadd.f32 v18, v17;
	v17 =	vmul.f32 v7, v9  }
0x13e: {  	v18 =	vld [tilespmem:s25+$0x40A0];
	v21 =	vadd.f32 v7, v12;
	v23 =	vadd.f32 v10, v14  }
0x13f: {  	v24 =	vadd.f32 v9, v15;
	v16 =	vadd.f32 v17, v16  }
0x140: {  	v7 =	vcvt.s32.f32 v11;
	v9 =	vadd.f32 $-1.000000010e-01, v8  }
0x141: {  	s24 =	sadd.s32 $0x100, s24;
	v12 =	vcvt.s32.f32 v13;
	v15 =	vcvt.s32.f32 v22;
	v11 =	vadd.f32 $-1.000000010e-01, v19  }
0x142: {  	s0 =	sand.u32 $0x40, s26;
	s2 =	sand.u32 $0x3E00, s24;
	v22 =	vcvt.s32.f32 v5;
	v10 =	vmul.f32 v7, v8;
	v5 =	vadd.f32 $-1.000000010e-01, v20  }
.Ltmp11:
0x143: {  	s25 =	sor.u32 s0, s2;
	v13 =	vmul.f32 v15, v19;
	v17 =	vmax.f32 v11, $0.0e+00;
	v14 =	vmul.f32 v12, v18;
	(pc) =	sbr.rel @p1 .LBB2_19-.Ltmp11, $4  }
0x144: {  	v25 =	vmul.f32 v22, v20;
	v26 =	vadd.f32 $-1.000000010e-01, v18;
	v11 =	vld [tilespmem:s25+$0xC0B0];
	v19 =	vmul.f32 v15, v17  }
0x145: {  	v20 =	vadd.f32 v15, v21;
	v21 =	vadd.f32 v13, v23;
	v15 =	vmax.f32 v5, $0.0e+00;
	v8 =	vld [tilespmem:s25+$0x40B0]  }
0x146: {  	v17 =	vadd.f32 v17, v24;
	v13 =	vld [tilespmem:s25+$0xC0A0];
	v18 =	vadd.f32 v19, v16;
	v19 =	vmul.f32 v22, v15  }
0x147: {  	s26 =	sadd.s32 $0x40, s26;
	v20 =	vadd.f32 v22, v20;
	v21 =	vadd.f32 v25, v21;
	v16 =	vmax.f32 v26, $0.0e+00;
	v5 =	vld [tilespmem:s25+$0xC090]  }
0x148: {  	v22 =	vld [tilespmem:s25+$0xC080]  }
0x149: {  	v15 =	vadd.f32 v15, v17;
	v17 =	vadd.f32 v19, v18;
	v18 =	vmul.f32 v12, v16;
	v19 =	vld [tilespmem:s25+$0x4080]  }
0x14a: {  	v9 =	vmax.f32 v9, $0.0e+00;
	v12 =	vadd.f32 v12, v20;
	v14 =	vadd.f32 v14, v21;
	v20 =	vld [tilespmem:s25+$0x4090]  }
0x14b: {  	p1 =	por $0x0, $0x0;
	s0 =	simm.s32 $0x1;
	v11 =	vcvt.s32.f32 v11;
	v15 =	vadd.f32 v16, v15;
	v16 =	vadd.f32 v18, v17;
	v18 =	vld [tilespmem:s25+$0x40A0]  }
0x14c: {  	s0 =	simm.s32 @!p1 $0x0;
	v17 =	vmul.f32 v7, v9;
	v7 =	vadd.f32 v7, v12;
	v10 =	vadd.f32 v10, v14  }
0x14d: {  	s0 =	sshll.u32 s0, $0x6;
	v13 =	vcvt.s32.f32 v13;
	v9 =	vadd.f32 v9, v15;
	v5 =	vcvt.s32.f32 v5  }
0x14e: {  	s24 =	sadd.s32 $0x0, s0;
	v12 =	vadd.f32 v17, v16;
	v15 =	vcvt.s32.f32 v22;
	v16 =	vadd.f32 $-1.000000010e-01, v19  }
0x14f: {  	v14 =	vadd.f32 $-1.000000010e-01, v8;
	s0 =	sor.u32 $0x4130, s24;
	v17 =	vadd.f32 $-1.000000010e-01, v20;
	v20 =	vmul.f32 v5, v20  }
0x150: {  	v22 =	vld [tilespmem:s0+$0x8000];
	v19 =	vmul.f32 v15, v19;
	v16 =	vmax.f32 v16, $0.0e+00;
	v21 =	vmul.f32 v13, v18  }
0x151: {  	s31 =	sor.u32 $0x4110, s24;
	v24 =	vld [tilespmem:s0+$0x0];
	v18 =	vadd.f32 $-1.000000010e-01, v18;
	v7 =	vadd.f32 v15, v7;
	v23 =	vmul.f32 v15, v16  }
0x152: {  	s2 =	sor.u32 $0x4120, s24;
	v25 =	vld [tilespmem:s31+$0x0];
	v15 =	vmax.f32 v17, $0.0e+00;
	v9 =	vadd.f32 v16, v9;
	v10 =	vadd.f32 v19, v10  }
0x153: {  	s4 =	sor.u32 $0x4100, s24;
	v17 =	vld [tilespmem:s2+$0x8000];
	v16 =	vmul.f32 v5, v15;
	v5 =	vadd.f32 v5, v7;
	v12 =	vadd.f32 v23, v12  }
0x154: {  	v9 =	vadd.f32 v15, v9;
	v7 =	vadd.f32 v20, v10;
	v10 =	vmax.f32 v18, $0.0e+00;
	v18 =	vld [tilespmem:s4+$0x8000]  }
0x155: {  	v8 =	vmul.f32 v11, v8;
	v20 =	vld [tilespmem:s4+$0x0];
	v5 =	vadd.f32 v13, v5;
	v12 =	vadd.f32 v16, v12  }
0x156: {  	v19 =	vld [tilespmem:s31+$0x8000];
	v15 =	vmul.f32 v13, v10;
	v13 =	vmax.f32 v14, $0.0e+00;
	v14 =	vadd.f32 v10, v9  }
0x157: {  	v10 =	vimm.f32 $0.0e+00;
	v7 =	vadd.f32 v21, v7;
	v9 =	vadd.f32 v11, v5  }
0x158: {  	v21 =	vld [tilespmem:s2+$0x0];
	v16 =	vcvt.s32.f32 v17;
	v12 =	vadd.f32 v15, v12;
	v15 =	vmul.f32 v11, v13  }
0x159: {  	p2 =	por !p1, !p1;
	s0 =	simm.s32 $0x1;
	v11 =	vcvt.s32.f32 v22;
	v8 =	vadd.f32 v8, v7;
	v7 =	vadd.f32 v13, v14  }
0x15a: {  	s0 =	simm.s32 @!p2 $0x0;
	v5 =	vadd.f32 v15, v12;
	v12 =	vcvt.s32.f32 v18;
	v15 =	vadd.f32 $-1.000000010e-01, v20  }
0x15b: {  	s0 =	sshll.u32 s0, $0x6;
	v13 =	vadd.f32 $-1.000000010e-01, v24;
	v18 =	vcvt.s32.f32 v19;
	v19 =	vadd.f32 $-1.000000010e-01, v25  }
0x15c: {  	s29 =	sadd.s32 $0x100, s0;
	v14 =	vmul.f32 v11, v24;
	v20 =	vmul.f32 v12, v20;
	v23 =	vmax.f32 v15, $0.0e+00  }
0x15d: {  	s0 =	sor.u32 $0x4130, s29;
	v17 =	vmul.f32 v16, v21;
	v21 =	vadd.f32 $-1.000000010e-01, v21;
	v22 =	vmul.f32 v18, v25  }
0x15e: {  	v15 =	vld [tilespmem:s0+$0x8000];
	v26 =	vadd.f32 v12, v10;
	v25 =	vmax.f32 v19, $0.0e+00;
	v24 =	vmul.f32 v12, v23  }
0x15f: {  	s26 =	simm.s32 $0x80;
	s25 =	simm.s32 $0x100;
	s28 =	sor.u32 $0x4120, s29;
	v19 =	vimm.f32 $0.0e+00;
	v12 =	vld [tilespmem:s0+$0x0];
	v27 =	vadd.f32 v20, v10;
	v20 =	vimm.f32 $0.0e+00  }
.LBB2_21:
0x160: {  	p3 =	sne.s32 s26, $0xFC0;
	s0 =	sor.u32 $0x4110, s29;
	v28 =	vld [tilespmem:s28+$0x8000];
	v19 =	vadd.f32 v23, v19;
	v20 =	vadd.f32 v24, v20;
	v23 =	vmul.f32 v18, v25  }
0x161: {  	s2 =	sor.u32 $0x4100, s29;
	v21 =	vmax.f32 v21, $0.0e+00;
	v24 =	vld [tilespmem:s0+$0x8000];
	v18 =	vadd.f32 v18, v26;
	v22 =	vadd.f32 v22, v27  }
0x162: {  	v26 =	vld [tilespmem:s2+$0x8000];
	v19 =	vadd.f32 v25, v19;
	v20 =	vadd.f32 v23, v20;
	v23 =	vmul.f32 v16, v21  }
0x163: {  	v13 =	vmax.f32 v13, $0.0e+00;
	v25 =	vld [tilespmem:s2+$0x0];
	v16 =	vadd.f32 v16, v18;
	v17 =	vadd.f32 v17, v22  }
0x164: {  	v22 =	vld [tilespmem:s0+$0x0];
	v18 =	vadd.f32 v21, v19;
	v20 =	vadd.f32 v23, v20;
	v21 =	vmul.f32 v11, v13  }
0x165: {  	v27 =	vld [tilespmem:s28+$0x0];
	v29 =	vadd.f32 v11, v16;
	v30 =	vadd.f32 v14, v17  }
0x166: {  	p2 =	por !p2, !p2;
	s0 =	simm.s32 $0x1;
	v19 =	vadd.f32 v13, v18;
	v20 =	vadd.f32 v21, v20  }
0x167: {  	s0 =	simm.s32 @!p2 $0x0;
	v11 =	vcvt.s32.f32 v15;
	v13 =	vadd.f32 $-1.000000010e-01, v12  }
.Ltmp12:
0x168: {  	s25 =	sadd.s32 $0x100, s25;
	v16 =	vcvt.s32.f32 v28;
	s0 =	sshll.u32 s0, $0x6;
	v26 =	vcvt.s32.f32 v26;
	v15 =	vadd.f32 $-1.000000010e-01, v25;
	(pc) =	sbr.rel @p3 .LBB2_21-.Ltmp12, $4  }
0x169: {  	v18 =	vcvt.s32.f32 v24;
	s29 =	sadd.s32 s0, s25;
	v14 =	vmul.f32 v11, v12;
	v28 =	vadd.f32 $-1.000000010e-01, v22  }
0x16a: {  	s0 =	sor.u32 $0x4130, s29;
	v25 =	vmul.f32 v26, v25;
	v23 =	vmax.f32 v15, $0.0e+00;
	v17 =	vmul.f32 v16, v27  }
0x16b: {  	v22 =	vmul.f32 v18, v22;
	v21 =	vadd.f32 $-1.000000010e-01, v27;
	v15 =	vld [tilespmem:s0+$0x8000];
	v24 =	vmul.f32 v26, v23  }
0x16c: {  	s26 =	sadd.s32 $0x40, s26;
	s28 =	sor.u32 $0x4120, s29;
	v26 =	vadd.f32 v26, v29;
	v27 =	vadd.f32 v25, v30;
	v25 =	vmax.f32 v28, $0.0e+00;
	v12 =	vld [tilespmem:s0+$0x0]  }
0x16d: {  	s0 =	sor.u32 $0x4110, s29;
	v28 =	vld [tilespmem:s28+$0x8000]  }
0x16e: {  	v19 =	vadd.f32 v23, v19;
	v20 =	vadd.f32 v24, v20;
	v23 =	vmul.f32 v18, v25;
	s2 =	sor.u32 $0x4100, s29;
	v24 =	vld [tilespmem:s0+$0x8000]  }
0x16f: {  	v21 =	vmax.f32 v21, $0.0e+00;
	v18 =	vadd.f32 v18, v26;
	v22 =	vadd.f32 v22, v27;
	v26 =	vld [tilespmem:s2+$0x8000]  }
0x170: {  	v19 =	vadd.f32 v25, v19;
	v20 =	vadd.f32 v23, v20;
	v23 =	vmul.f32 v16, v21;
	v25 =	vld [tilespmem:s2+$0x0]  }
0x171: {  	v16 =	vadd.f32 v16, v18;
	v17 =	vadd.f32 v17, v22;
	v18 =	vld [tilespmem:s0+$0x0]  }
0x172: {  	v13 =	vmax.f32 v13, $0.0e+00;
	v22 =	vld [tilespmem:s28+$0x0];
	v19 =	vadd.f32 v21, v19;
	v20 =	vadd.f32 v23, v20  }
0x173: {  	v21 =	vmul.f32 v11, v13;
	v11 =	vadd.f32 v11, v16;
	v14 =	vadd.f32 v14, v17  }
0x174: {  	v15 =	vcvt.s32.f32 v15;
	v17 =	vadd.f32 $-1.000000010e-01, v12;
	v13 =	vadd.f32 v13, v19  }
0x175: {  	v16 =	vadd.f32 v21, v20;
	v19 =	vcvt.s32.f32 v26;
	v21 =	vcvt.s32.f32 v28  }
0x176: {  	v12 =	vmul.f32 v15, v12;
	v23 =	vcvt.s32.f32 v24;
	v20 =	vadd.f32 $-1.000000010e-01, v25  }
0x177: {  	s4 =	sor.u32 $0x4190, s24;
	v24 =	vadd.f32 $-1.000000010e-01, v18;
	v25 =	vmul.f32 v19, v25;
	v26 =	vmul.f32 v21, v22  }
0x178: {  	s29 =	sor.u32 $0x41B0, s24;
	v29 =	vld [tilespmem:s4+$0x0];
	v18 =	vmul.f32 v23, v18;
	v11 =	vadd.f32 v19, v11;
	v20 =	vmax.f32 v20, $0.0e+00  }
0x179: {  	s30 =	sor.u32 $0x41A0, s24;
	v28 =	vld [tilespmem:s29+$0x8000];
	v22 =	vadd.f32 $-1.000000010e-01, v22;
	v27 =	vmul.f32 v19, v20;
	v14 =	vadd.f32 v25, v14  }
0x17a: {  	s31 =	sor.u32 $0x4180, s24;
	v19 =	vmax.f32 v24, $0.0e+00;
	v13 =	vadd.f32 v20, v13;
	v25 =	vld [tilespmem:s30+$0x8000];
	v11 =	vadd.f32 v23, v11  }
0x17b: {  	v20 =	vmul.f32 v23, v19;
	v23 =	vld [tilespmem:s31+$0x0];
	v16 =	vadd.f32 v27, v16;
	v14 =	vadd.f32 v18, v14  }
0x17c: {  	v18 =	vmax.f32 v22, $0.0e+00;
	v22 =	vld [tilespmem:s31+$0x8000];
	v13 =	vadd.f32 v19, v13;
	v11 =	vadd.f32 v21, v11  }
0x17d: {  	v19 =	vmul.f32 v21, v18;
	v21 =	vld [tilespmem:s4+$0x8000];
	v16 =	vadd.f32 v20, v16;
	v20 =	vadd.f32 v26, v14  }
0x17e: {  	v17 =	vmax.f32 v17, $0.0e+00;
	v24 =	vld [tilespmem:s29+$0x0];
	v18 =	vadd.f32 v18, v13;
	v14 =	vadd.f32 v15, v11  }
0x17f: {  	v16 =	vadd.f32 v19, v16;
	v19 =	vmul.f32 v15, v17;
	v13 =	vadd.f32 v12, v20  }
0x180: {  	p1 =	por !p1, !p1;
	s0 =	simm.s32 $0x1;
	v15 =	vld [tilespmem:s30+$0x0];
	v12 =	vadd.f32 v17, v18;
	v17 =	vadd.f32 $-1.000000010e-01, v23  }
0x181: {  	s0 =	simm.s32 @!p1 $0x0;
	v11 =	vadd.f32 v19, v16;
	v16 =	vcvt.s32.f32 v28;
	v28 =	vcvt.s32.f32 v22  }
0x182: {  	s0 =	sshll.u32 s0, $0x6;
	v31 =	vadd.f32 $-1.000000010e-01, v29;
	v20 =	vcvt.s32.f32 v25;
	v22 =	vcvt.s32.f32 v21  }
0x183: {  	s28 =	sadd.s32 $0x100, s0;
	v26 =	vmax.f32 v17, $0.0e+00;
	v18 =	vmul.f32 v16, v24;
	v23 =	vmul.f32 v28, v23  }
0x184: {  	s0 =	sor.u32 $0x41B0, s28;
	v19 =	vadd.f32 $-1.000000010e-01, v24;
	v27 =	vmul.f32 v28, v26;
	v25 =	vmul.f32 v22, v29  }
0x185: {  	v17 =	vld [tilespmem:s0+$0x8000];
	v29 =	vadd.f32 v28, v10;
	v28 =	vmax.f32 v31, $0.0e+00;
	v21 =	vmul.f32 v20, v15  }
0x186: {  	s24 =	simm.s32 $0x100;
	s25 =	simm.s32 $0x80;
	s26 =	sor.u32 $0x41A0, s28;
	v24 =	vadd.f32 $-1.000000010e-01, v15;
	v15 =	vld [tilespmem:s0+$0x0];
	v30 =	vadd.f32 v23, v10;
	v23 =	vimm.f32 $0.0e+00  }
.LBB2_23:
0x187: {  	p2 =	sne.s32 s25, $0xFC0;
	s0 =	sor.u32 $0x4190, s28;
	v31 =	vld [tilespmem:s26+$0x8000];
	v10 =	vadd.f32 v26, v10;
	v23 =	vadd.f32 v27, v23;
	v26 =	vmul.f32 v22, v28  }
0x188: {  	s2 =	sor.u32 $0x4180, s28;
	v24 =	vmax.f32 v24, $0.0e+00;
	v27 =	vld [tilespmem:s0+$0x8000];
	v22 =	vadd.f32 v22, v29;
	v25 =	vadd.f32 v25, v30  }
0x189: {  	v29 =	vld [tilespmem:s2+$0x8000];
	v10 =	vadd.f32 v28, v10;
	v23 =	vadd.f32 v26, v23;
	v26 =	vmul.f32 v20, v24  }
0x18a: {  	v19 =	vmax.f32 v19, $0.0e+00;
	v28 =	vld [tilespmem:s2+$0x0];
	v20 =	vadd.f32 v20, v22;
	v21 =	vadd.f32 v21, v25  }
0x18b: {  	v25 =	vld [tilespmem:s0+$0x0];
	v10 =	vadd.f32 v24, v10;
	v22 =	vadd.f32 v26, v23;
	v23 =	vmul.f32 v16, v19  }
0x18c: {  	v24 =	vld [tilespmem:s26+$0x0];
	v30 =	vadd.f32 v16, v20;
	v32 =	vadd.f32 v18, v21  }
0x18d: {  	p1 =	por !p1, !p1;
	s0 =	simm.s32 $0x1;
	v10 =	vadd.f32 v19, v10;
	v23 =	vadd.f32 v23, v22  }
0x18e: {  	s0 =	simm.s32 @!p1 $0x0;
	v16 =	vcvt.s32.f32 v17;
	v19 =	vadd.f32 $-1.000000010e-01, v15  }
.Ltmp13:
0x18f: {  	s24 =	sadd.s32 $0x100, s24;
	v20 =	vcvt.s32.f32 v31;
	s0 =	sshll.u32 s0, $0x6;
	v29 =	vcvt.s32.f32 v29;
	v17 =	vadd.f32 $-1.000000010e-01, v28;
	(pc) =	sbr.rel @p2 .LBB2_23-.Ltmp13, $4  }
0x190: {  	v22 =	vcvt.s32.f32 v27;
	s28 =	sadd.s32 s0, s24;
	v18 =	vmul.f32 v16, v15;
	v31 =	vadd.f32 $-1.000000010e-01, v25  }
0x191: {  	s0 =	sor.u32 $0x41B0, s28;
	v28 =	vmul.f32 v29, v28;
	v26 =	vmax.f32 v17, $0.0e+00;
	v21 =	vmul.f32 v20, v24  }
0x192: {  	v25 =	vmul.f32 v22, v25;
	v24 =	vadd.f32 $-1.000000010e-01, v24;
	v17 =	vld [tilespmem:s0+$0x8000];
	v27 =	vmul.f32 v29, v26  }
0x193: {  	s25 =	sadd.s32 $0x40, s25;
	s26 =	sor.u32 $0x41A0, s28;
	v29 =	vadd.f32 v29, v30;
	v30 =	vadd.f32 v28, v32;
	v28 =	vmax.f32 v31, $0.0e+00;
	v15 =	vld [tilespmem:s0+$0x0]  }
0x194: {  	s0 =	sor.u32 $0x4180, s28  }
0x195: {  	v31 =	vld [tilespmem:s0+$0x8000]  }
0x196: {  	s2 =	sor.u32 $0x4190, s28;
	v55 =	vadd.f32 v22, v29  }
0x197: {  	v10 =	vadd.f32 v26, v10;
	v23 =	vadd.f32 v27, v23;
	v56 =	vmul.f32 v22, v28;
	v57 =	vld [tilespmem:s2+$0x8000]  }
0x198: {  	v58 =	vld [tilespmem:s26+$0x8000];
	v24 =	vmax.f32 v24, $0.0e+00;
	(xrf2) =	vadd.scan.msk.f32 $0xffff, v6;
	v25 =	vadd.f32 v25, v30;
	v26 =	vadd.f32 v20, v55  }
0x199: {  	v60 =	vmul.f32 v20, v24;
	v61 =	vld [tilespmem:s0+$0x0];
	(xrf2) =	vadd.scan.msk.f32 $0xffff, v4;
	v10 =	vadd.f32 v28, v10;
	v59 =	vadd.f32 v56, v23  }
0x19a: {  	(xrf2) =	vadd.scan.msk.f32 $0xffff, v3;
	v3 =	vld [tilespmem:s2+$0x0];
	v21 =	vadd.f32 v21, v25;
	v63 =	vadd.f32 v16, v26;
	v25 =	vcvt.s32.f32 v31  }
0x19b: {  	v62 =	vmax.f32 v19, $0.0e+00;
	(xrf2) =	vadd.scan.msk.f32 $0xffff, v2;
	v10 =	vadd.f32 v24, v10;
	v6 =	vadd.f32 v60, v59  }
0x19c: {  	v2 =	vld [tilespmem:s26+$0x0];
	(xrf2) =	vadd.scan.msk.f32 $0xffff, v9;
	v33 =	vadd.f32 $-1.000000010e-01, v15;
	v27 =	vcvt.s32.f32 v57;
	v19 =	vadd.f32 v25, v63  }
0x19d: {  	v26 =	vmul.f32 v16, v62;
	v18 =	vadd.f32 v18, v21;
	(xrf2) =	vadd.scan.msk.f32 $0xffff, v8;
	v4 =	vadd.f32 v62, v10  }
0x19e: {  	v30 =	vcvt.s32.f32 v58;
	v28 =	vadd.f32 $-1.000000010e-01, v61;
	(xrf2) =	vadd.scan.msk.f32 $0xffff, v7;
	v31 =	vadd.f32 v27, v19  }
0x19f: {  	v32 =	vcvt.s32.f32 v17;
	v6 =	vadd.f32 v26, v6;
	(xrf2) =	vadd.scan.msk.f32 $0xffff, v5;
	v35 =	vadd.f32 $-1.000000010e-01, v3  }
0x1a0: {  	v34 =	vmul.f32 v25, v61;
	v8 =	vmax.f32 v28, $0.0e+00;
	(xrf2) =	vadd.scan.msk.f32 $0xffff, v14;
	v10 =	vadd.f32 v30, v31  }
0x1a1: {  	v37 =	vadd.f32 $-1.000000010e-01, v2;
	v36 =	vmul.f32 v25, v8;
	(xrf2) =	vadd.scan.msk.f32 $0xffff, v13;
	v4 =	vadd.f32 v8, v4  }
0x1a2: {  	v3 =	vmul.f32 v27, v3;
	v17 =	vadd.f32 v34, v18;
	v39, _, _ =	vpop (xrf2);
	(xrf2) =	vadd.scan.msk.f32 $0xffff, v12;
	v38 =	vadd.f32 v32, v10  }
0x1a3: {  	v5 =	vmax.f32 v35, $0.0e+00;
	v6 =	vadd.f32 v36, v6;
	(v2sf) =	vpush v39, $0xF;
	v40, _, _ =	vpop (xrf2);
	(xrf2) =	vadd.scan.msk.f32 $0xffff, v11  }
0x1a4: {  	v41 =	vmul.f32 v27, v5;
	v3 =	vadd.f32 v3, v17;
	(v2sf) =	vpush v40, $0xF;
	v42, _, _ =	vpop (xrf2);
	(xrf2) =	vadd.scan.msk.f32 $0xffff, v38  }
0x1a5: {  	v2 =	vmul.f32 v30, v2;
	v4 =	vadd.f32 v5, v4;
	v43, _, _ =	vpop (xrf2);
	(v2sf) =	vpush v42, $0xF  }
0x1a6: {  	v47 =	vmul.f32 v32, v15;
	v6 =	vadd.f32 v41, v6;
	v44, _, _ =	vpop (xrf2);
	(v2sf) =	vpush v43, $0xF  }
0x1a7: {  	v45 =	vmax.f32 v37, $0.0e+00;
	v2 =	vadd.f32 v2, v3;
	v46, _, _ =	vpop (xrf2);
	(v2sf) =	vpush v44, $0xF  }
0x1a8: {  	v9 =	vmul.f32 v30, v45;
	v4 =	vadd.f32 v45, v4;
	v3, _, _ =	vpop (xrf2);
	(v2sf) =	vpush v46, $0xF  }
0x1a9: {  	v49 =	vmax.f32 v33, $0.0e+00;
	v2 =	vadd.f32 v47, v2;
	v48, _, _ =	vpop (xrf2);
	(v2sf) =	vpush v3, $0xF  }
0x1aa: {  	v7 =	vmul.f32 v32, v49;
	v6 =	vadd.f32 v9, v6;
	v3, _, _ =	vpop (xrf2);
	(v2sf) =	vpush v48, $0xF  }
0x1ab: {  	v4 =	vadd.f32 v49, v4;
	v50, _, _ =	vpop (xrf2);
	(v2sf) =	vpush v3, $0xF  }
0x1ac: {  	v6 =	vadd.f32 v7, v6;
	(v2sf) =	vpush v50, $0xF;
	v51, _, _ =	vpop (xrf2);
	(xrf2) =	vadd.scan.msk.f32 $0xffff, v2  }
0x1ad: {  	(v2sf) =	vpush v51, $0xF;
	v2, _, _ =	vpop (xrf2);
	(xrf2) =	vadd.scan.msk.f32 $0xffff, v4  }
0x1ae: {  	(v2sf) =	vpush v2, $0xF;
	v2, _, _ =	vpop (xrf2);
	(xrf2) =	vadd.scan.msk.f32 $0xffff, v6  }
0x1af: {  	(v2sf) =	vpush v2, $0xF;
	_ =	sdelay $0x2  }
0x1b0: {  	s2 =	spop (v2sf)  }
0x1b1: {  	s26 =	spop (v2sf)  }
0x1b2: {  	s4 =	spop (v2sf)  }
0x1b3: {  	s5 =	spop (v2sf)  }
0x1b4: {  	v52, _, _ =	vpop (xrf2);
	s6 =	spop (v2sf)  }
0x1b5: {  	v53, _, _ =	vpop (xrf2);
	s7 =	spop (v2sf);
	(v2sf) =	vpush v52, $0xF  }
0x1b6: {  	s8 =	spop (v2sf);
	(v2sf) =	vpush v53, $0xF;
	v54, _, _ =	vpop (xrf2)  }
0x1b7: {  	v55 =	vbroadcast v39, $0xF;
	s10 =	ssub.f32 $4.096000000e+03, s2;
	s11 =	spop (v2sf);
	(v2sf) =	vpush v54, $0xF  }
0x1b8: {  	s14 =	spop (v2sf)  }
0x1b9: {  	v5 =	vbroadcast v44, $0xF;
	v56 =	vnsel vm1, s10, v55;
	s28 =	ssub.f32 $4.096000000e+03, s6;
	s19 =	spop (v2sf)  }
0x1ba: {  	(erf) = vrcp.f32 v56;
	s24 =	spop (v2sf)  }
0x1bb: {  	v3 =	vbroadcast v3, $0xF;
	v57 =	vnsel vm1, s28, v5;
	s29 =	ssub.f32 $4.096000000e+03, s14;
	s25 =	spop (v2sf)  }
0x1bc: {  	(erf) = vrcp.f32 v57;
	s30 =	spop (v2sf)  }
0x1bd: {  	v2 =	vbroadcast v2, $0xF;
	v3 =	vnsel vm1, s29, v3;
	s31 =	ssub.f32 $4.096000000e+03, s30  }
0x1be: {  	(erf) = vrcp.f32 v3  }
0x1bf: {  	v2 =	vnsel vm1, s31, v2  }
0x1c0: {  	s0 =	ssub.f32 s2, s26;
	(erf) = vrcp.f32 v2  }
0x1c1: {  	s5 =	ssub.f32 s4, s5  }
0x1c2: {  	s10 =	ssub.f32 s6, s7;
	v2 =	vmov s0  }
0x1c3: {  	s11 =	ssub.f32 s8, s11;
	v3 =	vpop (erf);
	v2 =	vsel vm0, s5, v2  }
0x1c4: {  	v58 =	vmov s10;
	s14 =	ssub.f32 s14, s19;
	s19 =	spop (v2sf);
	v2 =	vmul.f32 v3, v2  }
0x1c5: {  	s25 =	ssub.f32 s24, s25;
	v59 =	vpop (erf);
	s28 =	spop (v2sf);
	v3 =	vsel vm0, s11, v58  }
0x1c6: {  	v60 =	vmov s14;
	s29 =	ssub.f32 s30, s19;
	v3 =	vmul.f32 v59, v3;
	v2 =	vnsel vm2, $0x0, v2;
	s30 =	spop (v2sf)  }
0x1c7: {  	v61 =	vpop (erf);
	v1 =	vadd.f32 v2, v1;
	v2 =	vsel vm0, s25, v60;
	s31 =	ssub.f32 s28, s30  }
0x1c8: {  	v62 =	vmov s29;
	v3 =	vnsel vm2, $0x0, v3;
	v2 =	vmul.f32 v61, v2  }
0x1c9: {  	v1 =	vadd.f32 v3, v1;
	v3 =	vsel vm0, s31, v62;
	v63 =	vpop (erf)  }
.Ltmp14:
0x1ca: {  	v2 =	vnsel vm2, $0x0, v2;
	v3 =	vmul.f32 v63, v3;
	(pc) =	sbr.rel @p0 .LBB2_26-.Ltmp14, $3  }
0x1cb: {  	v1 =	vadd.f32 v2, v1  }
0x1cc: {  	v2 =	vnsel vm2, $0x0, v3  }
0x1cd: {  	v1 =	vadd.f32 v2, v1;
	_ =	sdelay $0x1  }
0x1ce: {  	s0 =	sadd.s32 s23, s9  }
.Ltmp15:
0x1cf: {  	s0 =	sor.u32 $0x40, s0;
	(pc) =	sbr.rel .LBB2_2-.Ltmp15, $4  }
0x1d0: {  	s2 =	sadd.s32 s1, s0  }
0x1d1: {  	[tilespmem:s15], [sflag:$0x2] =	stream.strided.gather [hbm4b:s2+s12], $0x4000, s13, s12, $0x38;
	[tilespmem:$0x10080] =	vst v63  }
0x1d2: {  	s22 =	sadd.s32 $0x1, s22;
	s0 =	sadd.s32 s3, s0  }
0x1d3: {  	[tilespmem:s16], [sflag:$0x2] =	stream.strided.gather [hbm4b:s0+s12], $0x4000, s13, s12, $0x38;
	[tilespmem:$0x10080] =	vst v63  }
.LBB2_7:
.Ltmp16:
0x1d4: {  	(pc) =	sbr.rel .LBB2_11-.Ltmp16, $2  }
0x1d5: {  	_ =	sdelay $0x2  }
0x1d6: {  	s25 =	smov.u32 s23;
	v19 =	vimm.f32 $0.0e+00;
	v20 =	vimm.f32 $0.0e+00;
	p2 =	por $0x0, $0x0  }
.LBB2_12:
.Ltmp17:
0x1d7: {  	(pc) =	sbr.rel .LBB2_16-.Ltmp17, $2  }
0x1d8: {  	_ =	sdelay $0x2  }
0x1d9: {  	v23 =	vimm.f32 $0.0e+00;
	v24 =	vimm.f32 $0.0e+00  }
.LBB2_9:
.Ltmp18:
0x1da: {  	(pc) =	sbr.rel .LBB2_11-.Ltmp18, $2  }
0x1db: {  	_ =	sdelay $0x2  }
0x1dc: {  	v19 =	vimm.f32 $0.0e+00;
	v20 =	vimm.f32 $0.0e+00  }
.LBB2_14:
.Ltmp19:
0x1dd: {  	(pc) =	sbr.rel .LBB2_16-.Ltmp19, $2  }
0x1de: {  	_ =	sdelay $0x2  }
0x1df: {  	v23 =	vimm.f32 $0.0e+00;
	v24 =	vimm.f32 $0.0e+00  }
.LBB2_27:
0x1e0: {  	_ =	sfence.sel $0x180000  }
0x1e1: {  	[bflag:$0x0] =	sbarrier.arrive $0xFFFF  }
0x1e2: {  	_ =	strace $0x90000047  }
0x1e3: {  	s0 =	stileid.u32;
	[bflag:$0x2] =	sbarrier.arrive $0xFFFF  }
0x1e4: {  	p0 =	sne.s32 s0, $0x0;
	s0 =	rddreg [dreg:$0x3]  }
0x1e5: {  	s0 =	sadd.s32 @!p0 $0x100000, s0  }
0x1e6: {  	[sflag:s0] =	ssyncadd.tile.s32 @!p0 $0x1;
	_ =	shalt  }
.Lfunc_end2:
_tile_overlayer_lowered:
.L_overlay_start_2:
0x1e7: {  	(tag) =	ssettag $0x2  }
0x1e8: {  	s0 =	rddreg [dreg:$0x0];
	s2 =	stileid.u32  }
0x1e9: {  	s1 =	rddreg [dreg:$0x1];
	p0 =	sne.s32 s2, $0x0  }
0x1ea: {  	s3 =	rddreg [dreg:$0x2];
	[bflag:$0x3] =	sbarrier.arrive $0xFFFF;
	s2 =	simm.s32 @!p0 $0x1C03  }
0x1eb: {  	[timem:s3], [sflag:s2] =	dma.local @!p0 [hbm:s0], s1  }
0x1ec: {  	s0 =	simm.s32 @!p0 $0x3  }
0x1ed: {  	_ =	swait.ge @!p0 [sflag:s0], s1  }
0x1ee: {  	s1 =	ssub.s32 @!p0 $0x0, s1;
	[sflag:s0] =	ssyncset.done @!p0 $0x0  }
0x1ef: {  	[sflag:s0] =	ssyncadd.s32 @!p0 s1  }
0x1f0: {  	[bflag:$0x3] =	sbarrier.arrive $0xFFFF  }
0x1f1: {  	_ =	shalt  }

</sc_bundles>
